<compile_context>
chip_gen: v7x
topology: tpu7x:2x2x1
jax: 0.10.2.dev20260603
libtpu: 0.0.44.dev20260713+nightly
codegen_flags: <defaults>
</compile_context>

<pallas_src>
import functools

import jax
import jax.numpy as jnp
from jax import lax
from jax.experimental import pallas as pl
from jax.experimental.pallas import tpu as pltpu
from jax.experimental.pallas import tpu_sc as plsc

EMBED_DIM = 64
CHUNK = 128
NBUF = 10

DOC_TOK = 4096 * 200
QRY_TOK = 4096 * 20

NW = 32
DOC_PER_W = DOC_TOK // NW
QRY_PER_W = QRY_TOK // NW
DOC_STEPS = DOC_PER_W // CHUNK
QRY_STEPS = QRY_PER_W // CHUNK
DOC_GROUPS = DOC_STEPS // NBUF
QRY_GROUPS = QRY_STEPS // NBUF


def _body(doc_idx, qry_idx, table, out_doc, out_qry,
          idx_d, idx_q, bufs, gsems):
    wid = lax.axis_index("s") * 2 + lax.axis_index("c")

    pltpu.sync_copy(doc_idx.at[pl.ds(wid * DOC_PER_W, DOC_PER_W)], idx_d)
    pltpu.sync_copy(qry_idx.at[pl.ds(wid * QRY_PER_W, QRY_PER_W)], idx_q)

    def run_phase(idx_ref, out_ref, base_tok, ngroups):
        def gather(c, b):
            pltpu.async_copy(
                table.at[idx_ref.at[pl.ds(c * CHUNK, CHUNK)]],
                bufs.at[b], gsems.at[b])

        def write(c, b):
            pltpu.sync_copy(
                bufs.at[b],
                out_ref.at[pl.ds(base_tok + c * CHUNK, CHUNK),
                           pl.ds(0, EMBED_DIM)])

        for b in range(NBUF):
            gather(b, b)

        def group_body(g, carry):
            base = g * NBUF
            for b in range(NBUF):
                pltpu.make_async_copy(
                    table.at[pl.ds(0, CHUNK)],
                    bufs.at[b], gsems.at[b]).wait()
                write(base + b, b)
            @pl.when(g < ngroups - 1)
            def _():
                for b in range(NBUF):
                    gather(base + NBUF + b, b)
            return carry

        lax.fori_loop(0, ngroups, group_body, 0)

    run_phase(idx_d, out_doc, wid * DOC_PER_W, DOC_GROUPS)
    run_phase(idx_q, out_qry, wid * QRY_PER_W, QRY_GROUPS)


@jax.jit
def _embed(doc_idx, qry_idx, table):
    mesh = plsc.VectorSubcoreMesh(core_axis_name="c", subcore_axis_name="s")
    run = functools.partial(
        pl.kernel,
        mesh=mesh,
        compiler_params=pltpu.CompilerParams(use_tc_tiling_on_sc=False,
                                             skip_device_barrier=True),
        out_type=[
            jax.ShapeDtypeStruct((DOC_TOK, 2 * EMBED_DIM), jnp.float32),
            jax.ShapeDtypeStruct((QRY_TOK, 2 * EMBED_DIM), jnp.float32),
        ],
        scratch_types=[
            pltpu.VMEM((DOC_PER_W,), jnp.int32),
            pltpu.VMEM((QRY_PER_W,), jnp.int32),
            pltpu.VMEM((NBUF, CHUNK, EMBED_DIM), jnp.float32),
            pltpu.SemaphoreType.DMA((NBUF,)),
        ],
    )(_body)
    return run(doc_idx, qry_idx, table)


def kernel(doc, qry, table):
    doc_idx = doc.reshape(DOC_TOK)
    qry_idx = qry.reshape(QRY_TOK)
    out_doc, out_qry = _embed(doc_idx, qry_idx, table)
    out_doc = out_doc.reshape(*doc.shape, 2 * EMBED_DIM)[:, :, :EMBED_DIM]
    out_qry = out_qry.reshape(*qry.shape, 2 * EMBED_DIM)[:, :, :EMBED_DIM]
    return (out_doc, out_qry)

# --- scband reference (transcript-rebuilt; emitter-appended) ---
"""Pipeline reference for scband-embed-69947837382658 (READ-ONLY COPY).

The authoritative reference and input builder live on the scoring server;
editing this copy changes nothing except your own understanding.
"""

import jax, jax.numpy as jnp
import numpy as np

VOCAB = 1000000
EMBED_DIM = 64

def setup_inputs(seed: int = 0) -> dict:
    key = jax.random.key(seed)
    k1, k2, k3 = jax.random.split(key, 3)
    doc = jax.random.randint(k1, (4096, 200), 0, VOCAB, dtype=jnp.int64 if jax.config.read('jax_enable_x64') else jnp.int32).astype(jnp.int32)
    qry = jax.random.randint(k2, (4096, 20), 0, VOCAB, dtype=jnp.int32)
    table = jax.random.normal(k3, (VOCAB, EMBED_DIM), dtype=jnp.float32)
    return {"doc": doc, "qry": qry, "table": table}

def reference(doc, qry, table):
    doc_emb = jnp.take(table, doc, axis=0)
    qry_emb = jnp.take(table, qry, axis=0)
    return (doc_emb, qry_emb)

if __name__ == "__main__":
    import jax
    _d = setup_inputs()
    print(jax.jit(kernel)(*tuple(_d.values())))

</pallas_src>

<mosaic_0001>
#map = affine_map<(d0, d1) -> (0)>
#map1 = affine_map<(d0, d1) -> (0, 0)>
module attributes {stable_mosaic.version = 14 : i64} {
  func.func @_body(%arg0: i32, %arg1: i32, %arg2: memref<819200xi32, #tpu.memory_space<hbm>>, %arg3: memref<81920xi32, #tpu.memory_space<hbm>>, %arg4: memref<1000000x64xf32, #tpu.memory_space<hbm>>, %arg5: memref<819200x128xf32, #tpu.memory_space<hbm>>, %arg6: memref<81920x128xf32, #tpu.memory_space<hbm>>, %arg7: memref<25600xi32, #tpu.memory_space<vmem>>, %arg8: memref<2560xi32, #tpu.memory_space<vmem>>, %arg9: memref<10x128x64xf32, #tpu.memory_space<vmem>>, %arg10: memref<10x!tpu.dma_semaphore, #tpu.memory_space<semaphore_mem>>) attributes {dimension_semantics = [#tpu.dimension_semantics<core_parallel>, #tpu.dimension_semantics<subcore_parallel>], iteration_bounds = array<i64: 2, 16>, scalar_prefetch = 0 : i64, scratch_operands = 4 : i64, tpu.core_type = #tpu.core_type<sc_vector_subcore>, window_params = [{transform_indices = #map}, {transform_indices = #map}, {transform_indices = #map1}, {transform_indices = #map1}, {transform_indices = #map1}]} {
    %mul3A = arith.constant 2 : i32
    %mul3A_0 = arith.muli %arg1, %mul3A : i32
    %add3A = arith.addi %mul3A_0, %arg0 : i32
    %mul3A_1 = arith.constant 25600 : i32
    %mul3A_2 = arith.muli %add3A, %mul3A_1 : i32
    "tpu.region"() ({
      %run_scoped3A = tpu.sem_alloc : memref<!tpu.dma_semaphore, #tpu.memory_space<semaphore_mem>>
      %dma_start3A_279 = tpu.memref_slice %arg2[%mul3A_2] : memref<819200xi32, #tpu.memory_space<hbm>> -> memref<25600xi32, #tpu.memory_space<hbm>>
      %dma_start3A_280 = tpu.memref_slice %arg2[%mul3A_2] : memref<819200xi32, #tpu.memory_space<hbm>> -> memref<25600xi32, #tpu.memory_space<hbm>>
      tpu.enqueue_dma source(%dma_start3A_280 : memref<25600xi32, #tpu.memory_space<hbm>>) target(%arg7 : memref<25600xi32, #tpu.memory_space<vmem>>) target_semaphore(%run_scoped3A : memref<!tpu.dma_semaphore, #tpu.memory_space<semaphore_mem>>)
      %dma_wait3A = tpu.memref_slice %arg2[%mul3A_2] : memref<819200xi32, #tpu.memory_space<hbm>> -> memref<25600xi32, #tpu.memory_space<hbm>>
      %dma_wait3A_281 = tpu.memref_slice %arg2[%mul3A_2] : memref<819200xi32, #tpu.memory_space<hbm>> -> memref<25600xi32, #tpu.memory_space<hbm>>
      tpu.wait_dma2 semaphore(%run_scoped3A : memref<!tpu.dma_semaphore, #tpu.memory_space<semaphore_mem>>) src(%dma_wait3A_281 : memref<25600xi32, #tpu.memory_space<hbm>>) dst(%arg7 : memref<25600xi32, #tpu.memory_space<vmem>>)
      tpu.yield
    }) : () -> ()
    %mul3A_3 = arith.constant 2560 : i32
    %mul3A_4 = arith.muli %add3A, %mul3A_3 : i32
    "tpu.region"() ({
      %run_scoped3A = tpu.sem_alloc : memref<!tpu.dma_semaphore, #tpu.memory_space<semaphore_mem>>
      %dma_start3A_279 = tpu.memref_slice %arg3[%mul3A_4] : memref<81920xi32, #tpu.memory_space<hbm>> -> memref<2560xi32, #tpu.memory_space<hbm>>
      %dma_start3A_280 = tpu.memref_slice %arg3[%mul3A_4] : memref<81920xi32, #tpu.memory_space<hbm>> -> memref<2560xi32, #tpu.memory_space<hbm>>
      tpu.enqueue_dma source(%dma_start3A_280 : memref<2560xi32, #tpu.memory_space<hbm>>) target(%arg8 : memref<2560xi32, #tpu.memory_space<vmem>>) target_semaphore(%run_scoped3A : memref<!tpu.dma_semaphore, #tpu.memory_space<semaphore_mem>>)
      %dma_wait3A = tpu.memref_slice %arg3[%mul3A_4] : memref<81920xi32, #tpu.memory_space<hbm>> -> memref<2560xi32, #tpu.memory_space<hbm>>
      %dma_wait3A_281 = tpu.memref_slice %arg3[%mul3A_4] : memref<81920xi32, #tpu.memory_space<hbm>> -> memref<2560xi32, #tpu.memory_space<hbm>>
      tpu.wait_dma2 semaphore(%run_scoped3A : memref<!tpu.dma_semaphore, #tpu.memory_space<semaphore_mem>>) src(%dma_wait3A_281 : memref<2560xi32, #tpu.memory_space<hbm>>) dst(%arg8 : memref<2560xi32, #tpu.memory_space<vmem>>)
      tpu.yield
    }) : () -> ()
    %mul3A_5 = arith.constant 25600 : i32
    %mul3A_6 = arith.muli %add3A, %mul3A_5 : i32
    %dma_start3A = arith.constant 0 : i32
    %dma_start3A_7 = arith.constant 0 : i32
    %dma_start3A_8 = arith.constant 0 : i32
    %dma_start3A_9 = arith.constant 0 : i32
    %dma_start3A_10 = tpu.memref_slice %arg9[%dma_start3A, %dma_start3A_8, %dma_start3A_9] : memref<10x128x64xf32, #tpu.memory_space<vmem>> -> memref<1x128x64xf32, #tpu.memory_space<vmem>>
    %dma_start3A_11 = tpu.memref_squeeze %dma_start3A_10 : memref<1x128x64xf32, #tpu.memory_space<vmem>> -> memref<128x64xf32, #tpu.memory_space<vmem>>
    %dma_start3A_12 = arith.constant 0 : i32
    %dma_start3A_13 = tpu.memref_slice %arg7[%dma_start3A_12] : memref<25600xi32, #tpu.memory_space<vmem>> -> memref<128xi32, #tpu.memory_space<vmem>>
    %dma_start3A_14 = arith.constant 0 : i32
    %dma_start3A_15 = arith.constant 0 : i32
    %dma_start3A_16 = tpu.memref_slice %arg4[%dma_start3A_14, %dma_start3A_15] : memref<1000000x64xf32, #tpu.memory_space<hbm>> -> memref<1000000x64xf32, #tpu.memory_space<hbm>>
    %dma_start3A_17 = tpu.memref_slice %arg10[%dma_start3A_7] : memref<10x!tpu.dma_semaphore, #tpu.memory_space<semaphore_mem>> -> memref<1x!tpu.dma_semaphore, #tpu.memory_space<semaphore_mem>>
    %dma_start3A_18 = tpu.memref_squeeze %dma_start3A_17 : memref<1x!tpu.dma_semaphore, #tpu.memory_space<semaphore_mem>> -> memref<!tpu.dma_semaphore, #tpu.memory_space<semaphore_mem>>
    tpu.enqueue_indirect_dma source(%dma_start3A_16 : memref<1000000x64xf32, #tpu.memory_space<hbm>>) target(%dma_start3A_11 : memref<128x64xf32, #tpu.memory_space<vmem>>) offsets(%dma_start3A_13 : memref<128xi32, #tpu.memory_space<vmem>>) semaphore(%dma_start3A_18 : memref<!tpu.dma_semaphore, #tpu.memory_space<semaphore_mem>>)
    %dma_start3A_19 = arith.constant 1 : i32
    %dma_start3A_20 = arith.constant 1 : i32
    %dma_start3A_21 = arith.constant 0 : i32
    %dma_start3A_22 = arith.constant 0 : i32
    %dma_start3A_23 = tpu.memref_slice %arg9[%dma_start3A_19, %dma_start3A_21, %dma_start3A_22] : memref<10x128x64xf32, #tpu.memory_space<vmem>> -> memref<1x128x64xf32, #tpu.memory_space<vmem>>
    %dma_start3A_24 = tpu.memref_squeeze %dma_start3A_23 : memref<1x128x64xf32, #tpu.memory_space<vmem>> -> memref<128x64xf32, #tpu.memory_space<vmem>>
    %dma_start3A_25 = arith.constant 128 : i32
    %dma_start3A_26 = tpu.memref_slice %arg7[%dma_start3A_25] : memref<25600xi32, #tpu.memory_space<vmem>> -> memref<128xi32, #tpu.memory_space<vmem>>
    %dma_start3A_27 = arith.constant 0 : i32
    %dma_start3A_28 = arith.constant 0 : i32
    %dma_start3A_29 = tpu.memref_slice %arg4[%dma_start3A_27, %dma_start3A_28] : memref<1000000x64xf32, #tpu.memory_space<hbm>> -> memref<1000000x64xf32, #tpu.memory_space<hbm>>
    %dma_start3A_30 = tpu.memref_slice %arg10[%dma_start3A_20] : memref<10x!tpu.dma_semaphore, #tpu.memory_space<semaphore_mem>> -> memref<1x!tpu.dma_semaphore, #tpu.memory_space<semaphore_mem>>
    %dma_start3A_31 = tpu.memref_squeeze %dma_start3A_30 : memref<1x!tpu.dma_semaphore, #tpu.memory_space<semaphore_mem>> -> memref<!tpu.dma_semaphore, #tpu.memory_space<semaphore_mem>>
    tpu.enqueue_indirect_dma source(%dma_start3A_29 : memref<1000000x64xf32, #tpu.memory_space<hbm>>) target(%dma_start3A_24 : memref<128x64xf32, #tpu.memory_space<vmem>>) offsets(%dma_start3A_26 : memref<128xi32, #tpu.memory_space<vmem>>) semaphore(%dma_start3A_31 : memref<!tpu.dma_semaphore, #tpu.memory_space<semaphore_mem>>)
    %dma_start3A_32 = arith.constant 2 : i32
    %dma_start3A_33 = arith.constant 2 : i32
    %dma_start3A_34 = arith.constant 0 : i32
    %dma_start3A_35 = arith.constant 0 : i32
    %dma_start3A_36 = tpu.memref_slice %arg9[%dma_start3A_32, %dma_start3A_34, %dma_start3A_35] : memref<10x128x64xf32, #tpu.memory_space<vmem>> -> memref<1x128x64xf32, #tpu.memory_space<vmem>>
    %dma_start3A_37 = tpu.memref_squeeze %dma_start3A_36 : memref<1x128x64xf32, #tpu.memory_space<vmem>> -> memref<128x64xf32, #tpu.memory_space<vmem>>
    %dma_start3A_38 = arith.constant 256 : i32
    %dma_start3A_39 = tpu.memref_slice %arg7[%dma_start3A_38] : memref<25600xi32, #tpu.memory_space<vmem>> -> memref<128xi32, #tpu.memory_space<vmem>>
    %dma_start3A_40 = arith.constant 0 : i32
    %dma_start3A_41 = arith.constant 0 : i32
    %dma_start3A_42 = tpu.memref_slice %arg4[%dma_start3A_40, %dma_start3A_41] : memref<1000000x64xf32, #tpu.memory_space<hbm>> -> memref<1000000x64xf32, #tpu.memory_space<hbm>>
    %dma_start3A_43 = tpu.memref_slice %arg10[%dma_start3A_33] : memref<10x!tpu.dma_semaphore, #tpu.memory_space<semaphore_mem>> -> memref<1x!tpu.dma_semaphore, #tpu.memory_space<semaphore_mem>>
    %dma_start3A_44 = tpu.memref_squeeze %dma_start3A_43 : memref<1x!tpu.dma_semaphore, #tpu.memory_space<semaphore_mem>> -> memref<!tpu.dma_semaphore, #tpu.memory_space<semaphore_mem>>
    tpu.enqueue_indirect_dma source(%dma_start3A_42 : memref<1000000x64xf32, #tpu.memory_space<hbm>>) target(%dma_start3A_37 : memref<128x64xf32, #tpu.memory_space<vmem>>) offsets(%dma_start3A_39 : memref<128xi32, #tpu.memory_space<vmem>>) semaphore(%dma_start3A_44 : memref<!tpu.dma_semaphore, #tpu.memory_space<semaphore_mem>>)
    %dma_start3A_45 = arith.constant 3 : i32
    %dma_start3A_46 = arith.constant 3 : i32
    %dma_start3A_47 = arith.constant 0 : i32
    %dma_start3A_48 = arith.constant 0 : i32
    %dma_start3A_49 = tpu.memref_slice %arg9[%dma_start3A_45, %dma_start3A_47, %dma_start3A_48] : memref<10x128x64xf32, #tpu.memory_space<vmem>> -> memref<1x128x64xf32, #tpu.memory_space<vmem>>
    %dma_start3A_50 = tpu.memref_squeeze %dma_start3A_49 : memref<1x128x64xf32, #tpu.memory_space<vmem>> -> memref<128x64xf32, #tpu.memory_space<vmem>>
    %dma_start3A_51 = arith.constant 384 : i32
    %dma_start3A_52 = tpu.memref_slice %arg7[%dma_start3A_51] : memref<25600xi32, #tpu.memory_space<vmem>> -> memref<128xi32, #tpu.memory_space<vmem>>
    %dma_start3A_53 = arith.constant 0 : i32
    %dma_start3A_54 = arith.constant 0 : i32
    %dma_start3A_55 = tpu.memref_slice %arg4[%dma_start3A_53, %dma_start3A_54] : memref<1000000x64xf32, #tpu.memory_space<hbm>> -> memref<1000000x64xf32, #tpu.memory_space<hbm>>
    %dma_start3A_56 = tpu.memref_slice %arg10[%dma_start3A_46] : memref<10x!tpu.dma_semaphore, #tpu.memory_space<semaphore_mem>> -> memref<1x!tpu.dma_semaphore, #tpu.memory_space<semaphore_mem>>
    %dma_start3A_57 = tpu.memref_squeeze %dma_start3A_56 : memref<1x!tpu.dma_semaphore, #tpu.memory_space<semaphore_mem>> -> memref<!tpu.dma_semaphore, #tpu.memory_space<semaphore_mem>>
    tpu.enqueue_indirect_dma source(%dma_start3A_55 : memref<1000000x64xf32, #tpu.memory_space<hbm>>) target(%dma_start3A_50 : memref<128x64xf32, #tpu.memory_space<vmem>>) offsets(%dma_start3A_52 : memref<128xi32, #tpu.memory_space<vmem>>) semaphore(%dma_start3A_57 : memref<!tpu.dma_semaphore, #tpu.memory_space<semaphore_mem>>)
    %dma_start3A_58 = arith.constant 4 : i32
    %dma_start3A_59 = arith.constant 4 : i32
    %dma_start3A_60 = arith.constant 0 : i32
    %dma_start3A_61 = arith.constant 0 : i32
    %dma_start3A_62 = tpu.memref_slice %arg9[%dma_start3A_58, %dma_start3A_60, %dma_start3A_61] : memref<10x128x64xf32, #tpu.memory_space<vmem>> -> memref<1x128x64xf32, #tpu.memory_space<vmem>>
    %dma_start3A_63 = tpu.memref_squeeze %dma_start3A_62 : memref<1x128x64xf32, #tpu.memory_space<vmem>> -> memref<128x64xf32, #tpu.memory_space<vmem>>
    %dma_start3A_64 = arith.constant 512 : i32
    %dma_start3A_65 = tpu.memref_slice %arg7[%dma_start3A_64] : memref<25600xi32, #tpu.memory_space<vmem>> -> memref<128xi32, #tpu.memory_space<vmem>>
    %dma_start3A_66 = arith.constant 0 : i32
    %dma_start3A_67 = arith.constant 0 : i32
    %dma_start3A_68 = tpu.memref_slice %arg4[%dma_start3A_66, %dma_start3A_67] : memref<1000000x64xf32, #tpu.memory_space<hbm>> -> memref<1000000x64xf32, #tpu.memory_space<hbm>>
    %dma_start3A_69 = tpu.memref_slice %arg10[%dma_start3A_59] : memref<10x!tpu.dma_semaphore, #tpu.memory_space<semaphore_mem>> -> memref<1x!tpu.dma_semaphore, #tpu.memory_space<semaphore_mem>>
    %dma_start3A_70 = tpu.memref_squeeze %dma_start3A_69 : memref<1x!tpu.dma_semaphore, #tpu.memory_space<semaphore_mem>> -> memref<!tpu.dma_semaphore, #tpu.memory_space<semaphore_mem>>
    tpu.enqueue_indirect_dma source(%dma_start3A_68 : memref<1000000x64xf32, #tpu.memory_space<hbm>>) target(%dma_start3A_63 : memref<128x64xf32, #tpu.memory_space<vmem>>) offsets(%dma_start3A_65 : memref<128xi32, #tpu.memory_space<vmem>>) semaphore(%dma_start3A_70 : memref<!tpu.dma_semaphore, #tpu.memory_space<semaphore_mem>>)
    %dma_start3A_71 = arith.constant 5 : i32
    %dma_start3A_72 = arith.constant 5 : i32
    %dma_start3A_73 = arith.constant 0 : i32
    %dma_start3A_74 = arith.constant 0 : i32
    %dma_start3A_75 = tpu.memref_slice %arg9[%dma_start3A_71, %dma_start3A_73, %dma_start3A_74] : memref<10x128x64xf32, #tpu.memory_space<vmem>> -> memref<1x128x64xf32, #tpu.memory_space<vmem>>
    %dma_start3A_76 = tpu.memref_squeeze %dma_start3A_75 : memref<1x128x64xf32, #tpu.memory_space<vmem>> -> memref<128x64xf32, #tpu.memory_space<vmem>>
    %dma_start3A_77 = arith.constant 640 : i32
    %dma_start3A_78 = tpu.memref_slice %arg7[%dma_start3A_77] : memref<25600xi32, #tpu.memory_space<vmem>> -> memref<128xi32, #tpu.memory_space<vmem>>
    %dma_start3A_79 = arith.constant 0 : i32
    %dma_start3A_80 = arith.constant 0 : i32
    %dma_start3A_81 = tpu.memref_slice %arg4[%dma_start3A_79, %dma_start3A_80] : memref<1000000x64xf32, #tpu.memory_space<hbm>> -> memref<1000000x64xf32, #tpu.memory_space<hbm>>
    %dma_start3A_82 = tpu.memref_slice %arg10[%dma_start3A_72] : memref<10x!tpu.dma_semaphore, #tpu.memory_space<semaphore_mem>> -> memref<1x!tpu.dma_semaphore, #tpu.memory_space<semaphore_mem>>
    %dma_start3A_83 = tpu.memref_squeeze %dma_start3A_82 : memref<1x!tpu.dma_semaphore, #tpu.memory_space<semaphore_mem>> -> memref<!tpu.dma_semaphore, #tpu.memory_space<semaphore_mem>>
    tpu.enqueue_indirect_dma source(%dma_start3A_81 : memref<1000000x64xf32, #tpu.memory_space<hbm>>) target(%dma_start3A_76 : memref<128x64xf32, #tpu.memory_space<vmem>>) offsets(%dma_start3A_78 : memref<128xi32, #tpu.memory_space<vmem>>) semaphore(%dma_start3A_83 : memref<!tpu.dma_semaphore, #tpu.memory_space<semaphore_mem>>)
    %dma_start3A_84 = arith.constant 6 : i32
    %dma_start3A_85 = arith.constant 6 : i32
    %dma_start3A_86 = arith.constant 0 : i32
    %dma_start3A_87 = arith.constant 0 : i32
    %dma_start3A_88 = tpu.memref_slice %arg9[%dma_start3A_84, %dma_start3A_86, %dma_start3A_87] : memref<10x128x64xf32, #tpu.memory_space<vmem>> -> memref<1x128x64xf32, #tpu.memory_space<vmem>>
    %dma_start3A_89 = tpu.memref_squeeze %dma_start3A_88 : memref<1x128x64xf32, #tpu.memory_space<vmem>> -> memref<128x64xf32, #tpu.memory_space<vmem>>
    %dma_start3A_90 = arith.constant 768 : i32
    %dma_start3A_91 = tpu.memref_slice %arg7[%dma_start3A_90] : memref<25600xi32, #tpu.memory_space<vmem>> -> memref<128xi32, #tpu.memory_space<vmem>>
    %dma_start3A_92 = arith.constant 0 : i32
    %dma_start3A_93 = arith.constant 0 : i32
    %dma_start3A_94 = tpu.memref_slice %arg4[%dma_start3A_92, %dma_start3A_93] : memref<1000000x64xf32, #tpu.memory_space<hbm>> -> memref<1000000x64xf32, #tpu.memory_space<hbm>>
    %dma_start3A_95 = tpu.memref_slice %arg10[%dma_start3A_85] : memref<10x!tpu.dma_semaphore, #tpu.memory_space<semaphore_mem>> -> memref<1x!tpu.dma_semaphore, #tpu.memory_space<semaphore_mem>>
    %dma_start3A_96 = tpu.memref_squeeze %dma_start3A_95 : memref<1x!tpu.dma_semaphore, #tpu.memory_space<semaphore_mem>> -> memref<!tpu.dma_semaphore, #tpu.memory_space<semaphore_mem>>
    tpu.enqueue_indirect_dma source(%dma_start3A_94 : memref<1000000x64xf32, #tpu.memory_space<hbm>>) target(%dma_start3A_89 : memref<128x64xf32, #tpu.memory_space<vmem>>) offsets(%dma_start3A_91 : memref<128xi32, #tpu.memory_space<vmem>>) semaphore(%dma_start3A_96 : memref<!tpu.dma_semaphore, #tpu.memory_space<semaphore_mem>>)
    %dma_start3A_97 = arith.constant 7 : i32
    %dma_start3A_98 = arith.constant 7 : i32
    %dma_start3A_99 = arith.constant 0 : i32
    %dma_start3A_100 = arith.constant 0 : i32
    %dma_start3A_101 = tpu.memref_slice %arg9[%dma_start3A_97, %dma_start3A_99, %dma_start3A_100] : memref<10x128x64xf32, #tpu.memory_space<vmem>> -> memref<1x128x64xf32, #tpu.memory_space<vmem>>
    %dma_start3A_102 = tpu.memref_squeeze %dma_start3A_101 : memref<1x128x64xf32, #tpu.memory_space<vmem>> -> memref<128x64xf32, #tpu.memory_space<vmem>>
    %dma_start3A_103 = arith.constant 896 : i32
    %dma_start3A_104 = tpu.memref_slice %arg7[%dma_start3A_103] : memref<25600xi32, #tpu.memory_space<vmem>> -> memref<128xi32, #tpu.memory_space<vmem>>
    %dma_start3A_105 = arith.constant 0 : i32
    %dma_start3A_106 = arith.constant 0 : i32
    %dma_start3A_107 = tpu.memref_slice %arg4[%dma_start3A_105, %dma_start3A_106] : memref<1000000x64xf32, #tpu.memory_space<hbm>> -> memref<1000000x64xf32, #tpu.memory_space<hbm>>
    %dma_start3A_108 = tpu.memref_slice %arg10[%dma_start3A_98] : memref<10x!tpu.dma_semaphore, #tpu.memory_space<semaphore_mem>> -> memref<1x!tpu.dma_semaphore, #tpu.memory_space<semaphore_mem>>
    %dma_start3A_109 = tpu.memref_squeeze %dma_start3A_108 : memref<1x!tpu.dma_semaphore, #tpu.memory_space<semaphore_mem>> -> memref<!tpu.dma_semaphore, #tpu.memory_space<semaphore_mem>>
    tpu.enqueue_indirect_dma source(%dma_start3A_107 : memref<1000000x64xf32, #tpu.memory_space<hbm>>) target(%dma_start3A_102 : memref<128x64xf32, #tpu.memory_space<vmem>>) offsets(%dma_start3A_104 : memref<128xi32, #tpu.memory_space<vmem>>) semaphore(%dma_start3A_109 : memref<!tpu.dma_semaphore, #tpu.memory_space<semaphore_mem>>)
    %dma_start3A_110 = arith.constant 8 : i32
    %dma_start3A_111 = arith.constant 8 : i32
    %dma_start3A_112 = arith.constant 0 : i32
    %dma_start3A_113 = arith.constant 0 : i32
    %dma_start3A_114 = tpu.memref_slice %arg9[%dma_start3A_110, %dma_start3A_112, %dma_start3A_113] : memref<10x128x64xf32, #tpu.memory_space<vmem>> -> memref<1x128x64xf32, #tpu.memory_space<vmem>>
    %dma_start3A_115 = tpu.memref_squeeze %dma_start3A_114 : memref<1x128x64xf32, #tpu.memory_space<vmem>> -> memref<128x64xf32, #tpu.memory_space<vmem>>
    %dma_start3A_116 = arith.constant 1024 : i32
    %dma_start3A_117 = tpu.memref_slice %arg7[%dma_start3A_116] : memref<25600xi32, #tpu.memory_space<vmem>> -> memref<128xi32, #tpu.memory_space<vmem>>
    %dma_start3A_118 = arith.constant 0 : i32
    %dma_start3A_119 = arith.constant 0 : i32
    %dma_start3A_120 = tpu.memref_slice %arg4[%dma_start3A_118, %dma_start3A_119] : memref<1000000x64xf32, #tpu.memory_space<hbm>> -> memref<1000000x64xf32, #tpu.memory_space<hbm>>
    %dma_start3A_121 = tpu.memref_slice %arg10[%dma_start3A_111] : memref<10x!tpu.dma_semaphore, #tpu.memory_space<semaphore_mem>> -> memref<1x!tpu.dma_semaphore, #tpu.memory_space<semaphore_mem>>
    %dma_start3A_122 = tpu.memref_squeeze %dma_start3A_121 : memref<1x!tpu.dma_semaphore, #tpu.memory_space<semaphore_mem>> -> memref<!tpu.dma_semaphore, #tpu.memory_space<semaphore_mem>>
    tpu.enqueue_indirect_dma source(%dma_start3A_120 : memref<1000000x64xf32, #tpu.memory_space<hbm>>) target(%dma_start3A_115 : memref<128x64xf32, #tpu.memory_space<vmem>>) offsets(%dma_start3A_117 : memref<128xi32, #tpu.memory_space<vmem>>) semaphore(%dma_start3A_122 : memref<!tpu.dma_semaphore, #tpu.memory_space<semaphore_mem>>)
    %dma_start3A_123 = arith.constant 9 : i32
    %dma_start3A_124 = arith.constant 9 : i32
    %dma_start3A_125 = arith.constant 0 : i32
    %dma_start3A_126 = arith.constant 0 : i32
    %dma_start3A_127 = tpu.memref_slice %arg9[%dma_start3A_123, %dma_start3A_125, %dma_start3A_126] : memref<10x128x64xf32, #tpu.memory_space<vmem>> -> memref<1x128x64xf32, #tpu.memory_space<vmem>>
    %dma_start3A_128 = tpu.memref_squeeze %dma_start3A_127 : memref<1x128x64xf32, #tpu.memory_space<vmem>> -> memref<128x64xf32, #tpu.memory_space<vmem>>
    %dma_start3A_129 = arith.constant 1152 : i32
    %dma_start3A_130 = tpu.memref_slice %arg7[%dma_start3A_129] : memref<25600xi32, #tpu.memory_space<vmem>> -> memref<128xi32, #tpu.memory_space<vmem>>
    %dma_start3A_131 = arith.constant 0 : i32
    %dma_start3A_132 = arith.constant 0 : i32
    %dma_start3A_133 = tpu.memref_slice %arg4[%dma_start3A_131, %dma_start3A_132] : memref<1000000x64xf32, #tpu.memory_space<hbm>> -> memref<1000000x64xf32, #tpu.memory_space<hbm>>
    %dma_start3A_134 = tpu.memref_slice %arg10[%dma_start3A_124] : memref<10x!tpu.dma_semaphore, #tpu.memory_space<semaphore_mem>> -> memref<1x!tpu.dma_semaphore, #tpu.memory_space<semaphore_mem>>
    %dma_start3A_135 = tpu.memref_squeeze %dma_start3A_134 : memref<1x!tpu.dma_semaphore, #tpu.memory_space<semaphore_mem>> -> memref<!tpu.dma_semaphore, #tpu.memory_space<semaphore_mem>>
    tpu.enqueue_indirect_dma source(%dma_start3A_133 : memref<1000000x64xf32, #tpu.memory_space<hbm>>) target(%dma_start3A_128 : memref<128x64xf32, #tpu.memory_space<vmem>>) offsets(%dma_start3A_130 : memref<128xi32, #tpu.memory_space<vmem>>) semaphore(%dma_start3A_135 : memref<!tpu.dma_semaphore, #tpu.memory_space<semaphore_mem>>)
    %scan3A = arith.constant 0 : i32
    %scan3A_136 = arith.constant 0 : i32
    %scan3A_137 = arith.constant 20 : i32
    %scan3A_138 = arith.addi %scan3A_136, %scan3A_137 : i32
    %scan3A_139 = arith.constant 1 : i32
    scf.for %scan3A_279 = %scan3A_136 to %scan3A_138 step %scan3A_139  : i32 {
      %mul3A_280 = arith.constant 10 : i32
      %mul3A_281 = arith.muli %scan3A_279, %mul3A_280 : i32
      %dma_wait3A = arith.constant 0 : i32
      %dma_wait3A_282 = arith.constant 0 : i32
      %dma_wait3A_283 = arith.constant 0 : i32
      %dma_wait3A_284 = arith.constant 0 : i32
      %dma_wait3A_285 = tpu.memref_slice %arg9[%dma_wait3A, %dma_wait3A_283, %dma_wait3A_284] : memref<10x128x64xf32, #tpu.memory_space<vmem>> -> memref<1x128x64xf32, #tpu.memory_space<vmem>>
      %dma_wait3A_286 = tpu.memref_squeeze %dma_wait3A_285 : memref<1x128x64xf32, #tpu.memory_space<vmem>> -> memref<128x64xf32, #tpu.memory_space<vmem>>
      %dma_wait3A_287 = arith.constant 0 : i32
      %dma_wait3A_288 = arith.constant 0 : i32
      %dma_wait3A_289 = tpu.memref_slice %arg4[%dma_wait3A_287, %dma_wait3A_288] : memref<1000000x64xf32, #tpu.memory_space<hbm>> -> memref<128x64xf32, #tpu.memory_space<hbm>>
      %dma_wait3A_290 = tpu.memref_slice %arg10[%dma_wait3A_282] : memref<10x!tpu.dma_semaphore, #tpu.memory_space<semaphore_mem>> -> memref<1x!tpu.dma_semaphore, #tpu.memory_space<semaphore_mem>>
      %dma_wait3A_291 = tpu.memref_squeeze %dma_wait3A_290 : memref<1x!tpu.dma_semaphore, #tpu.memory_space<semaphore_mem>> -> memref<!tpu.dma_semaphore, #tpu.memory_space<semaphore_mem>>
      %dma_wait3A_292 = arith.constant 0 : i32
      %dma_wait3A_293 = arith.constant 0 : i32
      %dma_wait3A_294 = tpu.memref_slice %arg9[%dma_wait3A, %dma_wait3A_292, %dma_wait3A_293] : memref<10x128x64xf32, #tpu.memory_space<vmem>> -> memref<1x128x64xf32, #tpu.memory_space<vmem>>
      %dma_wait3A_295 = tpu.memref_squeeze %dma_wait3A_294 : memref<1x128x64xf32, #tpu.memory_space<vmem>> -> memref<128x64xf32, #tpu.memory_space<vmem>>
      %dma_wait3A_296 = arith.constant 0 : i32
      %dma_wait3A_297 = arith.constant 0 : i32
      %dma_wait3A_298 = tpu.memref_slice %arg4[%dma_wait3A_296, %dma_wait3A_297] : memref<1000000x64xf32, #tpu.memory_space<hbm>> -> memref<128x64xf32, #tpu.memory_space<hbm>>
      tpu.wait_dma2 semaphore(%dma_wait3A_291 : memref<!tpu.dma_semaphore, #tpu.memory_space<semaphore_mem>>) src(%dma_wait3A_298 : memref<128x64xf32, #tpu.memory_space<hbm>>) dst(%dma_wait3A_295 : memref<128x64xf32, #tpu.memory_space<vmem>>)
      %add3A_299 = arith.constant 0 : i32
      %add3A_300 = arith.addi %mul3A_281, %add3A_299 : i32
      %mul3A_301 = arith.constant 128 : i32
      %mul3A_302 = arith.muli %add3A_300, %mul3A_301 : i32
      %add3A_303 = arith.addi %mul3A_6, %mul3A_302 : i32
      %run_scoped3A = arith.constant 0 : i32
      "tpu.region"() ({
        %run_scoped3A_522 = tpu.sem_alloc : memref<!tpu.dma_semaphore, #tpu.memory_space<semaphore_mem>>
        %dma_start3A_523 = arith.constant 0 : i32
        %dma_start3A_524 = arith.constant 0 : i32
        %dma_start3A_525 = tpu.memref_slice %arg9[%run_scoped3A, %dma_start3A_523, %dma_start3A_524] : memref<10x128x64xf32, #tpu.memory_space<vmem>> -> memref<1x128x64xf32, #tpu.memory_space<vmem>>
        %dma_start3A_526 = tpu.memref_squeeze %dma_start3A_525 : memref<1x128x64xf32, #tpu.memory_space<vmem>> -> memref<128x64xf32, #tpu.memory_space<vmem>>
        %dma_start3A_527 = arith.constant 0 : i32
        %dma_start3A_528 = tpu.memref_slice %arg5[%add3A_303, %dma_start3A_527] : memref<819200x128xf32, #tpu.memory_space<hbm>> -> memref<128x64xf32, #tpu.memory_space<hbm>>
        %dma_start3A_529 = arith.constant 0 : i32
        %dma_start3A_530 = tpu.memref_slice %arg5[%add3A_303, %dma_start3A_529] : memref<819200x128xf32, #tpu.memory_space<hbm>> -> memref<128x64xf32, #tpu.memory_space<hbm>>
        %dma_start3A_531 = arith.constant 0 : i32
        %dma_start3A_532 = arith.constant 0 : i32
        %dma_start3A_533 = tpu.memref_slice %arg9[%run_scoped3A, %dma_start3A_531, %dma_start3A_532] : memref<10x128x64xf32, #tpu.memory_space<vmem>> -> memref<1x128x64xf32, #tpu.memory_space<vmem>>
        %dma_start3A_534 = tpu.memref_squeeze %dma_start3A_533 : memref<1x128x64xf32, #tpu.memory_space<vmem>> -> memref<128x64xf32, #tpu.memory_space<vmem>>
        tpu.enqueue_dma source(%dma_start3A_534 : memref<128x64xf32, #tpu.memory_space<vmem>>) target(%dma_start3A_530 : memref<128x64xf32, #tpu.memory_space<hbm>>) target_semaphore(%run_scoped3A_522 : memref<!tpu.dma_semaphore, #tpu.memory_space<semaphore_mem>>)
        %dma_wait3A_535 = arith.constant 0 : i32
        %dma_wait3A_536 = arith.constant 0 : i32
        %dma_wait3A_537 = tpu.memref_slice %arg9[%run_scoped3A, %dma_wait3A_535, %dma_wait3A_536] : memref<10x128x64xf32, #tpu.memory_space<vmem>> -> memref<1x128x64xf32, #tpu.memory_space<vmem>>
        %dma_wait3A_538 = tpu.memref_squeeze %dma_wait3A_537 : memref<1x128x64xf32, #tpu.memory_space<vmem>> -> memref<128x64xf32, #tpu.memory_space<vmem>>
        %dma_wait3A_539 = arith.constant 0 : i32
        %dma_wait3A_540 = tpu.memref_slice %arg5[%add3A_303, %dma_wait3A_539] : memref<819200x128xf32, #tpu.memory_space<hbm>> -> memref<128x64xf32, #tpu.memory_space<hbm>>
        %dma_wait3A_541 = arith.constant 0 : i32
        %dma_wait3A_542 = tpu.memref_slice %arg5[%add3A_303, %dma_wait3A_541] : memref<819200x128xf32, #tpu.memory_space<hbm>> -> memref<128x64xf32, #tpu.memory_space<hbm>>
        %dma_wait3A_543 = arith.constant 0 : i32
        %dma_wait3A_544 = arith.constant 0 : i32
        %dma_wait3A_545 = tpu.memref_slice %arg9[%run_scoped3A, %dma_wait3A_543, %dma_wait3A_544] : memref<10x128x64xf32, #tpu.memory_space<vmem>> -> memref<1x128x64xf32, #tpu.memory_space<vmem>>
        %dma_wait3A_546 = tpu.memref_squeeze %dma_wait3A_545 : memref<1x128x64xf32, #tpu.memory_space<vmem>> -> memref<128x64xf32, #tpu.memory_space<vmem>>
        tpu.wait_dma2 semaphore(%run_scoped3A_522 : memref<!tpu.dma_semaphore, #tpu.memory_space<semaphore_mem>>) src(%dma_wait3A_546 : memref<128x64xf32, #tpu.memory_space<vmem>>) dst(%dma_wait3A_542 : memref<128x64xf32, #tpu.memory_space<hbm>>)
        tpu.yield
      }) : () -> ()
      %dma_wait3A_304 = arith.constant 1 : i32
      %dma_wait3A_305 = arith.constant 1 : i32
      %dma_wait3A_306 = arith.constant 0 : i32
      %dma_wait3A_307 = arith.constant 0 : i32
      %dma_wait3A_308 = tpu.memref_slice %arg9[%dma_wait3A_304, %dma_wait3A_306, %dma_wait3A_307] : memref<10x128x64xf32, #tpu.memory_space<vmem>> -> memref<1x128x64xf32, #tpu.memory_space<vmem>>
      %dma_wait3A_309 = tpu.memref_squeeze %dma_wait3A_308 : memref<1x128x64xf32, #tpu.memory_space<vmem>> -> memref<128x64xf32, #tpu.memory_space<vmem>>
      %dma_wait3A_310 = arith.constant 0 : i32
      %dma_wait3A_311 = arith.constant 0 : i32
      %dma_wait3A_312 = tpu.memref_slice %arg4[%dma_wait3A_310, %dma_wait3A_311] : memref<1000000x64xf32, #tpu.memory_space<hbm>> -> memref<128x64xf32, #tpu.memory_space<hbm>>
      %dma_wait3A_313 = tpu.memref_slice %arg10[%dma_wait3A_305] : memref<10x!tpu.dma_semaphore, #tpu.memory_space<semaphore_mem>> -> memref<1x!tpu.dma_semaphore, #tpu.memory_space<semaphore_mem>>
      %dma_wait3A_314 = tpu.memref_squeeze %dma_wait3A_313 : memref<1x!tpu.dma_semaphore, #tpu.memory_space<semaphore_mem>> -> memref<!tpu.dma_semaphore, #tpu.memory_space<semaphore_mem>>
      %dma_wait3A_315 = arith.constant 0 : i32
      %dma_wait3A_316 = arith.constant 0 : i32
      %dma_wait3A_317 = tpu.memref_slice %arg9[%dma_wait3A_304, %dma_wait3A_315, %dma_wait3A_316] : memref<10x128x64xf32, #tpu.memory_space<vmem>> -> memref<1x128x64xf32, #tpu.memory_space<vmem>>
      %dma_wait3A_318 = tpu.memref_squeeze %dma_wait3A_317 : memref<1x128x64xf32, #tpu.memory_space<vmem>> -> memref<128x64xf32, #tpu.memory_space<vmem>>
      %dma_wait3A_319 = arith.constant 0 : i32
      %dma_wait3A_320 = arith.constant 0 : i32
      %dma_wait3A_321 = tpu.memref_slice %arg4[%dma_wait3A_319, %dma_wait3A_320] : memref<1000000x64xf32, #tpu.memory_space<hbm>> -> memref<128x64xf32, #tpu.memory_space<hbm>>
      tpu.wait_dma2 semaphore(%dma_wait3A_314 : memref<!tpu.dma_semaphore, #tpu.memory_space<semaphore_mem>>) src(%dma_wait3A_321 : memref<128x64xf32, #tpu.memory_space<hbm>>) dst(%dma_wait3A_318 : memref<128x64xf32, #tpu.memory_space<vmem>>)
      %add3A_322 = arith.constant 1 : i32
      %add3A_323 = arith.addi %mul3A_281, %add3A_322 : i32
      %mul3A_324 = arith.constant 128 : i32
      %mul3A_325 = arith.muli %add3A_323, %mul3A_324 : i32
      %add3A_326 = arith.addi %mul3A_6, %mul3A_325 : i32
      %run_scoped3A_327 = arith.constant 1 : i32
      "tpu.region"() ({
        %run_scoped3A_522 = tpu.sem_alloc : memref<!tpu.dma_semaphore, #tpu.memory_space<semaphore_mem>>
        %dma_start3A_523 = arith.constant 0 : i32
        %dma_start3A_524 = arith.constant 0 : i32
        %dma_start3A_525 = tpu.memref_slice %arg9[%run_scoped3A_327, %dma_start3A_523, %dma_start3A_524] : memref<10x128x64xf32, #tpu.memory_space<vmem>> -> memref<1x128x64xf32, #tpu.memory_space<vmem>>
        %dma_start3A_526 = tpu.memref_squeeze %dma_start3A_525 : memref<1x128x64xf32, #tpu.memory_space<vmem>> -> memref<128x64xf32, #tpu.memory_space<vmem>>
        %dma_start3A_527 = arith.constant 0 : i32
        %dma_start3A_528 = tpu.memref_slice %arg5[%add3A_326, %dma_start3A_527] : memref<819200x128xf32, #tpu.memory_space<hbm>> -> memref<128x64xf32, #tpu.memory_space<hbm>>
        %dma_start3A_529 = arith.constant 0 : i32
        %dma_start3A_530 = tpu.memref_slice %arg5[%add3A_326, %dma_start3A_529] : memref<819200x128xf32, #tpu.memory_space<hbm>> -> memref<128x64xf32, #tpu.memory_space<hbm>>
        %dma_start3A_531 = arith.constant 0 : i32
        %dma_start3A_532 = arith.constant 0 : i32
        %dma_start3A_533 = tpu.memref_slice %arg9[%run_scoped3A_327, %dma_start3A_531, %dma_start3A_532] : memref<10x128x64xf32, #tpu.memory_space<vmem>> -> memref<1x128x64xf32, #tpu.memory_space<vmem>>
        %dma_start3A_534 = tpu.memref_squeeze %dma_start3A_533 : memref<1x128x64xf32, #tpu.memory_space<vmem>> -> memref<128x64xf32, #tpu.memory_space<vmem>>
        tpu.enqueue_dma source(%dma_start3A_534 : memref<128x64xf32, #tpu.memory_space<vmem>>) target(%dma_start3A_530 : memref<128x64xf32, #tpu.memory_space<hbm>>) target_semaphore(%run_scoped3A_522 : memref<!tpu.dma_semaphore, #tpu.memory_space<semaphore_mem>>)
        %dma_wait3A_535 = arith.constant 0 : i32
        %dma_wait3A_536 = arith.constant 0 : i32
        %dma_wait3A_537 = tpu.memref_slice %arg9[%run_scoped3A_327, %dma_wait3A_535, %dma_wait3A_536] : memref<10x128x64xf32, #tpu.memory_space<vmem>> -> memref<1x128x64xf32, #tpu.memory_space<vmem>>
        %dma_wait3A_538 = tpu.memref_squeeze %dma_wait3A_537 : memref<1x128x64xf32, #tpu.memory_space<vmem>> -> memref<128x64xf32, #tpu.memory_space<vmem>>
        %dma_wait3A_539 = arith.constant 0 : i32
        %dma_wait3A_540 = tpu.memref_slice %arg5[%add3A_326, %dma_wait3A_539] : memref<819200x128xf32, #tpu.memory_space<hbm>> -> memref<128x64xf32, #tpu.memory_space<hbm>>
        %dma_wait3A_541 = arith.constant 0 : i32
        %dma_wait3A_542 = tpu.memref_slice %arg5[%add3A_326, %dma_wait3A_541] : memref<819200x128xf32, #tpu.memory_space<hbm>> -> memref<128x64xf32, #tpu.memory_space<hbm>>
        %dma_wait3A_543 = arith.constant 0 : i32
        %dma_wait3A_544 = arith.constant 0 : i32
        %dma_wait3A_545 = tpu.memref_slice %arg9[%run_scoped3A_327, %dma_wait3A_543, %dma_wait3A_544] : memref<10x128x64xf32, #tpu.memory_space<vmem>> -> memref<1x128x64xf32, #tpu.memory_space<vmem>>
        %dma_wait3A_546 = tpu.memref_squeeze %dma_wait3A_545 : memref<1x128x64xf32, #tpu.memory_space<vmem>> -> memref<128x64xf32, #tpu.memory_space<vmem>>
        tpu.wait_dma2 semaphore(%run_scoped3A_522 : memref<!tpu.dma_semaphore, #tpu.memory_space<semaphore_mem>>) src(%dma_wait3A_546 : memref<128x64xf32, #tpu.memory_space<vmem>>) dst(%dma_wait3A_542 : memref<128x64xf32, #tpu.memory_space<hbm>>)
        tpu.yield
      }) : () -> ()
      %dma_wait3A_328 = arith.constant 2 : i32
      %dma_wait3A_329 = arith.constant 2 : i32
      %dma_wait3A_330 = arith.constant 0 : i32
      %dma_wait3A_331 = arith.constant 0 : i32
      %dma_wait3A_332 = tpu.memref_slice %arg9[%dma_wait3A_328, %dma_wait3A_330, %dma_wait3A_331] : memref<10x128x64xf32, #tpu.memory_space<vmem>> -> memref<1x128x64xf32, #tpu.memory_space<vmem>>
      %dma_wait3A_333 = tpu.memref_squeeze %dma_wait3A_332 : memref<1x128x64xf32, #tpu.memory_space<vmem>> -> memref<128x64xf32, #tpu.memory_space<vmem>>
      %dma_wait3A_334 = arith.constant 0 : i32
      %dma_wait3A_335 = arith.constant 0 : i32
      %dma_wait3A_336 = tpu.memref_slice %arg4[%dma_wait3A_334, %dma_wait3A_335] : memref<1000000x64xf32, #tpu.memory_space<hbm>> -> memref<128x64xf32, #tpu.memory_space<hbm>>
      %dma_wait3A_337 = tpu.memref_slice %arg10[%dma_wait3A_329] : memref<10x!tpu.dma_semaphore, #tpu.memory_space<semaphore_mem>> -> memref<1x!tpu.dma_semaphore, #tpu.memory_space<semaphore_mem>>
      %dma_wait3A_338 = tpu.memref_squeeze %dma_wait3A_337 : memref<1x!tpu.dma_semaphore, #tpu.memory_space<semaphore_mem>> -> memref<!tpu.dma_semaphore, #tpu.memory_space<semaphore_mem>>
      %dma_wait3A_339 = arith.constant 0 : i32
      %dma_wait3A_340 = arith.constant 0 : i32
      %dma_wait3A_341 = tpu.memref_slice %arg9[%dma_wait3A_328, %dma_wait3A_339, %dma_wait3A_340] : memref<10x128x64xf32, #tpu.memory_space<vmem>> -> memref<1x128x64xf32, #tpu.memory_space<vmem>>
      %dma_wait3A_342 = tpu.memref_squeeze %dma_wait3A_341 : memref<1x128x64xf32, #tpu.memory_space<vmem>> -> memref<128x64xf32, #tpu.memory_space<vmem>>
      %dma_wait3A_343 = arith.constant 0 : i32
      %dma_wait3A_344 = arith.constant 0 : i32
      %dma_wait3A_345 = tpu.memref_slice %arg4[%dma_wait3A_343, %dma_wait3A_344] : memref<1000000x64xf32, #tpu.memory_space<hbm>> -> memref<128x64xf32, #tpu.memory_space<hbm>>
      tpu.wait_dma2 semaphore(%dma_wait3A_338 : memref<!tpu.dma_semaphore, #tpu.memory_space<semaphore_mem>>) src(%dma_wait3A_345 : memref<128x64xf32, #tpu.memory_space<hbm>>) dst(%dma_wait3A_342 : memref<128x64xf32, #tpu.memory_space<vmem>>)
      %add3A_346 = arith.constant 2 : i32
      %add3A_347 = arith.addi %mul3A_281, %add3A_346 : i32
      %mul3A_348 = arith.constant 128 : i32
      %mul3A_349 = arith.muli %add3A_347, %mul3A_348 : i32
      %add3A_350 = arith.addi %mul3A_6, %mul3A_349 : i32
      %run_scoped3A_351 = arith.constant 2 : i32
      "tpu.region"() ({
        %run_scoped3A_522 = tpu.sem_alloc : memref<!tpu.dma_semaphore, #tpu.memory_space<semaphore_mem>>
        %dma_start3A_523 = arith.constant 0 : i32
        %dma_start3A_524 = arith.constant 0 : i32
        %dma_start3A_525 = tpu.memref_slice %arg9[%run_scoped3A_351, %dma_start3A_523, %dma_start3A_524] : memref<10x128x64xf32, #tpu.memory_space<vmem>> -> memref<1x128x64xf32, #tpu.memory_space<vmem>>
        %dma_start3A_526 = tpu.memref_squeeze %dma_start3A_525 : memref<1x128x64xf32, #tpu.memory_space<vmem>> -> memref<128x64xf32, #tpu.memory_space<vmem>>
        %dma_start3A_527 = arith.constant 0 : i32
        %dma_start3A_528 = tpu.memref_slice %arg5[%add3A_350, %dma_start3A_527] : memref<819200x128xf32, #tpu.memory_space<hbm>> -> memref<128x64xf32, #tpu.memory_space<hbm>>
        %dma_start3A_529 = arith.constant 0 : i32
        %dma_start3A_530 = tpu.memref_slice %arg5[%add3A_350, %dma_start3A_529] : memref<819200x128xf32, #tpu.memory_space<hbm>> -> memref<128x64xf32, #tpu.memory_space<hbm>>
        %dma_start3A_531 = arith.constant 0 : i32
        %dma_start3A_532 = arith.constant 0 : i32
        %dma_start3A_533 = tpu.memref_slice %arg9[%run_scoped3A_351, %dma_start3A_531, %dma_start3A_532] : memref<10x128x64xf32, #tpu.memory_space<vmem>> -> memref<1x128x64xf32, #tpu.memory_space<vmem>>
        %dma_start3A_534 = tpu.memref_squeeze %dma_start3A_533 : memref<1x128x64xf32, #tpu.memory_space<vmem>> -> memref<128x64xf32, #tpu.memory_space<vmem>>
        tpu.enqueue_dma source(%dma_start3A_534 : memref<128x64xf32, #tpu.memory_space<vmem>>) target(%dma_start3A_530 : memref<128x64xf32, #tpu.memory_space<hbm>>) target_semaphore(%run_scoped3A_522 : memref<!tpu.dma_semaphore, #tpu.memory_space<semaphore_mem>>)
        %dma_wait3A_535 = arith.constant 0 : i32
        %dma_wait3A_536 = arith.constant 0 : i32
        %dma_wait3A_537 = tpu.memref_slice %arg9[%run_scoped3A_351, %dma_wait3A_535, %dma_wait3A_536] : memref<10x128x64xf32, #tpu.memory_space<vmem>> -> memref<1x128x64xf32, #tpu.memory_space<vmem>>
        %dma_wait3A_538 = tpu.memref_squeeze %dma_wait3A_537 : memref<1x128x64xf32, #tpu.memory_space<vmem>> -> memref<128x64xf32, #tpu.memory_space<vmem>>
        %dma_wait3A_539 = arith.constant 0 : i32
        %dma_wait3A_540 = tpu.memref_slice %arg5[%add3A_350, %dma_wait3A_539] : memref<819200x128xf32, #tpu.memory_space<hbm>> -> memref<128x64xf32, #tpu.memory_space<hbm>>
        %dma_wait3A_541 = arith.constant 0 : i32
        %dma_wait3A_542 = tpu.memref_slice %arg5[%add3A_350, %dma_wait3A_541] : memref<819200x128xf32, #tpu.memory_space<hbm>> -> memref<128x64xf32, #tpu.memory_space<hbm>>
        %dma_wait3A_543 = arith.constant 0 : i32
        %dma_wait3A_544 = arith.constant 0 : i32
        %dma_wait3A_545 = tpu.memref_slice %arg9[%run_scoped3A_351, %dma_wait3A_543, %dma_wait3A_544] : memref<10x128x64xf32, #tpu.memory_space<vmem>> -> memref<1x128x64xf32, #tpu.memory_space<vmem>>
        %dma_wait3A_546 = tpu.memref_squeeze %dma_wait3A_545 : memref<1x128x64xf32, #tpu.memory_space<vmem>> -> memref<128x64xf32, #tpu.memory_space<vmem>>
        tpu.wait_dma2 semaphore(%run_scoped3A_522 : memref<!tpu.dma_semaphore, #tpu.memory_space<semaphore_mem>>) src(%dma_wait3A_546 : memref<128x64xf32, #tpu.memory_space<vmem>>) dst(%dma_wait3A_542 : memref<128x64xf32, #tpu.memory_space<hbm>>)
        tpu.yield
      }) : () -> ()
      %dma_wait3A_352 = arith.constant 3 : i32
      %dma_wait3A_353 = arith.constant 3 : i32
      %dma_wait3A_354 = arith.constant 0 : i32
      %dma_wait3A_355 = arith.constant 0 : i32
      %dma_wait3A_356 = tpu.memref_slice %arg9[%dma_wait3A_352, %dma_wait3A_354, %dma_wait3A_355] : memref<10x128x64xf32, #tpu.memory_space<vmem>> -> memref<1x128x64xf32, #tpu.memory_space<vmem>>
      %dma_wait3A_357 = tpu.memref_squeeze %dma_wait3A_356 : memref<1x128x64xf32, #tpu.memory_space<vmem>> -> memref<128x64xf32, #tpu.memory_space<vmem>>
      %dma_wait3A_358 = arith.constant 0 : i32
      %dma_wait3A_359 = arith.constant 0 : i32
      %dma_wait3A_360 = tpu.memref_slice %arg4[%dma_wait3A_358, %dma_wait3A_359] : memref<1000000x64xf32, #tpu.memory_space<hbm>> -> memref<128x64xf32, #tpu.memory_space<hbm>>
      %dma_wait3A_361 = tpu.memref_slice %arg10[%dma_wait3A_353] : memref<10x!tpu.dma_semaphore, #tpu.memory_space<semaphore_mem>> -> memref<1x!tpu.dma_semaphore, #tpu.memory_space<semaphore_mem>>
      %dma_wait3A_362 = tpu.memref_squeeze %dma_wait3A_361 : memref<1x!tpu.dma_semaphore, #tpu.memory_space<semaphore_mem>> -> memref<!tpu.dma_semaphore, #tpu.memory_space<semaphore_mem>>
      %dma_wait3A_363 = arith.constant 0 : i32
      %dma_wait3A_364 = arith.constant 0 : i32
      %dma_wait3A_365 = tpu.memref_slice %arg9[%dma_wait3A_352, %dma_wait3A_363, %dma_wait3A_364] : memref<10x128x64xf32, #tpu.memory_space<vmem>> -> memref<1x128x64xf32, #tpu.memory_space<vmem>>
      %dma_wait3A_366 = tpu.memref_squeeze %dma_wait3A_365 : memref<1x128x64xf32, #tpu.memory_space<vmem>> -> memref<128x64xf32, #tpu.memory_space<vmem>>
      %dma_wait3A_367 = arith.constant 0 : i32
      %dma_wait3A_368 = arith.constant 0 : i32
      %dma_wait3A_369 = tpu.memref_slice %arg4[%dma_wait3A_367, %dma_wait3A_368] : memref<1000000x64xf32, #tpu.memory_space<hbm>> -> memref<128x64xf32, #tpu.memory_space<hbm>>
      tpu.wait_dma2 semaphore(%dma_wait3A_362 : memref<!tpu.dma_semaphore, #tpu.memory_space<semaphore_mem>>) src(%dma_wait3A_369 : memref<128x64xf32, #tpu.memory_space<hbm>>) dst(%dma_wait3A_366 : memref<128x64xf32, #tpu.memory_space<vmem>>)
      %add3A_370 = arith.constant 3 : i32
      %add3A_371 = arith.addi %mul3A_281, %add3A_370 : i32
      %mul3A_372 = arith.constant 128 : i32
      %mul3A_373 = arith.muli %add3A_371, %mul3A_372 : i32
      %add3A_374 = arith.addi %mul3A_6, %mul3A_373 : i32
      %run_scoped3A_375 = arith.constant 3 : i32
      "tpu.region"() ({
        %run_scoped3A_522 = tpu.sem_alloc : memref<!tpu.dma_semaphore, #tpu.memory_space<semaphore_mem>>
        %dma_start3A_523 = arith.constant 0 : i32
        %dma_start3A_524 = arith.constant 0 : i32
        %dma_start3A_525 = tpu.memref_slice %arg9[%run_scoped3A_375, %dma_start3A_523, %dma_start3A_524] : memref<10x128x64xf32, #tpu.memory_space<vmem>> -> memref<1x128x64xf32, #tpu.memory_space<vmem>>
        %dma_start3A_526 = tpu.memref_squeeze %dma_start3A_525 : memref<1x128x64xf32, #tpu.memory_space<vmem>> -> memref<128x64xf32, #tpu.memory_space<vmem>>
        %dma_start3A_527 = arith.constant 0 : i32
        %dma_start3A_528 = tpu.memref_slice %arg5[%add3A_374, %dma_start3A_527] : memref<819200x128xf32, #tpu.memory_space<hbm>> -> memref<128x64xf32, #tpu.memory_space<hbm>>
        %dma_start3A_529 = arith.constant 0 : i32
        %dma_start3A_530 = tpu.memref_slice %arg5[%add3A_374, %dma_start3A_529] : memref<819200x128xf32, #tpu.memory_space<hbm>> -> memref<128x64xf32, #tpu.memory_space<hbm>>
        %dma_start3A_531 = arith.constant 0 : i32
        %dma_start3A_532 = arith.constant 0 : i32
        %dma_start3A_533 = tpu.memref_slice %arg9[%run_scoped3A_375, %dma_start3A_531, %dma_start3A_532] : memref<10x128x64xf32, #tpu.memory_space<vmem>> -> memref<1x128x64xf32, #tpu.memory_space<vmem>>
        %dma_start3A_534 = tpu.memref_squeeze %dma_start3A_533 : memref<1x128x64xf32, #tpu.memory_space<vmem>> -> memref<128x64xf32, #tpu.memory_space<vmem>>
        tpu.enqueue_dma source(%dma_start3A_534 : memref<128x64xf32, #tpu.memory_space<vmem>>) target(%dma_start3A_530 : memref<128x64xf32, #tpu.memory_space<hbm>>) target_semaphore(%run_scoped3A_522 : memref<!tpu.dma_semaphore, #tpu.memory_space<semaphore_mem>>)
        %dma_wait3A_535 = arith.constant 0 : i32
        %dma_wait3A_536 = arith.constant 0 : i32
        %dma_wait3A_537 = tpu.memref_slice %arg9[%run_scoped3A_375, %dma_wait3A_535, %dma_wait3A_536] : memref<10x128x64xf32, #tpu.memory_space<vmem>> -> memref<1x128x64xf32, #tpu.memory_space<vmem>>
        %dma_wait3A_538 = tpu.memref_squeeze %dma_wait3A_537 : memref<1x128x64xf32, #tpu.memory_space<vmem>> -> memref<128x64xf32, #tpu.memory_space<vmem>>
        %dma_wait3A_539 = arith.constant 0 : i32
        %dma_wait3A_540 = tpu.memref_slice %arg5[%add3A_374, %dma_wait3A_539] : memref<819200x128xf32, #tpu.memory_space<hbm>> -> memref<128x64xf32, #tpu.memory_space<hbm>>
        %dma_wait3A_541 = arith.constant 0 : i32
        %dma_wait3A_542 = tpu.memref_slice %arg5[%add3A_374, %dma_wait3A_541] : memref<819200x128xf32, #tpu.memory_space<hbm>> -> memref<128x64xf32, #tpu.memory_space<hbm>>
        %dma_wait3A_543 = arith.constant 0 : i32
        %dma_wait3A_544 = arith.constant 0 : i32
        %dma_wait3A_545 = tpu.memref_slice %arg9[%run_scoped3A_375, %dma_wait3A_543, %dma_wait3A_544] : memref<10x128x64xf32, #tpu.memory_space<vmem>> -> memref<1x128x64xf32, #tpu.memory_space<vmem>>
        %dma_wait3A_546 = tpu.memref_squeeze %dma_wait3A_545 : memref<1x128x64xf32, #tpu.memory_space<vmem>> -> memref<128x64xf32, #tpu.memory_space<vmem>>
        tpu.wait_dma2 semaphore(%run_scoped3A_522 : memref<!tpu.dma_semaphore, #tpu.memory_space<semaphore_mem>>) src(%dma_wait3A_546 : memref<128x64xf32, #tpu.memory_space<vmem>>) dst(%dma_wait3A_542 : memref<128x64xf32, #tpu.memory_space<hbm>>)
        tpu.yield
      }) : () -> ()
      %dma_wait3A_376 = arith.constant 4 : i32
      %dma_wait3A_377 = arith.constant 4 : i32
      %dma_wait3A_378 = arith.constant 0 : i32
      %dma_wait3A_379 = arith.constant 0 : i32
      %dma_wait3A_380 = tpu.memref_slice %arg9[%dma_wait3A_376, %dma_wait3A_378, %dma_wait3A_379] : memref<10x128x64xf32, #tpu.memory_space<vmem>> -> memref<1x128x64xf32, #tpu.memory_space<vmem>>
      %dma_wait3A_381 = tpu.memref_squeeze %dma_wait3A_380 : memref<1x128x64xf32, #tpu.memory_space<vmem>> -> memref<128x64xf32, #tpu.memory_space<vmem>>
      %dma_wait3A_382 = arith.constant 0 : i32
      %dma_wait3A_383 = arith.constant 0 : i32
      %dma_wait3A_384 = tpu.memref_slice %arg4[%dma_wait3A_382, %dma_wait3A_383] : memref<1000000x64xf32, #tpu.memory_space<hbm>> -> memref<128x64xf32, #tpu.memory_space<hbm>>
      %dma_wait3A_385 = tpu.memref_slice %arg10[%dma_wait3A_377] : memref<10x!tpu.dma_semaphore, #tpu.memory_space<semaphore_mem>> -> memref<1x!tpu.dma_semaphore, #tpu.memory_space<semaphore_mem>>
      %dma_wait3A_386 = tpu.memref_squeeze %dma_wait3A_385 : memref<1x!tpu.dma_semaphore, #tpu.memory_space<semaphore_mem>> -> memref<!tpu.dma_semaphore, #tpu.memory_space<semaphore_mem>>
      %dma_wait3A_387 = arith.constant 0 : i32
      %dma_wait3A_388 = arith.constant 0 : i32
      %dma_wait3A_389 = tpu.memref_slice %arg9[%dma_wait3A_376, %dma_wait3A_387, %dma_wait3A_388] : memref<10x128x64xf32, #tpu.memory_space<vmem>> -> memref<1x128x64xf32, #tpu.memory_space<vmem>>
      %dma_wait3A_390 = tpu.memref_squeeze %dma_wait3A_389 : memref<1x128x64xf32, #tpu.memory_space<vmem>> -> memref<128x64xf32, #tpu.memory_space<vmem>>
      %dma_wait3A_391 = arith.constant 0 : i32
      %dma_wait3A_392 = arith.constant 0 : i32
      %dma_wait3A_393 = tpu.memref_slice %arg4[%dma_wait3A_391, %dma_wait3A_392] : memref<1000000x64xf32, #tpu.memory_space<hbm>> -> memref<128x64xf32, #tpu.memory_space<hbm>>
      tpu.wait_dma2 semaphore(%dma_wait3A_386 : memref<!tpu.dma_semaphore, #tpu.memory_space<semaphore_mem>>) src(%dma_wait3A_393 : memref<128x64xf32, #tpu.memory_space<hbm>>) dst(%dma_wait3A_390 : memref<128x64xf32, #tpu.memory_space<vmem>>)
      %add3A_394 = arith.constant 4 : i32
      %add3A_395 = arith.addi %mul3A_281, %add3A_394 : i32
      %mul3A_396 = arith.constant 128 : i32
      %mul3A_397 = arith.muli %add3A_395, %mul3A_396 : i32
      %add3A_398 = arith.addi %mul3A_6, %mul3A_397 : i32
      %run_scoped3A_399 = arith.constant 4 : i32
      "tpu.region"() ({
        %run_scoped3A_522 = tpu.sem_alloc : memref<!tpu.dma_semaphore, #tpu.memory_space<semaphore_mem>>
        %dma_start3A_523 = arith.constant 0 : i32
        %dma_start3A_524 = arith.constant 0 : i32
        %dma_start3A_525 = tpu.memref_slice %arg9[%run_scoped3A_399, %dma_start3A_523, %dma_start3A_524] : memref<10x128x64xf32, #tpu.memory_space<vmem>> -> memref<1x128x64xf32, #tpu.memory_space<vmem>>
        %dma_start3A_526 = tpu.memref_squeeze %dma_start3A_525 : memref<1x128x64xf32, #tpu.memory_space<vmem>> -> memref<128x64xf32, #tpu.memory_space<vmem>>
        %dma_start3A_527 = arith.constant 0 : i32
        %dma_start3A_528 = tpu.memref_slice %arg5[%add3A_398, %dma_start3A_527] : memref<819200x128xf32, #tpu.memory_space<hbm>> -> memref<128x64xf32, #tpu.memory_space<hbm>>
        %dma_start3A_529 = arith.constant 0 : i32
        %dma_start3A_530 = tpu.memref_slice %arg5[%add3A_398, %dma_start3A_529] : memref<819200x128xf32, #tpu.memory_space<hbm>> -> memref<128x64xf32, #tpu.memory_space<hbm>>
        %dma_start3A_531 = arith.constant 0 : i32
        %dma_start3A_532 = arith.constant 0 : i32
        %dma_start3A_533 = tpu.memref_slice %arg9[%run_scoped3A_399, %dma_start3A_531, %dma_start3A_532] : memref<10x128x64xf32, #tpu.memory_space<vmem>> -> memref<1x128x64xf32, #tpu.memory_space<vmem>>
        %dma_start3A_534 = tpu.memref_squeeze %dma_start3A_533 : memref<1x128x64xf32, #tpu.memory_space<vmem>> -> memref<128x64xf32, #tpu.memory_space<vmem>>
        tpu.enqueue_dma source(%dma_start3A_534 : memref<128x64xf32, #tpu.memory_space<vmem>>) target(%dma_start3A_530 : memref<128x64xf32, #tpu.memory_space<hbm>>) target_semaphore(%run_scoped3A_522 : memref<!tpu.dma_semaphore, #tpu.memory_space<semaphore_mem>>)
        %dma_wait3A_535 = arith.constant 0 : i32
        %dma_wait3A_536 = arith.constant 0 : i32
        %dma_wait3A_537 = tpu.memref_slice %arg9[%run_scoped3A_399, %dma_wait3A_535, %dma_wait3A_536] : memref<10x128x64xf32, #tpu.memory_space<vmem>> -> memref<1x128x64xf32, #tpu.memory_space<vmem>>
        %dma_wait3A_538 = tpu.memref_squeeze %dma_wait3A_537 : memref<1x128x64xf32, #tpu.memory_space<vmem>> -> memref<128x64xf32, #tpu.memory_space<vmem>>
        %dma_wait3A_539 = arith.constant 0 : i32
        %dma_wait3A_540 = tpu.memref_slice %arg5[%add3A_398, %dma_wait3A_539] : memref<819200x128xf32, #tpu.memory_space<hbm>> -> memref<128x64xf32, #tpu.memory_space<hbm>>
        %dma_wait3A_541 = arith.constant 0 : i32
        %dma_wait3A_542 = tpu.memref_slice %arg5[%add3A_398, %dma_wait3A_541] : memref<819200x128xf32, #tpu.memory_space<hbm>> -> memref<128x64xf32, #tpu.memory_space<hbm>>
        %dma_wait3A_543 = arith.constant 0 : i32
        %dma_wait3A_544 = arith.constant 0 : i32
        %dma_wait3A_545 = tpu.memref_slice %arg9[%run_scoped3A_399, %dma_wait3A_543, %dma_wait3A_544] : memref<10x128x64xf32, #tpu.memory_space<vmem>> -> memref<1x128x64xf32, #tpu.memory_space<vmem>>
        %dma_wait3A_546 = tpu.memref_squeeze %dma_wait3A_545 : memref<1x128x64xf32, #tpu.memory_space<vmem>> -> memref<128x64xf32, #tpu.memory_space<vmem>>
        tpu.wait_dma2 semaphore(%run_scoped3A_522 : memref<!tpu.dma_semaphore, #tpu.memory_space<semaphore_mem>>) src(%dma_wait3A_546 : memref<128x64xf32, #tpu.memory_space<vmem>>) dst(%dma_wait3A_542 : memref<128x64xf32, #tpu.memory_space<hbm>>)
        tpu.yield
      }) : () -> ()
      %dma_wait3A_400 = arith.constant 5 : i32
      %dma_wait3A_401 = arith.constant 5 : i32
      %dma_wait3A_402 = arith.constant 0 : i32
      %dma_wait3A_403 = arith.constant 0 : i32
      %dma_wait3A_404 = tpu.memref_slice %arg9[%dma_wait3A_400, %dma_wait3A_402, %dma_wait3A_403] : memref<10x128x64xf32, #tpu.memory_space<vmem>> -> memref<1x128x64xf32, #tpu.memory_space<vmem>>
      %dma_wait3A_405 = tpu.memref_squeeze %dma_wait3A_404 : memref<1x128x64xf32, #tpu.memory_space<vmem>> -> memref<128x64xf32, #tpu.memory_space<vmem>>
      %dma_wait3A_406 = arith.constant 0 : i32
      %dma_wait3A_407 = arith.constant 0 : i32
      %dma_wait3A_408 = tpu.memref_slice %arg4[%dma_wait3A_406, %dma_wait3A_407] : memref<1000000x64xf32, #tpu.memory_space<hbm>> -> memref<128x64xf32, #tpu.memory_space<hbm>>
      %dma_wait3A_409 = tpu.memref_slice %arg10[%dma_wait3A_401] : memref<10x!tpu.dma_semaphore, #tpu.memory_space<semaphore_mem>> -> memref<1x!tpu.dma_semaphore, #tpu.memory_space<semaphore_mem>>
      %dma_wait3A_410 = tpu.memref_squeeze %dma_wait3A_409 : memref<1x!tpu.dma_semaphore, #tpu.memory_space<semaphore_mem>> -> memref<!tpu.dma_semaphore, #tpu.memory_space<semaphore_mem>>
      %dma_wait3A_411 = arith.constant 0 : i32
      %dma_wait3A_412 = arith.constant 0 : i32
      %dma_wait3A_413 = tpu.memref_slice %arg9[%dma_wait3A_400, %dma_wait3A_411, %dma_wait3A_412] : memref<10x128x64xf32, #tpu.memory_space<vmem>> -> memref<1x128x64xf32, #tpu.memory_space<vmem>>
      %dma_wait3A_414 = tpu.memref_squeeze %dma_wait3A_413 : memref<1x128x64xf32, #tpu.memory_space<vmem>> -> memref<128x64xf32, #tpu.memory_space<vmem>>
      %dma_wait3A_415 = arith.constant 0 : i32
      %dma_wait3A_416 = arith.constant 0 : i32
      %dma_wait3A_417 = tpu.memref_slice %arg4[%dma_wait3A_415, %dma_wait3A_416] : memref<1000000x64xf32, #tpu.memory_space<hbm>> -> memref<128x64xf32, #tpu.memory_space<hbm>>
      tpu.wait_dma2 semaphore(%dma_wait3A_410 : memref<!tpu.dma_semaphore, #tpu.memory_space<semaphore_mem>>) src(%dma_wait3A_417 : memref<128x64xf32, #tpu.memory_space<hbm>>) dst(%dma_wait3A_414 : memref<128x64xf32, #tpu.memory_space<vmem>>)
      %add3A_418 = arith.constant 5 : i32
      %add3A_419 = arith.addi %mul3A_281, %add3A_418 : i32
      %mul3A_420 = arith.constant 128 : i32
      %mul3A_421 = arith.muli %add3A_419, %mul3A_420 : i32
      %add3A_422 = arith.addi %mul3A_6, %mul3A_421 : i32
      %run_scoped3A_423 = arith.constant 5 : i32
      "tpu.region"() ({
        %run_scoped3A_522 = tpu.sem_alloc : memref<!tpu.dma_semaphore, #tpu.memory_space<semaphore_mem>>
        %dma_start3A_523 = arith.constant 0 : i32
        %dma_start3A_524 = arith.constant 0 : i32
        %dma_start3A_525 = tpu.memref_slice %arg9[%run_scoped3A_423, %dma_start3A_523, %dma_start3A_524] : memref<10x128x64xf32, #tpu.memory_space<vmem>> -> memref<1x128x64xf32, #tpu.memory_space<vmem>>
        %dma_start3A_526 = tpu.memref_squeeze %dma_start3A_525 : memref<1x128x64xf32, #tpu.memory_space<vmem>> -> memref<128x64xf32, #tpu.memory_space<vmem>>
        %dma_start3A_527 = arith.constant 0 : i32
        %dma_start3A_528 = tpu.memref_slice %arg5[%add3A_422, %dma_start3A_527] : memref<819200x128xf32, #tpu.memory_space<hbm>> -> memref<128x64xf32, #tpu.memory_space<hbm>>
        %dma_start3A_529 = arith.constant 0 : i32
        %dma_start3A_530 = tpu.memref_slice %arg5[%add3A_422, %dma_start3A_529] : memref<819200x128xf32, #tpu.memory_space<hbm>> -> memref<128x64xf32, #tpu.memory_space<hbm>>
        %dma_start3A_531 = arith.constant 0 : i32
        %dma_start3A_532 = arith.constant 0 : i32
        %dma_start3A_533 = tpu.memref_slice %arg9[%run_scoped3A_423, %dma_start3A_531, %dma_start3A_532] : memref<10x128x64xf32, #tpu.memory_space<vmem>> -> memref<1x128x64xf32, #tpu.memory_space<vmem>>
        %dma_start3A_534 = tpu.memref_squeeze %dma_start3A_533 : memref<1x128x64xf32, #tpu.memory_space<vmem>> -> memref<128x64xf32, #tpu.memory_space<vmem>>
        tpu.enqueue_dma source(%dma_start3A_534 : memref<128x64xf32, #tpu.memory_space<vmem>>) target(%dma_start3A_530 : memref<128x64xf32, #tpu.memory_space<hbm>>) target_semaphore(%run_scoped3A_522 : memref<!tpu.dma_semaphore, #tpu.memory_space<semaphore_mem>>)
        %dma_wait3A_535 = arith.constant 0 : i32
        %dma_wait3A_536 = arith.constant 0 : i32
        %dma_wait3A_537 = tpu.memref_slice %arg9[%run_scoped3A_423, %dma_wait3A_535, %dma_wait3A_536] : memref<10x128x64xf32, #tpu.memory_space<vmem>> -> memref<1x128x64xf32, #tpu.memory_space<vmem>>
        %dma_wait3A_538 = tpu.memref_squeeze %dma_wait3A_537 : memref<1x128x64xf32, #tpu.memory_space<vmem>> -> memref<128x64xf32, #tpu.memory_space<vmem>>
        %dma_wait3A_539 = arith.constant 0 : i32
        %dma_wait3A_540 = tpu.memref_slice %arg5[%add3A_422, %dma_wait3A_539] : memref<819200x128xf32, #tpu.memory_space<hbm>> -> memref<128x64xf32, #tpu.memory_space<hbm>>
        %dma_wait3A_541 = arith.constant 0 : i32
        %dma_wait3A_542 = tpu.memref_slice %arg5[%add3A_422, %dma_wait3A_541] : memref<819200x128xf32, #tpu.memory_space<hbm>> -> memref<128x64xf32, #tpu.memory_space<hbm>>
        %dma_wait3A_543 = arith.constant 0 : i32
        %dma_wait3A_544 = arith.constant 0 : i32
        %dma_wait3A_545 = tpu.memref_slice %arg9[%run_scoped3A_423, %dma_wait3A_543, %dma_wait3A_544] : memref<10x128x64xf32, #tpu.memory_space<vmem>> -> memref<1x128x64xf32, #tpu.memory_space<vmem>>
        %dma_wait3A_546 = tpu.memref_squeeze %dma_wait3A_545 : memref<1x128x64xf32, #tpu.memory_space<vmem>> -> memref<128x64xf32, #tpu.memory_space<vmem>>
        tpu.wait_dma2 semaphore(%run_scoped3A_522 : memref<!tpu.dma_semaphore, #tpu.memory_space<semaphore_mem>>) src(%dma_wait3A_546 : memref<128x64xf32, #tpu.memory_space<vmem>>) dst(%dma_wait3A_542 : memref<128x64xf32, #tpu.memory_space<hbm>>)
        tpu.yield
      }) : () -> ()
      %dma_wait3A_424 = arith.constant 6 : i32
      %dma_wait3A_425 = arith.constant 6 : i32
      %dma_wait3A_426 = arith.constant 0 : i32
      %dma_wait3A_427 = arith.constant 0 : i32
      %dma_wait3A_428 = tpu.memref_slice %arg9[%dma_wait3A_424, %dma_wait3A_426, %dma_wait3A_427] : memref<10x128x64xf32, #tpu.memory_space<vmem>> -> memref<1x128x64xf32, #tpu.memory_space<vmem>>
      %dma_wait3A_429 = tpu.memref_squeeze %dma_wait3A_428 : memref<1x128x64xf32, #tpu.memory_space<vmem>> -> memref<128x64xf32, #tpu.memory_space<vmem>>
      %dma_wait3A_430 = arith.constant 0 : i32
      %dma_wait3A_431 = arith.constant 0 : i32
      %dma_wait3A_432 = tpu.memref_slice %arg4[%dma_wait3A_430, %dma_wait3A_431] : memref<1000000x64xf32, #tpu.memory_space<hbm>> -> memref<128x64xf32, #tpu.memory_space<hbm>>
      %dma_wait3A_433 = tpu.memref_slice %arg10[%dma_wait3A_425] : memref<10x!tpu.dma_semaphore, #tpu.memory_space<semaphore_mem>> -> memref<1x!tpu.dma_semaphore, #tpu.memory_space<semaphore_mem>>
      %dma_wait3A_434 = tpu.memref_squeeze %dma_wait3A_433 : memref<1x!tpu.dma_semaphore, #tpu.memory_space<semaphore_mem>> -> memref<!tpu.dma_semaphore, #tpu.memory_space<semaphore_mem>>
      %dma_wait3A_435 = arith.constant 0 : i32
      %dma_wait3A_436 = arith.constant 0 : i32
      %dma_wait3A_437 = tpu.memref_slice %arg9[%dma_wait3A_424, %dma_wait3A_435, %dma_wait3A_436] : memref<10x128x64xf32, #tpu.memory_space<vmem>> -> memref<1x128x64xf32, #tpu.memory_space<vmem>>
      %dma_wait3A_438 = tpu.memref_squeeze %dma_wait3A_437 : memref<1x128x64xf32, #tpu.memory_space<vmem>> -> memref<128x64xf32, #tpu.memory_space<vmem>>
      %dma_wait3A_439 = arith.constant 0 : i32
      %dma_wait3A_440 = arith.constant 0 : i32
      %dma_wait3A_441 = tpu.memref_slice %arg4[%dma_wait3A_439, %dma_wait3A_440] : memref<1000000x64xf32, #tpu.memory_space<hbm>> -> memref<128x64xf32, #tpu.memory_space<hbm>>
      tpu.wait_dma2 semaphore(%dma_wait3A_434 : memref<!tpu.dma_semaphore, #tpu.memory_space<semaphore_mem>>) src(%dma_wait3A_441 : memref<128x64xf32, #tpu.memory_space<hbm>>) dst(%dma_wait3A_438 : memref<128x64xf32, #tpu.memory_space<vmem>>)
      %add3A_442 = arith.constant 6 : i32
      %add3A_443 = arith.addi %mul3A_281, %add3A_442 : i32
      %mul3A_444 = arith.constant 128 : i32
      %mul3A_445 = arith.muli %add3A_443, %mul3A_444 : i32
      %add3A_446 = arith.addi %mul3A_6, %mul3A_445 : i32
      %run_scoped3A_447 = arith.constant 6 : i32
      "tpu.region"() ({
        %run_scoped3A_522 = tpu.sem_alloc : memref<!tpu.dma_semaphore, #tpu.memory_space<semaphore_mem>>
        %dma_start3A_523 = arith.constant 0 : i32
        %dma_start3A_524 = arith.constant 0 : i32
        %dma_start3A_525 = tpu.memref_slice %arg9[%run_scoped3A_447, %dma_start3A_523, %dma_start3A_524] : memref<10x128x64xf32, #tpu.memory_space<vmem>> -> memref<1x128x64xf32, #tpu.memory_space<vmem>>
        %dma_start3A_526 = tpu.memref_squeeze %dma_start3A_525 : memref<1x128x64xf32, #tpu.memory_space<vmem>> -> memref<128x64xf32, #tpu.memory_space<vmem>>
        %dma_start3A_527 = arith.constant 0 : i32
        %dma_start3A_528 = tpu.memref_slice %arg5[%add3A_446, %dma_start3A_527] : memref<819200x128xf32, #tpu.memory_space<hbm>> -> memref<128x64xf32, #tpu.memory_space<hbm>>
        %dma_start3A_529 = arith.constant 0 : i32
        %dma_start3A_530 = tpu.memref_slice %arg5[%add3A_446, %dma_start3A_529] : memref<819200x128xf32, #tpu.memory_space<hbm>> -> memref<128x64xf32, #tpu.memory_space<hbm>>
        %dma_start3A_531 = arith.constant 0 : i32
        %dma_start3A_532 = arith.constant 0 : i32
        %dma_start3A_533 = tpu.memref_slice %arg9[%run_scoped3A_447, %dma_start3A_531, %dma_start3A_532] : memref<10x128x64xf32, #tpu.memory_space<vmem>> -> memref<1x128x64xf32, #tpu.memory_space<vmem>>
        %dma_start3A_534 = tpu.memref_squeeze %dma_start3A_533 : memref<1x128x64xf32, #tpu.memory_space<vmem>> -> memref<128x64xf32, #tpu.memory_space<vmem>>
        tpu.enqueue_dma source(%dma_start3A_534 : memref<128x64xf32, #tpu.memory_space<vmem>>) target(%dma_start3A_530 : memref<128x64xf32, #tpu.memory_space<hbm>>) target_semaphore(%run_scoped3A_522 : memref<!tpu.dma_semaphore, #tpu.memory_space<semaphore_mem>>)
        %dma_wait3A_535 = arith.constant 0 : i32
        %dma_wait3A_536 = arith.constant 0 : i32
        %dma_wait3A_537 = tpu.memref_slice %arg9[%run_scoped3A_447, %dma_wait3A_535, %dma_wait3A_536] : memref<10x128x64xf32, #tpu.memory_space<vmem>> -> memref<1x128x64xf32, #tpu.memory_space<vmem>>
        %dma_wait3A_538 = tpu.memref_squeeze %dma_wait3A_537 : memref<1x128x64xf32, #tpu.memory_space<vmem>> -> memref<128x64xf32, #tpu.memory_space<vmem>>
        %dma_wait3A_539 = arith.constant 0 : i32
        %dma_wait3A_540 = tpu.memref_slice %arg5[%add3A_446, %dma_wait3A_539] : memref<819200x128xf32, #tpu.memory_space<hbm>> -> memref<128x64xf32, #tpu.memory_space<hbm>>
        %dma_wait3A_541 = arith.constant 0 : i32
        %dma_wait3A_542 = tpu.memref_slice %arg5[%add3A_446, %dma_wait3A_541] : memref<819200x128xf32, #tpu.memory_space<hbm>> -> memref<128x64xf32, #tpu.memory_space<hbm>>
        %dma_wait3A_543 = arith.constant 0 : i32
        %dma_wait3A_544 = arith.constant 0 : i32
        %dma_wait3A_545 = tpu.memref_slice %arg9[%run_scoped3A_447, %dma_wait3A_543, %dma_wait3A_544] : memref<10x128x64xf32, #tpu.memory_space<vmem>> -> memref<1x128x64xf32, #tpu.memory_space<vmem>>
        %dma_wait3A_546 = tpu.memref_squeeze %dma_wait3A_545 : memref<1x128x64xf32, #tpu.memory_space<vmem>> -> memref<128x64xf32, #tpu.memory_space<vmem>>
        tpu.wait_dma2 semaphore(%run_scoped3A_522 : memref<!tpu.dma_semaphore, #tpu.memory_space<semaphore_mem>>) src(%dma_wait3A_546 : memref<128x64xf32, #tpu.memory_space<vmem>>) dst(%dma_wait3A_542 : memref<128x64xf32, #tpu.memory_space<hbm>>)
        tpu.yield
      }) : () -> ()
      %dma_wait3A_448 = arith.constant 7 : i32
      %dma_wait3A_449 = arith.constant 7 : i32
      %dma_wait3A_450 = arith.constant 0 : i32
      %dma_wait3A_451 = arith.constant 0 : i32
      %dma_wait3A_452 = tpu.memref_slice %arg9[%dma_wait3A_448, %dma_wait3A_450, %dma_wait3A_451] : memref<10x128x64xf32, #tpu.memory_space<vmem>> -> memref<1x128x64xf32, #tpu.memory_space<vmem>>
      %dma_wait3A_453 = tpu.memref_squeeze %dma_wait3A_452 : memref<1x128x64xf32, #tpu.memory_space<vmem>> -> memref<128x64xf32, #tpu.memory_space<vmem>>
      %dma_wait3A_454 = arith.constant 0 : i32
      %dma_wait3A_455 = arith.constant 0 : i32
      %dma_wait3A_456 = tpu.memref_slice %arg4[%dma_wait3A_454, %dma_wait3A_455] : memref<1000000x64xf32, #tpu.memory_space<hbm>> -> memref<128x64xf32, #tpu.memory_space<hbm>>
      %dma_wait3A_457 = tpu.memref_slice %arg10[%dma_wait3A_449] : memref<10x!tpu.dma_semaphore, #tpu.memory_space<semaphore_mem>> -> memref<1x!tpu.dma_semaphore, #tpu.memory_space<semaphore_mem>>
      %dma_wait3A_458 = tpu.memref_squeeze %dma_wait3A_457 : memref<1x!tpu.dma_semaphore, #tpu.memory_space<semaphore_mem>> -> memref<!tpu.dma_semaphore, #tpu.memory_space<semaphore_mem>>
      %dma_wait3A_459 = arith.constant 0 : i32
      %dma_wait3A_460 = arith.constant 0 : i32
      %dma_wait3A_461 = tpu.memref_slice %arg9[%dma_wait3A_448, %dma_wait3A_459, %dma_wait3A_460] : memref<10x128x64xf32, #tpu.memory_space<vmem>> -> memref<1x128x64xf32, #tpu.memory_space<vmem>>
      %dma_wait3A_462 = tpu.memref_squeeze %dma_wait3A_461 : memref<1x128x64xf32, #tpu.memory_space<vmem>> -> memref<128x64xf32, #tpu.memory_space<vmem>>
      %dma_wait3A_463 = arith.constant 0 : i32
      %dma_wait3A_464 = arith.constant 0 : i32
      %dma_wait3A_465 = tpu.memref_slice %arg4[%dma_wait3A_463, %dma_wait3A_464] : memref<1000000x64xf32, #tpu.memory_space<hbm>> -> memref<128x64xf32, #tpu.memory_space<hbm>>
      tpu.wait_dma2 semaphore(%dma_wait3A_458 : memref<!tpu.dma_semaphore, #tpu.memory_space<semaphore_mem>>) src(%dma_wait3A_465 : memref<128x64xf32, #tpu.memory_space<hbm>>) dst(%dma_wait3A_462 : memref<128x64xf32, #tpu.memory_space<vmem>>)
      %add3A_466 = arith.constant 7 : i32
      %add3A_467 = arith.addi %mul3A_281, %add3A_466 : i32
      %mul3A_468 = arith.constant 128 : i32
      %mul3A_469 = arith.muli %add3A_467, %mul3A_468 : i32
      %add3A_470 = arith.addi %mul3A_6, %mul3A_469 : i32
      %run_scoped3A_471 = arith.constant 7 : i32
      "tpu.region"() ({
        %run_scoped3A_522 = tpu.sem_alloc : memref<!tpu.dma_semaphore, #tpu.memory_space<semaphore_mem>>
        %dma_start3A_523 = arith.constant 0 : i32
        %dma_start3A_524 = arith.constant 0 : i32
        %dma_start3A_525 = tpu.memref_slice %arg9[%run_scoped3A_471, %dma_start3A_523, %dma_start3A_524] : memref<10x128x64xf32, #tpu.memory_space<vmem>> -> memref<1x128x64xf32, #tpu.memory_space<vmem>>
        %dma_start3A_526 = tpu.memref_squeeze %dma_start3A_525 : memref<1x128x64xf32, #tpu.memory_space<vmem>> -> memref<128x64xf32, #tpu.memory_space<vmem>>
        %dma_start3A_527 = arith.constant 0 : i32
        %dma_start3A_528 = tpu.memref_slice %arg5[%add3A_470, %dma_start3A_527] : memref<819200x128xf32, #tpu.memory_space<hbm>> -> memref<128x64xf32, #tpu.memory_space<hbm>>
        %dma_start3A_529 = arith.constant 0 : i32
        %dma_start3A_530 = tpu.memref_slice %arg5[%add3A_470, %dma_start3A_529] : memref<819200x128xf32, #tpu.memory_space<hbm>> -> memref<128x64xf32, #tpu.memory_space<hbm>>
        %dma_start3A_531 = arith.constant 0 : i32
        %dma_start3A_532 = arith.constant 0 : i32
        %dma_start3A_533 = tpu.memref_slice %arg9[%run_scoped3A_471, %dma_start3A_531, %dma_start3A_532] : memref<10x128x64xf32, #tpu.memory_space<vmem>> -> memref<1x128x64xf32, #tpu.memory_space<vmem>>
        %dma_start3A_534 = tpu.memref_squeeze %dma_start3A_533 : memref<1x128x64xf32, #tpu.memory_space<vmem>> -> memref<128x64xf32, #tpu.memory_space<vmem>>
        tpu.enqueue_dma source(%dma_start3A_534 : memref<128x64xf32, #tpu.memory_space<vmem>>) target(%dma_start3A_530 : memref<128x64xf32, #tpu.memory_space<hbm>>) target_semaphore(%run_scoped3A_522 : memref<!tpu.dma_semaphore, #tpu.memory_space<semaphore_mem>>)
        %dma_wait3A_535 = arith.constant 0 : i32
        %dma_wait3A_536 = arith.constant 0 : i32
        %dma_wait3A_537 = tpu.memref_slice %arg9[%run_scoped3A_471, %dma_wait3A_535, %dma_wait3A_536] : memref<10x128x64xf32, #tpu.memory_space<vmem>> -> memref<1x128x64xf32, #tpu.memory_space<vmem>>
        %dma_wait3A_538 = tpu.memref_squeeze %dma_wait3A_537 : memref<1x128x64xf32, #tpu.memory_space<vmem>> -> memref<128x64xf32, #tpu.memory_space<vmem>>
        %dma_wait3A_539 = arith.constant 0 : i32
        %dma_wait3A_540 = tpu.memref_slice %arg5[%add3A_470, %dma_wait3A_539] : memref<819200x128xf32, #tpu.memory_space<hbm>> -> memref<128x64xf32, #tpu.memory_space<hbm>>
        %dma_wait3A_541 = arith.constant 0 : i32
        %dma_wait3A_542 = tpu.memref_slice %arg5[%add3A_470, %dma_wait3A_541] : memref<819200x128xf32, #tpu.memory_space<hbm>> -> memref<128x64xf32, #tpu.memory_space<hbm>>
        %dma_wait3A_543 = arith.constant 0 : i32
        %dma_wait3A_544 = arith.constant 0 : i32
        %dma_wait3A_545 = tpu.memref_slice %arg9[%run_scoped3A_471, %dma_wait3A_543, %dma_wait3A_544] : memref<10x128x64xf32, #tpu.memory_space<vmem>> -> memref<1x128x64xf32, #tpu.memory_space<vmem>>
        %dma_wait3A_546 = tpu.memref_squeeze %dma_wait3A_545 : memref<1x128x64xf32, #tpu.memory_space<vmem>> -> memref<128x64xf32, #tpu.memory_space<vmem>>
        tpu.wait_dma2 semaphore(%run_scoped3A_522 : memref<!tpu.dma_semaphore, #tpu.memory_space<semaphore_mem>>) src(%dma_wait3A_546 : memref<128x64xf32, #tpu.memory_space<vmem>>) dst(%dma_wait3A_542 : memref<128x64xf32, #tpu.memory_space<hbm>>)
        tpu.yield
      }) : () -> ()
      %dma_wait3A_472 = arith.constant 8 : i32
      %dma_wait3A_473 = arith.constant 8 : i32
      %dma_wait3A_474 = arith.constant 0 : i32
      %dma_wait3A_475 = arith.constant 0 : i32
      %dma_wait3A_476 = tpu.memref_slice %arg9[%dma_wait3A_472, %dma_wait3A_474, %dma_wait3A_475] : memref<10x128x64xf32, #tpu.memory_space<vmem>> -> memref<1x128x64xf32, #tpu.memory_space<vmem>>
      %dma_wait3A_477 = tpu.memref_squeeze %dma_wait3A_476 : memref<1x128x64xf32, #tpu.memory_space<vmem>> -> memref<128x64xf32, #tpu.memory_space<vmem>>
      %dma_wait3A_478 = arith.constant 0 : i32
      %dma_wait3A_479 = arith.constant 0 : i32
      %dma_wait3A_480 = tpu.memref_slice %arg4[%dma_wait3A_478, %dma_wait3A_479] : memref<1000000x64xf32, #tpu.memory_space<hbm>> -> memref<128x64xf32, #tpu.memory_space<hbm>>
      %dma_wait3A_481 = tpu.memref_slice %arg10[%dma_wait3A_473] : memref<10x!tpu.dma_semaphore, #tpu.memory_space<semaphore_mem>> -> memref<1x!tpu.dma_semaphore, #tpu.memory_space<semaphore_mem>>
      %dma_wait3A_482 = tpu.memref_squeeze %dma_wait3A_481 : memref<1x!tpu.dma_semaphore, #tpu.memory_space<semaphore_mem>> -> memref<!tpu.dma_semaphore, #tpu.memory_space<semaphore_mem>>
      %dma_wait3A_483 = arith.constant 0 : i32
      %dma_wait3A_484 = arith.constant 0 : i32
      %dma_wait3A_485 = tpu.memref_slice %arg9[%dma_wait3A_472, %dma_wait3A_483, %dma_wait3A_484] : memref<10x128x64xf32, #tpu.memory_space<vmem>> -> memref<1x128x64xf32, #tpu.memory_space<vmem>>
      %dma_wait3A_486 = tpu.memref_squeeze %dma_wait3A_485 : memref<1x128x64xf32, #tpu.memory_space<vmem>> -> memref<128x64xf32, #tpu.memory_space<vmem>>
      %dma_wait3A_487 = arith.constant 0 : i32
      %dma_wait3A_488 = arith.constant 0 : i32
      %dma_wait3A_489 = tpu.memref_slice %arg4[%dma_wait3A_487, %dma_wait3A_488] : memref<1000000x64xf32, #tpu.memory_space<hbm>> -> memref<128x64xf32, #tpu.memory_space<hbm>>
      tpu.wait_dma2 semaphore(%dma_wait3A_482 : memref<!tpu.dma_semaphore, #tpu.memory_space<semaphore_mem>>) src(%dma_wait3A_489 : memref<128x64xf32, #tpu.memory_space<hbm>>) dst(%dma_wait3A_486 : memref<128x64xf32, #tpu.memory_space<vmem>>)
      %add3A_490 = arith.constant 8 : i32
      %add3A_491 = arith.addi %mul3A_281, %add3A_490 : i32
      %mul3A_492 = arith.constant 128 : i32
      %mul3A_493 = arith.muli %add3A_491, %mul3A_492 : i32
      %add3A_494 = arith.addi %mul3A_6, %mul3A_493 : i32
      %run_scoped3A_495 = arith.constant 8 : i32
      "tpu.region"() ({
        %run_scoped3A_522 = tpu.sem_alloc : memref<!tpu.dma_semaphore, #tpu.memory_space<semaphore_mem>>
        %dma_start3A_523 = arith.constant 0 : i32
        %dma_start3A_524 = arith.constant 0 : i32
        %dma_start3A_525 = tpu.memref_slice %arg9[%run_scoped3A_495, %dma_start3A_523, %dma_start3A_524] : memref<10x128x64xf32, #tpu.memory_space<vmem>> -> memref<1x128x64xf32, #tpu.memory_space<vmem>>
        %dma_start3A_526 = tpu.memref_squeeze %dma_start3A_525 : memref<1x128x64xf32, #tpu.memory_space<vmem>> -> memref<128x64xf32, #tpu.memory_space<vmem>>
        %dma_start3A_527 = arith.constant 0 : i32
        %dma_start3A_528 = tpu.memref_slice %arg5[%add3A_494, %dma_start3A_527] : memref<819200x128xf32, #tpu.memory_space<hbm>> -> memref<128x64xf32, #tpu.memory_space<hbm>>
        %dma_start3A_529 = arith.constant 0 : i32
        %dma_start3A_530 = tpu.memref_slice %arg5[%add3A_494, %dma_start3A_529] : memref<819200x128xf32, #tpu.memory_space<hbm>> -> memref<128x64xf32, #tpu.memory_space<hbm>>
        %dma_start3A_531 = arith.constant 0 : i32
        %dma_start3A_532 = arith.constant 0 : i32
        %dma_start3A_533 = tpu.memref_slice %arg9[%run_scoped3A_495, %dma_start3A_531, %dma_start3A_532] : memref<10x128x64xf32, #tpu.memory_space<vmem>> -> memref<1x128x64xf32, #tpu.memory_space<vmem>>
        %dma_start3A_534 = tpu.memref_squeeze %dma_start3A_533 : memref<1x128x64xf32, #tpu.memory_space<vmem>> -> memref<128x64xf32, #tpu.memory_space<vmem>>
        tpu.enqueue_dma source(%dma_start3A_534 : memref<128x64xf32, #tpu.memory_space<vmem>>) target(%dma_start3A_530 : memref<128x64xf32, #tpu.memory_space<hbm>>) target_semaphore(%run_scoped3A_522 : memref<!tpu.dma_semaphore, #tpu.memory_space<semaphore_mem>>)
        %dma_wait3A_535 = arith.constant 0 : i32
        %dma_wait3A_536 = arith.constant 0 : i32
        %dma_wait3A_537 = tpu.memref_slice %arg9[%run_scoped3A_495, %dma_wait3A_535, %dma_wait3A_536] : memref<10x128x64xf32, #tpu.memory_space<vmem>> -> memref<1x128x64xf32, #tpu.memory_space<vmem>>
        %dma_wait3A_538 = tpu.memref_squeeze %dma_wait3A_537 : memref<1x128x64xf32, #tpu.memory_space<vmem>> -> memref<128x64xf32, #tpu.memory_space<vmem>>
        %dma_wait3A_539 = arith.constant 0 : i32
        %dma_wait3A_540 = tpu.memref_slice %arg5[%add3A_494, %dma_wait3A_539] : memref<819200x128xf32, #tpu.memory_space<hbm>> -> memref<128x64xf32, #tpu.memory_space<hbm>>
        %dma_wait3A_541 = arith.constant 0 : i32
        %dma_wait3A_542 = tpu.memref_slice %arg5[%add3A_494, %dma_wait3A_541] : memref<819200x128xf32, #tpu.memory_space<hbm>> -> memref<128x64xf32, #tpu.memory_space<hbm>>
        %dma_wait3A_543 = arith.constant 0 : i32
        %dma_wait3A_544 = arith.constant 0 : i32
        %dma_wait3A_545 = tpu.memref_slice %arg9[%run_scoped3A_495, %dma_wait3A_543, %dma_wait3A_544] : memref<10x128x64xf32, #tpu.memory_space<vmem>> -> memref<1x128x64xf32, #tpu.memory_space<vmem>>
        %dma_wait3A_546 = tpu.memref_squeeze %dma_wait3A_545 : memref<1x128x64xf32, #tpu.memory_space<vmem>> -> memref<128x64xf32, #tpu.memory_space<vmem>>
        tpu.wait_dma2 semaphore(%run_scoped3A_522 : memref<!tpu.dma_semaphore, #tpu.memory_space<semaphore_mem>>) src(%dma_wait3A_546 : memref<128x64xf32, #tpu.memory_space<vmem>>) dst(%dma_wait3A_542 : memref<128x64xf32, #tpu.memory_space<hbm>>)
        tpu.yield
      }) : () -> ()
      %dma_wait3A_496 = arith.constant 9 : i32
      %dma_wait3A_497 = arith.constant 9 : i32
      %dma_wait3A_498 = arith.constant 0 : i32
      %dma_wait3A_499 = arith.constant 0 : i32
      %dma_wait3A_500 = tpu.memref_slice %arg9[%dma_wait3A_496, %dma_wait3A_498, %dma_wait3A_499] : memref<10x128x64xf32, #tpu.memory_space<vmem>> -> memref<1x128x64xf32, #tpu.memory_space<vmem>>
      %dma_wait3A_501 = tpu.memref_squeeze %dma_wait3A_500 : memref<1x128x64xf32, #tpu.memory_space<vmem>> -> memref<128x64xf32, #tpu.memory_space<vmem>>
      %dma_wait3A_502 = arith.constant 0 : i32
      %dma_wait3A_503 = arith.constant 0 : i32
      %dma_wait3A_504 = tpu.memref_slice %arg4[%dma_wait3A_502, %dma_wait3A_503] : memref<1000000x64xf32, #tpu.memory_space<hbm>> -> memref<128x64xf32, #tpu.memory_space<hbm>>
      %dma_wait3A_505 = tpu.memref_slice %arg10[%dma_wait3A_497] : memref<10x!tpu.dma_semaphore, #tpu.memory_space<semaphore_mem>> -> memref<1x!tpu.dma_semaphore, #tpu.memory_space<semaphore_mem>>
      %dma_wait3A_506 = tpu.memref_squeeze %dma_wait3A_505 : memref<1x!tpu.dma_semaphore, #tpu.memory_space<semaphore_mem>> -> memref<!tpu.dma_semaphore, #tpu.memory_space<semaphore_mem>>
      %dma_wait3A_507 = arith.constant 0 : i32
      %dma_wait3A_508 = arith.constant 0 : i32
      %dma_wait3A_509 = tpu.memref_slice %arg9[%dma_wait3A_496, %dma_wait3A_507, %dma_wait3A_508] : memref<10x128x64xf32, #tpu.memory_space<vmem>> -> memref<1x128x64xf32, #tpu.memory_space<vmem>>
      %dma_wait3A_510 = tpu.memref_squeeze %dma_wait3A_509 : memref<1x128x64xf32, #tpu.memory_space<vmem>> -> memref<128x64xf32, #tpu.memory_space<vmem>>
      %dma_wait3A_511 = arith.constant 0 : i32
      %dma_wait3A_512 = arith.constant 0 : i32
      %dma_wait3A_513 = tpu.memref_slice %arg4[%dma_wait3A_511, %dma_wait3A_512] : memref<1000000x64xf32, #tpu.memory_space<hbm>> -> memref<128x64xf32, #tpu.memory_space<hbm>>
      tpu.wait_dma2 semaphore(%dma_wait3A_506 : memref<!tpu.dma_semaphore, #tpu.memory_space<semaphore_mem>>) src(%dma_wait3A_513 : memref<128x64xf32, #tpu.memory_space<hbm>>) dst(%dma_wait3A_510 : memref<128x64xf32, #tpu.memory_space<vmem>>)
      %add3A_514 = arith.constant 9 : i32
      %add3A_515 = arith.addi %mul3A_281, %add3A_514 : i32
      %mul3A_516 = arith.constant 128 : i32
      %mul3A_517 = arith.muli %add3A_515, %mul3A_516 : i32
      %add3A_518 = arith.addi %mul3A_6, %mul3A_517 : i32
      %run_scoped3A_519 = arith.constant 9 : i32
      "tpu.region"() ({
        %run_scoped3A_522 = tpu.sem_alloc : memref<!tpu.dma_semaphore, #tpu.memory_space<semaphore_mem>>
        %dma_start3A_523 = arith.constant 0 : i32
        %dma_start3A_524 = arith.constant 0 : i32
        %dma_start3A_525 = tpu.memref_slice %arg9[%run_scoped3A_519, %dma_start3A_523, %dma_start3A_524] : memref<10x128x64xf32, #tpu.memory_space<vmem>> -> memref<1x128x64xf32, #tpu.memory_space<vmem>>
        %dma_start3A_526 = tpu.memref_squeeze %dma_start3A_525 : memref<1x128x64xf32, #tpu.memory_space<vmem>> -> memref<128x64xf32, #tpu.memory_space<vmem>>
        %dma_start3A_527 = arith.constant 0 : i32
        %dma_start3A_528 = tpu.memref_slice %arg5[%add3A_518, %dma_start3A_527] : memref<819200x128xf32, #tpu.memory_space<hbm>> -> memref<128x64xf32, #tpu.memory_space<hbm>>
        %dma_start3A_529 = arith.constant 0 : i32
        %dma_start3A_530 = tpu.memref_slice %arg5[%add3A_518, %dma_start3A_529] : memref<819200x128xf32, #tpu.memory_space<hbm>> -> memref<128x64xf32, #tpu.memory_space<hbm>>
        %dma_start3A_531 = arith.constant 0 : i32
        %dma_start3A_532 = arith.constant 0 : i32
        %dma_start3A_533 = tpu.memref_slice %arg9[%run_scoped3A_519, %dma_start3A_531, %dma_start3A_532] : memref<10x128x64xf32, #tpu.memory_space<vmem>> -> memref<1x128x64xf32, #tpu.memory_space<vmem>>
        %dma_start3A_534 = tpu.memref_squeeze %dma_start3A_533 : memref<1x128x64xf32, #tpu.memory_space<vmem>> -> memref<128x64xf32, #tpu.memory_space<vmem>>
        tpu.enqueue_dma source(%dma_start3A_534 : memref<128x64xf32, #tpu.memory_space<vmem>>) target(%dma_start3A_530 : memref<128x64xf32, #tpu.memory_space<hbm>>) target_semaphore(%run_scoped3A_522 : memref<!tpu.dma_semaphore, #tpu.memory_space<semaphore_mem>>)
        %dma_wait3A_535 = arith.constant 0 : i32
        %dma_wait3A_536 = arith.constant 0 : i32
        %dma_wait3A_537 = tpu.memref_slice %arg9[%run_scoped3A_519, %dma_wait3A_535, %dma_wait3A_536] : memref<10x128x64xf32, #tpu.memory_space<vmem>> -> memref<1x128x64xf32, #tpu.memory_space<vmem>>
        %dma_wait3A_538 = tpu.memref_squeeze %dma_wait3A_537 : memref<1x128x64xf32, #tpu.memory_space<vmem>> -> memref<128x64xf32, #tpu.memory_space<vmem>>
        %dma_wait3A_539 = arith.constant 0 : i32
        %dma_wait3A_540 = tpu.memref_slice %arg5[%add3A_518, %dma_wait3A_539] : memref<819200x128xf32, #tpu.memory_space<hbm>> -> memref<128x64xf32, #tpu.memory_space<hbm>>
        %dma_wait3A_541 = arith.constant 0 : i32
        %dma_wait3A_542 = tpu.memref_slice %arg5[%add3A_518, %dma_wait3A_541] : memref<819200x128xf32, #tpu.memory_space<hbm>> -> memref<128x64xf32, #tpu.memory_space<hbm>>
        %dma_wait3A_543 = arith.constant 0 : i32
        %dma_wait3A_544 = arith.constant 0 : i32
        %dma_wait3A_545 = tpu.memref_slice %arg9[%run_scoped3A_519, %dma_wait3A_543, %dma_wait3A_544] : memref<10x128x64xf32, #tpu.memory_space<vmem>> -> memref<1x128x64xf32, #tpu.memory_space<vmem>>
        %dma_wait3A_546 = tpu.memref_squeeze %dma_wait3A_545 : memref<1x128x64xf32, #tpu.memory_space<vmem>> -> memref<128x64xf32, #tpu.memory_space<vmem>>
        tpu.wait_dma2 semaphore(%run_scoped3A_522 : memref<!tpu.dma_semaphore, #tpu.memory_space<semaphore_mem>>) src(%dma_wait3A_546 : memref<128x64xf32, #tpu.memory_space<vmem>>) dst(%dma_wait3A_542 : memref<128x64xf32, #tpu.memory_space<hbm>>)
        tpu.yield
      }) : () -> ()
      %lt3A = arith.constant 19 : i32
      %lt3A_520 = arith.cmpi slt, %scan3A_279, %lt3A : i32
      %convert_element_type3A = arith.extui %lt3A_520 : i1 to i32
      %cond3A = arith.constant 0 : i32
      %cond3A_521 = arith.cmpi ne, %convert_element_type3A, %cond3A : i32
      scf.if %cond3A_521 {
        %add3A_522 = arith.constant 10 : i32
        %add3A_523 = arith.addi %mul3A_281, %add3A_522 : i32
        %add3A_524 = arith.constant 0 : i32
        %add3A_525 = arith.addi %add3A_523, %add3A_524 : i32
        %mul3A_526 = arith.constant 128 : i32
        %mul3A_527 = arith.muli %add3A_525, %mul3A_526 : i32
        %dma_start3A_528 = arith.constant 0 : i32
        %dma_start3A_529 = arith.constant 0 : i32
        %dma_start3A_530 = arith.constant 0 : i32
        %dma_start3A_531 = arith.constant 0 : i32
        %dma_start3A_532 = tpu.memref_slice %arg9[%dma_start3A_528, %dma_start3A_530, %dma_start3A_531] : memref<10x128x64xf32, #tpu.memory_space<vmem>> -> memref<1x128x64xf32, #tpu.memory_space<vmem>>
        %dma_start3A_533 = tpu.memref_squeeze %dma_start3A_532 : memref<1x128x64xf32, #tpu.memory_space<vmem>> -> memref<128x64xf32, #tpu.memory_space<vmem>>
        %dma_start3A_534 = tpu.memref_slice %arg7[%mul3A_527] : memref<25600xi32, #tpu.memory_space<vmem>> -> memref<128xi32, #tpu.memory_space<vmem>>
        %dma_start3A_535 = arith.constant 0 : i32
        %dma_start3A_536 = arith.constant 0 : i32
        %dma_start3A_537 = tpu.memref_slice %arg4[%dma_start3A_535, %dma_start3A_536] : memref<1000000x64xf32, #tpu.memory_space<hbm>> -> memref<1000000x64xf32, #tpu.memory_space<hbm>>
        %dma_start3A_538 = tpu.memref_slice %arg10[%dma_start3A_529] : memref<10x!tpu.dma_semaphore, #tpu.memory_space<semaphore_mem>> -> memref<1x!tpu.dma_semaphore, #tpu.memory_space<semaphore_mem>>
        %dma_start3A_539 = tpu.memref_squeeze %dma_start3A_538 : memref<1x!tpu.dma_semaphore, #tpu.memory_space<semaphore_mem>> -> memref<!tpu.dma_semaphore, #tpu.memory_space<semaphore_mem>>
        tpu.enqueue_indirect_dma source(%dma_start3A_537 : memref<1000000x64xf32, #tpu.memory_space<hbm>>) target(%dma_start3A_533 : memref<128x64xf32, #tpu.memory_space<vmem>>) offsets(%dma_start3A_534 : memref<128xi32, #tpu.memory_space<vmem>>) semaphore(%dma_start3A_539 : memref<!tpu.dma_semaphore, #tpu.memory_space<semaphore_mem>>)
        %add3A_540 = arith.constant 10 : i32
        %add3A_541 = arith.addi %mul3A_281, %add3A_540 : i32
        %add3A_542 = arith.constant 1 : i32
        %add3A_543 = arith.addi %add3A_541, %add3A_542 : i32
        %mul3A_544 = arith.constant 128 : i32
        %mul3A_545 = arith.muli %add3A_543, %mul3A_544 : i32
        %dma_start3A_546 = arith.constant 1 : i32
        %dma_start3A_547 = arith.constant 1 : i32
        %dma_start3A_548 = arith.constant 0 : i32
        %dma_start3A_549 = arith.constant 0 : i32
        %dma_start3A_550 = tpu.memref_slice %arg9[%dma_start3A_546, %dma_start3A_548, %dma_start3A_549] : memref<10x128x64xf32, #tpu.memory_space<vmem>> -> memref<1x128x64xf32, #tpu.memory_space<vmem>>
        %dma_start3A_551 = tpu.memref_squeeze %dma_start3A_550 : memref<1x128x64xf32, #tpu.memory_space<vmem>> -> memref<128x64xf32, #tpu.memory_space<vmem>>
        %dma_start3A_552 = tpu.memref_slice %arg7[%mul3A_545] : memref<25600xi32, #tpu.memory_space<vmem>> -> memref<128xi32, #tpu.memory_space<vmem>>
        %dma_start3A_553 = arith.constant 0 : i32
        %dma_start3A_554 = arith.constant 0 : i32
        %dma_start3A_555 = tpu.memref_slice %arg4[%dma_start3A_553, %dma_start3A_554] : memref<1000000x64xf32, #tpu.memory_space<hbm>> -> memref<1000000x64xf32, #tpu.memory_space<hbm>>
        %dma_start3A_556 = tpu.memref_slice %arg10[%dma_start3A_547] : memref<10x!tpu.dma_semaphore, #tpu.memory_space<semaphore_mem>> -> memref<1x!tpu.dma_semaphore, #tpu.memory_space<semaphore_mem>>
        %dma_start3A_557 = tpu.memref_squeeze %dma_start3A_556 : memref<1x!tpu.dma_semaphore, #tpu.memory_space<semaphore_mem>> -> memref<!tpu.dma_semaphore, #tpu.memory_space<semaphore_mem>>
        tpu.enqueue_indirect_dma source(%dma_start3A_555 : memref<1000000x64xf32, #tpu.memory_space<hbm>>) target(%dma_start3A_551 : memref<128x64xf32, #tpu.memory_space<vmem>>) offsets(%dma_start3A_552 : memref<128xi32, #tpu.memory_space<vmem>>) semaphore(%dma_start3A_557 : memref<!tpu.dma_semaphore, #tpu.memory_space<semaphore_mem>>)
        %add3A_558 = arith.constant 10 : i32
        %add3A_559 = arith.addi %mul3A_281, %add3A_558 : i32
        %add3A_560 = arith.constant 2 : i32
        %add3A_561 = arith.addi %add3A_559, %add3A_560 : i32
        %mul3A_562 = arith.constant 128 : i32
        %mul3A_563 = arith.muli %add3A_561, %mul3A_562 : i32
        %dma_start3A_564 = arith.constant 2 : i32
        %dma_start3A_565 = arith.constant 2 : i32
        %dma_start3A_566 = arith.constant 0 : i32
        %dma_start3A_567 = arith.constant 0 : i32
        %dma_start3A_568 = tpu.memref_slice %arg9[%dma_start3A_564, %dma_start3A_566, %dma_start3A_567] : memref<10x128x64xf32, #tpu.memory_space<vmem>> -> memref<1x128x64xf32, #tpu.memory_space<vmem>>
        %dma_start3A_569 = tpu.memref_squeeze %dma_start3A_568 : memref<1x128x64xf32, #tpu.memory_space<vmem>> -> memref<128x64xf32, #tpu.memory_space<vmem>>
        %dma_start3A_570 = tpu.memref_slice %arg7[%mul3A_563] : memref<25600xi32, #tpu.memory_space<vmem>> -> memref<128xi32, #tpu.memory_space<vmem>>
        %dma_start3A_571 = arith.constant 0 : i32
        %dma_start3A_572 = arith.constant 0 : i32
        %dma_start3A_573 = tpu.memref_slice %arg4[%dma_start3A_571, %dma_start3A_572] : memref<1000000x64xf32, #tpu.memory_space<hbm>> -> memref<1000000x64xf32, #tpu.memory_space<hbm>>
        %dma_start3A_574 = tpu.memref_slice %arg10[%dma_start3A_565] : memref<10x!tpu.dma_semaphore, #tpu.memory_space<semaphore_mem>> -> memref<1x!tpu.dma_semaphore, #tpu.memory_space<semaphore_mem>>
        %dma_start3A_575 = tpu.memref_squeeze %dma_start3A_574 : memref<1x!tpu.dma_semaphore, #tpu.memory_space<semaphore_mem>> -> memref<!tpu.dma_semaphore, #tpu.memory_space<semaphore_mem>>
        tpu.enqueue_indirect_dma source(%dma_start3A_573 : memref<1000000x64xf32, #tpu.memory_space<hbm>>) target(%dma_start3A_569 : memref<128x64xf32, #tpu.memory_space<vmem>>) offsets(%dma_start3A_570 : memref<128xi32, #tpu.memory_space<vmem>>) semaphore(%dma_start3A_575 : memref<!tpu.dma_semaphore, #tpu.memory_space<semaphore_mem>>)
        %add3A_576 = arith.constant 10 : i32
        %add3A_577 = arith.addi %mul3A_281, %add3A_576 : i32
        %add3A_578 = arith.constant 3 : i32
        %add3A_579 = arith.addi %add3A_577, %add3A_578 : i32
        %mul3A_580 = arith.constant 128 : i32
        %mul3A_581 = arith.muli %add3A_579, %mul3A_580 : i32
        %dma_start3A_582 = arith.constant 3 : i32
        %dma_start3A_583 = arith.constant 3 : i32
        %dma_start3A_584 = arith.constant 0 : i32
        %dma_start3A_585 = arith.constant 0 : i32
        %dma_start3A_586 = tpu.memref_slice %arg9[%dma_start3A_582, %dma_start3A_584, %dma_start3A_585] : memref<10x128x64xf32, #tpu.memory_space<vmem>> -> memref<1x128x64xf32, #tpu.memory_space<vmem>>
        %dma_start3A_587 = tpu.memref_squeeze %dma_start3A_586 : memref<1x128x64xf32, #tpu.memory_space<vmem>> -> memref<128x64xf32, #tpu.memory_space<vmem>>
        %dma_start3A_588 = tpu.memref_slice %arg7[%mul3A_581] : memref<25600xi32, #tpu.memory_space<vmem>> -> memref<128xi32, #tpu.memory_space<vmem>>
        %dma_start3A_589 = arith.constant 0 : i32
        %dma_start3A_590 = arith.constant 0 : i32
        %dma_start3A_591 = tpu.memref_slice %arg4[%dma_start3A_589, %dma_start3A_590] : memref<1000000x64xf32, #tpu.memory_space<hbm>> -> memref<1000000x64xf32, #tpu.memory_space<hbm>>
        %dma_start3A_592 = tpu.memref_slice %arg10[%dma_start3A_583] : memref<10x!tpu.dma_semaphore, #tpu.memory_space<semaphore_mem>> -> memref<1x!tpu.dma_semaphore, #tpu.memory_space<semaphore_mem>>
        %dma_start3A_593 = tpu.memref_squeeze %dma_start3A_592 : memref<1x!tpu.dma_semaphore, #tpu.memory_space<semaphore_mem>> -> memref<!tpu.dma_semaphore, #tpu.memory_space<semaphore_mem>>
        tpu.enqueue_indirect_dma source(%dma_start3A_591 : memref<1000000x64xf32, #tpu.memory_space<hbm>>) target(%dma_start3A_587 : memref<128x64xf32, #tpu.memory_space<vmem>>) offsets(%dma_start3A_588 : memref<128xi32, #tpu.memory_space<vmem>>) semaphore(%dma_start3A_593 : memref<!tpu.dma_semaphore, #tpu.memory_space<semaphore_mem>>)
        %add3A_594 = arith.constant 10 : i32
        %add3A_595 = arith.addi %mul3A_281, %add3A_594 : i32
        %add3A_596 = arith.constant 4 : i32
        %add3A_597 = arith.addi %add3A_595, %add3A_596 : i32
        %mul3A_598 = arith.constant 128 : i32
        %mul3A_599 = arith.muli %add3A_597, %mul3A_598 : i32
        %dma_start3A_600 = arith.constant 4 : i32
        %dma_start3A_601 = arith.constant 4 : i32
        %dma_start3A_602 = arith.constant 0 : i32
        %dma_start3A_603 = arith.constant 0 : i32
        %dma_start3A_604 = tpu.memref_slice %arg9[%dma_start3A_600, %dma_start3A_602, %dma_start3A_603] : memref<10x128x64xf32, #tpu.memory_space<vmem>> -> memref<1x128x64xf32, #tpu.memory_space<vmem>>
        %dma_start3A_605 = tpu.memref_squeeze %dma_start3A_604 : memref<1x128x64xf32, #tpu.memory_space<vmem>> -> memref<128x64xf32, #tpu.memory_space<vmem>>
        %dma_start3A_606 = tpu.memref_slice %arg7[%mul3A_599] : memref<25600xi32, #tpu.memory_space<vmem>> -> memref<128xi32, #tpu.memory_space<vmem>>
        %dma_start3A_607 = arith.constant 0 : i32
        %dma_start3A_608 = arith.constant 0 : i32
        %dma_start3A_609 = tpu.memref_slice %arg4[%dma_start3A_607, %dma_start3A_608] : memref<1000000x64xf32, #tpu.memory_space<hbm>> -> memref<1000000x64xf32, #tpu.memory_space<hbm>>
        %dma_start3A_610 = tpu.memref_slice %arg10[%dma_start3A_601] : memref<10x!tpu.dma_semaphore, #tpu.memory_space<semaphore_mem>> -> memref<1x!tpu.dma_semaphore, #tpu.memory_space<semaphore_mem>>
        %dma_start3A_611 = tpu.memref_squeeze %dma_start3A_610 : memref<1x!tpu.dma_semaphore, #tpu.memory_space<semaphore_mem>> -> memref<!tpu.dma_semaphore, #tpu.memory_space<semaphore_mem>>
        tpu.enqueue_indirect_dma source(%dma_start3A_609 : memref<1000000x64xf32, #tpu.memory_space<hbm>>) target(%dma_start3A_605 : memref<128x64xf32, #tpu.memory_space<vmem>>) offsets(%dma_start3A_606 : memref<128xi32, #tpu.memory_space<vmem>>) semaphore(%dma_start3A_611 : memref<!tpu.dma_semaphore, #tpu.memory_space<semaphore_mem>>)
        %add3A_612 = arith.constant 10 : i32
        %add3A_613 = arith.addi %mul3A_281, %add3A_612 : i32
        %add3A_614 = arith.constant 5 : i32
        %add3A_615 = arith.addi %add3A_613, %add3A_614 : i32
        %mul3A_616 = arith.constant 128 : i32
        %mul3A_617 = arith.muli %add3A_615, %mul3A_616 : i32
        %dma_start3A_618 = arith.constant 5 : i32
        %dma_start3A_619 = arith.constant 5 : i32
        %dma_start3A_620 = arith.constant 0 : i32
        %dma_start3A_621 = arith.constant 0 : i32
        %dma_start3A_622 = tpu.memref_slice %arg9[%dma_start3A_618, %dma_start3A_620, %dma_start3A_621] : memref<10x128x64xf32, #tpu.memory_space<vmem>> -> memref<1x128x64xf32, #tpu.memory_space<vmem>>
        %dma_start3A_623 = tpu.memref_squeeze %dma_start3A_622 : memref<1x128x64xf32, #tpu.memory_space<vmem>> -> memref<128x64xf32, #tpu.memory_space<vmem>>
        %dma_start3A_624 = tpu.memref_slice %arg7[%mul3A_617] : memref<25600xi32, #tpu.memory_space<vmem>> -> memref<128xi32, #tpu.memory_space<vmem>>
        %dma_start3A_625 = arith.constant 0 : i32
        %dma_start3A_626 = arith.constant 0 : i32
        %dma_start3A_627 = tpu.memref_slice %arg4[%dma_start3A_625, %dma_start3A_626] : memref<1000000x64xf32, #tpu.memory_space<hbm>> -> memref<1000000x64xf32, #tpu.memory_space<hbm>>
        %dma_start3A_628 = tpu.memref_slice %arg10[%dma_start3A_619] : memref<10x!tpu.dma_semaphore, #tpu.memory_space<semaphore_mem>> -> memref<1x!tpu.dma_semaphore, #tpu.memory_space<semaphore_mem>>
        %dma_start3A_629 = tpu.memref_squeeze %dma_start3A_628 : memref<1x!tpu.dma_semaphore, #tpu.memory_space<semaphore_mem>> -> memref<!tpu.dma_semaphore, #tpu.memory_space<semaphore_mem>>
        tpu.enqueue_indirect_dma source(%dma_start3A_627 : memref<1000000x64xf32, #tpu.memory_space<hbm>>) target(%dma_start3A_623 : memref<128x64xf32, #tpu.memory_space<vmem>>) offsets(%dma_start3A_624 : memref<128xi32, #tpu.memory_space<vmem>>) semaphore(%dma_start3A_629 : memref<!tpu.dma_semaphore, #tpu.memory_space<semaphore_mem>>)
        %add3A_630 = arith.constant 10 : i32
        %add3A_631 = arith.addi %mul3A_281, %add3A_630 : i32
        %add3A_632 = arith.constant 6 : i32
        %add3A_633 = arith.addi %add3A_631, %add3A_632 : i32
        %mul3A_634 = arith.constant 128 : i32
        %mul3A_635 = arith.muli %add3A_633, %mul3A_634 : i32
        %dma_start3A_636 = arith.constant 6 : i32
        %dma_start3A_637 = arith.constant 6 : i32
        %dma_start3A_638 = arith.constant 0 : i32
        %dma_start3A_639 = arith.constant 0 : i32
        %dma_start3A_640 = tpu.memref_slice %arg9[%dma_start3A_636, %dma_start3A_638, %dma_start3A_639] : memref<10x128x64xf32, #tpu.memory_space<vmem>> -> memref<1x128x64xf32, #tpu.memory_space<vmem>>
        %dma_start3A_641 = tpu.memref_squeeze %dma_start3A_640 : memref<1x128x64xf32, #tpu.memory_space<vmem>> -> memref<128x64xf32, #tpu.memory_space<vmem>>
        %dma_start3A_642 = tpu.memref_slice %arg7[%mul3A_635] : memref<25600xi32, #tpu.memory_space<vmem>> -> memref<128xi32, #tpu.memory_space<vmem>>
        %dma_start3A_643 = arith.constant 0 : i32
        %dma_start3A_644 = arith.constant 0 : i32
        %dma_start3A_645 = tpu.memref_slice %arg4[%dma_start3A_643, %dma_start3A_644] : memref<1000000x64xf32, #tpu.memory_space<hbm>> -> memref<1000000x64xf32, #tpu.memory_space<hbm>>
        %dma_start3A_646 = tpu.memref_slice %arg10[%dma_start3A_637] : memref<10x!tpu.dma_semaphore, #tpu.memory_space<semaphore_mem>> -> memref<1x!tpu.dma_semaphore, #tpu.memory_space<semaphore_mem>>
        %dma_start3A_647 = tpu.memref_squeeze %dma_start3A_646 : memref<1x!tpu.dma_semaphore, #tpu.memory_space<semaphore_mem>> -> memref<!tpu.dma_semaphore, #tpu.memory_space<semaphore_mem>>
        tpu.enqueue_indirect_dma source(%dma_start3A_645 : memref<1000000x64xf32, #tpu.memory_space<hbm>>) target(%dma_start3A_641 : memref<128x64xf32, #tpu.memory_space<vmem>>) offsets(%dma_start3A_642 : memref<128xi32, #tpu.memory_space<vmem>>) semaphore(%dma_start3A_647 : memref<!tpu.dma_semaphore, #tpu.memory_space<semaphore_mem>>)
        %add3A_648 = arith.constant 10 : i32
        %add3A_649 = arith.addi %mul3A_281, %add3A_648 : i32
        %add3A_650 = arith.constant 7 : i32
        %add3A_651 = arith.addi %add3A_649, %add3A_650 : i32
        %mul3A_652 = arith.constant 128 : i32
        %mul3A_653 = arith.muli %add3A_651, %mul3A_652 : i32
        %dma_start3A_654 = arith.constant 7 : i32
        %dma_start3A_655 = arith.constant 7 : i32
        %dma_start3A_656 = arith.constant 0 : i32
        %dma_start3A_657 = arith.constant 0 : i32
        %dma_start3A_658 = tpu.memref_slice %arg9[%dma_start3A_654, %dma_start3A_656, %dma_start3A_657] : memref<10x128x64xf32, #tpu.memory_space<vmem>> -> memref<1x128x64xf32, #tpu.memory_space<vmem>>
        %dma_start3A_659 = tpu.memref_squeeze %dma_start3A_658 : memref<1x128x64xf32, #tpu.memory_space<vmem>> -> memref<128x64xf32, #tpu.memory_space<vmem>>
        %dma_start3A_660 = tpu.memref_slice %arg7[%mul3A_653] : memref<25600xi32, #tpu.memory_space<vmem>> -> memref<128xi32, #tpu.memory_space<vmem>>
        %dma_start3A_661 = arith.constant 0 : i32
        %dma_start3A_662 = arith.constant 0 : i32
        %dma_start3A_663 = tpu.memref_slice %arg4[%dma_start3A_661, %dma_start3A_662] : memref<1000000x64xf32, #tpu.memory_space<hbm>> -> memref<1000000x64xf32, #tpu.memory_space<hbm>>
        %dma_start3A_664 = tpu.memref_slice %arg10[%dma_start3A_655] : memref<10x!tpu.dma_semaphore, #tpu.memory_space<semaphore_mem>> -> memref<1x!tpu.dma_semaphore, #tpu.memory_space<semaphore_mem>>
        %dma_start3A_665 = tpu.memref_squeeze %dma_start3A_664 : memref<1x!tpu.dma_semaphore, #tpu.memory_space<semaphore_mem>> -> memref<!tpu.dma_semaphore, #tpu.memory_space<semaphore_mem>>
        tpu.enqueue_indirect_dma source(%dma_start3A_663 : memref<1000000x64xf32, #tpu.memory_space<hbm>>) target(%dma_start3A_659 : memref<128x64xf32, #tpu.memory_space<vmem>>) offsets(%dma_start3A_660 : memref<128xi32, #tpu.memory_space<vmem>>) semaphore(%dma_start3A_665 : memref<!tpu.dma_semaphore, #tpu.memory_space<semaphore_mem>>)
        %add3A_666 = arith.constant 10 : i32
        %add3A_667 = arith.addi %mul3A_281, %add3A_666 : i32
        %add3A_668 = arith.constant 8 : i32
        %add3A_669 = arith.addi %add3A_667, %add3A_668 : i32
        %mul3A_670 = arith.constant 128 : i32
        %mul3A_671 = arith.muli %add3A_669, %mul3A_670 : i32
        %dma_start3A_672 = arith.constant 8 : i32
        %dma_start3A_673 = arith.constant 8 : i32
        %dma_start3A_674 = arith.constant 0 : i32
        %dma_start3A_675 = arith.constant 0 : i32
        %dma_start3A_676 = tpu.memref_slice %arg9[%dma_start3A_672, %dma_start3A_674, %dma_start3A_675] : memref<10x128x64xf32, #tpu.memory_space<vmem>> -> memref<1x128x64xf32, #tpu.memory_space<vmem>>
        %dma_start3A_677 = tpu.memref_squeeze %dma_start3A_676 : memref<1x128x64xf32, #tpu.memory_space<vmem>> -> memref<128x64xf32, #tpu.memory_space<vmem>>
        %dma_start3A_678 = tpu.memref_slice %arg7[%mul3A_671] : memref<25600xi32, #tpu.memory_space<vmem>> -> memref<128xi32, #tpu.memory_space<vmem>>
        %dma_start3A_679 = arith.constant 0 : i32
        %dma_start3A_680 = arith.constant 0 : i32
        %dma_start3A_681 = tpu.memref_slice %arg4[%dma_start3A_679, %dma_start3A_680] : memref<1000000x64xf32, #tpu.memory_space<hbm>> -> memref<1000000x64xf32, #tpu.memory_space<hbm>>
        %dma_start3A_682 = tpu.memref_slice %arg10[%dma_start3A_673] : memref<10x!tpu.dma_semaphore, #tpu.memory_space<semaphore_mem>> -> memref<1x!tpu.dma_semaphore, #tpu.memory_space<semaphore_mem>>
        %dma_start3A_683 = tpu.memref_squeeze %dma_start3A_682 : memref<1x!tpu.dma_semaphore, #tpu.memory_space<semaphore_mem>> -> memref<!tpu.dma_semaphore, #tpu.memory_space<semaphore_mem>>
        tpu.enqueue_indirect_dma source(%dma_start3A_681 : memref<1000000x64xf32, #tpu.memory_space<hbm>>) target(%dma_start3A_677 : memref<128x64xf32, #tpu.memory_space<vmem>>) offsets(%dma_start3A_678 : memref<128xi32, #tpu.memory_space<vmem>>) semaphore(%dma_start3A_683 : memref<!tpu.dma_semaphore, #tpu.memory_space<semaphore_mem>>)
        %add3A_684 = arith.constant 10 : i32
        %add3A_685 = arith.addi %mul3A_281, %add3A_684 : i32
        %add3A_686 = arith.constant 9 : i32
        %add3A_687 = arith.addi %add3A_685, %add3A_686 : i32
        %mul3A_688 = arith.constant 128 : i32
        %mul3A_689 = arith.muli %add3A_687, %mul3A_688 : i32
        %dma_start3A_690 = arith.constant 9 : i32
        %dma_start3A_691 = arith.constant 9 : i32
        %dma_start3A_692 = arith.constant 0 : i32
        %dma_start3A_693 = arith.constant 0 : i32
        %dma_start3A_694 = tpu.memref_slice %arg9[%dma_start3A_690, %dma_start3A_692, %dma_start3A_693] : memref<10x128x64xf32, #tpu.memory_space<vmem>> -> memref<1x128x64xf32, #tpu.memory_space<vmem>>
        %dma_start3A_695 = tpu.memref_squeeze %dma_start3A_694 : memref<1x128x64xf32, #tpu.memory_space<vmem>> -> memref<128x64xf32, #tpu.memory_space<vmem>>
        %dma_start3A_696 = tpu.memref_slice %arg7[%mul3A_689] : memref<25600xi32, #tpu.memory_space<vmem>> -> memref<128xi32, #tpu.memory_space<vmem>>
        %dma_start3A_697 = arith.constant 0 : i32
        %dma_start3A_698 = arith.constant 0 : i32
        %dma_start3A_699 = tpu.memref_slice %arg4[%dma_start3A_697, %dma_start3A_698] : memref<1000000x64xf32, #tpu.memory_space<hbm>> -> memref<1000000x64xf32, #tpu.memory_space<hbm>>
        %dma_start3A_700 = tpu.memref_slice %arg10[%dma_start3A_691] : memref<10x!tpu.dma_semaphore, #tpu.memory_space<semaphore_mem>> -> memref<1x!tpu.dma_semaphore, #tpu.memory_space<semaphore_mem>>
        %dma_start3A_701 = tpu.memref_squeeze %dma_start3A_700 : memref<1x!tpu.dma_semaphore, #tpu.memory_space<semaphore_mem>> -> memref<!tpu.dma_semaphore, #tpu.memory_space<semaphore_mem>>
        tpu.enqueue_indirect_dma source(%dma_start3A_699 : memref<1000000x64xf32, #tpu.memory_space<hbm>>) target(%dma_start3A_695 : memref<128x64xf32, #tpu.memory_space<vmem>>) offsets(%dma_start3A_696 : memref<128xi32, #tpu.memory_space<vmem>>) semaphore(%dma_start3A_701 : memref<!tpu.dma_semaphore, #tpu.memory_space<semaphore_mem>>)
      } else {
      }
    }
    %scan3A_140 = arith.constant 20 : i32
    %mul3A_141 = arith.constant 2560 : i32
    %mul3A_142 = arith.muli %add3A, %mul3A_141 : i32
    %dma_start3A_143 = arith.constant 0 : i32
    %dma_start3A_144 = arith.constant 0 : i32
    %dma_start3A_145 = arith.constant 0 : i32
    %dma_start3A_146 = arith.constant 0 : i32
    %dma_start3A_147 = tpu.memref_slice %arg9[%dma_start3A_143, %dma_start3A_145, %dma_start3A_146] : memref<10x128x64xf32, #tpu.memory_space<vmem>> -> memref<1x128x64xf32, #tpu.memory_space<vmem>>
    %dma_start3A_148 = tpu.memref_squeeze %dma_start3A_147 : memref<1x128x64xf32, #tpu.memory_space<vmem>> -> memref<128x64xf32, #tpu.memory_space<vmem>>
    %dma_start3A_149 = arith.constant 0 : i32
    %dma_start3A_150 = tpu.memref_slice %arg8[%dma_start3A_149] : memref<2560xi32, #tpu.memory_space<vmem>> -> memref<128xi32, #tpu.memory_space<vmem>>
    %dma_start3A_151 = arith.constant 0 : i32
    %dma_start3A_152 = arith.constant 0 : i32
    %dma_start3A_153 = tpu.memref_slice %arg4[%dma_start3A_151, %dma_start3A_152] : memref<1000000x64xf32, #tpu.memory_space<hbm>> -> memref<1000000x64xf32, #tpu.memory_space<hbm>>
    %dma_start3A_154 = tpu.memref_slice %arg10[%dma_start3A_144] : memref<10x!tpu.dma_semaphore, #tpu.memory_space<semaphore_mem>> -> memref<1x!tpu.dma_semaphore, #tpu.memory_space<semaphore_mem>>
    %dma_start3A_155 = tpu.memref_squeeze %dma_start3A_154 : memref<1x!tpu.dma_semaphore, #tpu.memory_space<semaphore_mem>> -> memref<!tpu.dma_semaphore, #tpu.memory_space<semaphore_mem>>
    tpu.enqueue_indirect_dma source(%dma_start3A_153 : memref<1000000x64xf32, #tpu.memory_space<hbm>>) target(%dma_start3A_148 : memref<128x64xf32, #tpu.memory_space<vmem>>) offsets(%dma_start3A_150 : memref<128xi32, #tpu.memory_space<vmem>>) semaphore(%dma_start3A_155 : memref<!tpu.dma_semaphore, #tpu.memory_space<semaphore_mem>>)
    %dma_start3A_156 = arith.constant 1 : i32
    %dma_start3A_157 = arith.constant 1 : i32
    %dma_start3A_158 = arith.constant 0 : i32
    %dma_start3A_159 = arith.constant 0 : i32
    %dma_start3A_160 = tpu.memref_slice %arg9[%dma_start3A_156, %dma_start3A_158, %dma_start3A_159] : memref<10x128x64xf32, #tpu.memory_space<vmem>> -> memref<1x128x64xf32, #tpu.memory_space<vmem>>
    %dma_start3A_161 = tpu.memref_squeeze %dma_start3A_160 : memref<1x128x64xf32, #tpu.memory_space<vmem>> -> memref<128x64xf32, #tpu.memory_space<vmem>>
    %dma_start3A_162 = arith.constant 128 : i32
    %dma_start3A_163 = tpu.memref_slice %arg8[%dma_start3A_162] : memref<2560xi32, #tpu.memory_space<vmem>> -> memref<128xi32, #tpu.memory_space<vmem>>
    %dma_start3A_164 = arith.constant 0 : i32
    %dma_start3A_165 = arith.constant 0 : i32
    %dma_start3A_166 = tpu.memref_slice %arg4[%dma_start3A_164, %dma_start3A_165] : memref<1000000x64xf32, #tpu.memory_space<hbm>> -> memref<1000000x64xf32, #tpu.memory_space<hbm>>
    %dma_start3A_167 = tpu.memref_slice %arg10[%dma_start3A_157] : memref<10x!tpu.dma_semaphore, #tpu.memory_space<semaphore_mem>> -> memref<1x!tpu.dma_semaphore, #tpu.memory_space<semaphore_mem>>
    %dma_start3A_168 = tpu.memref_squeeze %dma_start3A_167 : memref<1x!tpu.dma_semaphore, #tpu.memory_space<semaphore_mem>> -> memref<!tpu.dma_semaphore, #tpu.memory_space<semaphore_mem>>
    tpu.enqueue_indirect_dma source(%dma_start3A_166 : memref<1000000x64xf32, #tpu.memory_space<hbm>>) target(%dma_start3A_161 : memref<128x64xf32, #tpu.memory_space<vmem>>) offsets(%dma_start3A_163 : memref<128xi32, #tpu.memory_space<vmem>>) semaphore(%dma_start3A_168 : memref<!tpu.dma_semaphore, #tpu.memory_space<semaphore_mem>>)
    %dma_start3A_169 = arith.constant 2 : i32
    %dma_start3A_170 = arith.constant 2 : i32
    %dma_start3A_171 = arith.constant 0 : i32
    %dma_start3A_172 = arith.constant 0 : i32
    %dma_start3A_173 = tpu.memref_slice %arg9[%dma_start3A_169, %dma_start3A_171, %dma_start3A_172] : memref<10x128x64xf32, #tpu.memory_space<vmem>> -> memref<1x128x64xf32, #tpu.memory_space<vmem>>
    %dma_start3A_174 = tpu.memref_squeeze %dma_start3A_173 : memref<1x128x64xf32, #tpu.memory_space<vmem>> -> memref<128x64xf32, #tpu.memory_space<vmem>>
    %dma_start3A_175 = arith.constant 256 : i32
    %dma_start3A_176 = tpu.memref_slice %arg8[%dma_start3A_175] : memref<2560xi32, #tpu.memory_space<vmem>> -> memref<128xi32, #tpu.memory_space<vmem>>
    %dma_start3A_177 = arith.constant 0 : i32
    %dma_start3A_178 = arith.constant 0 : i32
    %dma_start3A_179 = tpu.memref_slice %arg4[%dma_start3A_177, %dma_start3A_178] : memref<1000000x64xf32, #tpu.memory_space<hbm>> -> memref<1000000x64xf32, #tpu.memory_space<hbm>>
    %dma_start3A_180 = tpu.memref_slice %arg10[%dma_start3A_170] : memref<10x!tpu.dma_semaphore, #tpu.memory_space<semaphore_mem>> -> memref<1x!tpu.dma_semaphore, #tpu.memory_space<semaphore_mem>>
    %dma_start3A_181 = tpu.memref_squeeze %dma_start3A_180 : memref<1x!tpu.dma_semaphore, #tpu.memory_space<semaphore_mem>> -> memref<!tpu.dma_semaphore, #tpu.memory_space<semaphore_mem>>
    tpu.enqueue_indirect_dma source(%dma_start3A_179 : memref<1000000x64xf32, #tpu.memory_space<hbm>>) target(%dma_start3A_174 : memref<128x64xf32, #tpu.memory_space<vmem>>) offsets(%dma_start3A_176 : memref<128xi32, #tpu.memory_space<vmem>>) semaphore(%dma_start3A_181 : memref<!tpu.dma_semaphore, #tpu.memory_space<semaphore_mem>>)
    %dma_start3A_182 = arith.constant 3 : i32
    %dma_start3A_183 = arith.constant 3 : i32
    %dma_start3A_184 = arith.constant 0 : i32
    %dma_start3A_185 = arith.constant 0 : i32
    %dma_start3A_186 = tpu.memref_slice %arg9[%dma_start3A_182, %dma_start3A_184, %dma_start3A_185] : memref<10x128x64xf32, #tpu.memory_space<vmem>> -> memref<1x128x64xf32, #tpu.memory_space<vmem>>
    %dma_start3A_187 = tpu.memref_squeeze %dma_start3A_186 : memref<1x128x64xf32, #tpu.memory_space<vmem>> -> memref<128x64xf32, #tpu.memory_space<vmem>>
    %dma_start3A_188 = arith.constant 384 : i32
    %dma_start3A_189 = tpu.memref_slice %arg8[%dma_start3A_188] : memref<2560xi32, #tpu.memory_space<vmem>> -> memref<128xi32, #tpu.memory_space<vmem>>
    %dma_start3A_190 = arith.constant 0 : i32
    %dma_start3A_191 = arith.constant 0 : i32
    %dma_start3A_192 = tpu.memref_slice %arg4[%dma_start3A_190, %dma_start3A_191] : memref<1000000x64xf32, #tpu.memory_space<hbm>> -> memref<1000000x64xf32, #tpu.memory_space<hbm>>
    %dma_start3A_193 = tpu.memref_slice %arg10[%dma_start3A_183] : memref<10x!tpu.dma_semaphore, #tpu.memory_space<semaphore_mem>> -> memref<1x!tpu.dma_semaphore, #tpu.memory_space<semaphore_mem>>
    %dma_start3A_194 = tpu.memref_squeeze %dma_start3A_193 : memref<1x!tpu.dma_semaphore, #tpu.memory_space<semaphore_mem>> -> memref<!tpu.dma_semaphore, #tpu.memory_space<semaphore_mem>>
    tpu.enqueue_indirect_dma source(%dma_start3A_192 : memref<1000000x64xf32, #tpu.memory_space<hbm>>) target(%dma_start3A_187 : memref<128x64xf32, #tpu.memory_space<vmem>>) offsets(%dma_start3A_189 : memref<128xi32, #tpu.memory_space<vmem>>) semaphore(%dma_start3A_194 : memref<!tpu.dma_semaphore, #tpu.memory_space<semaphore_mem>>)
    %dma_start3A_195 = arith.constant 4 : i32
    %dma_start3A_196 = arith.constant 4 : i32
    %dma_start3A_197 = arith.constant 0 : i32
    %dma_start3A_198 = arith.constant 0 : i32
    %dma_start3A_199 = tpu.memref_slice %arg9[%dma_start3A_195, %dma_start3A_197, %dma_start3A_198] : memref<10x128x64xf32, #tpu.memory_space<vmem>> -> memref<1x128x64xf32, #tpu.memory_space<vmem>>
    %dma_start3A_200 = tpu.memref_squeeze %dma_start3A_199 : memref<1x128x64xf32, #tpu.memory_space<vmem>> -> memref<128x64xf32, #tpu.memory_space<vmem>>
    %dma_start3A_201 = arith.constant 512 : i32
    %dma_start3A_202 = tpu.memref_slice %arg8[%dma_start3A_201] : memref<2560xi32, #tpu.memory_space<vmem>> -> memref<128xi32, #tpu.memory_space<vmem>>
    %dma_start3A_203 = arith.constant 0 : i32
    %dma_start3A_204 = arith.constant 0 : i32
    %dma_start3A_205 = tpu.memref_slice %arg4[%dma_start3A_203, %dma_start3A_204] : memref<1000000x64xf32, #tpu.memory_space<hbm>> -> memref<1000000x64xf32, #tpu.memory_space<hbm>>
    %dma_start3A_206 = tpu.memref_slice %arg10[%dma_start3A_196] : memref<10x!tpu.dma_semaphore, #tpu.memory_space<semaphore_mem>> -> memref<1x!tpu.dma_semaphore, #tpu.memory_space<semaphore_mem>>
    %dma_start3A_207 = tpu.memref_squeeze %dma_start3A_206 : memref<1x!tpu.dma_semaphore, #tpu.memory_space<semaphore_mem>> -> memref<!tpu.dma_semaphore, #tpu.memory_space<semaphore_mem>>
    tpu.enqueue_indirect_dma source(%dma_start3A_205 : memref<1000000x64xf32, #tpu.memory_space<hbm>>) target(%dma_start3A_200 : memref<128x64xf32, #tpu.memory_space<vmem>>) offsets(%dma_start3A_202 : memref<128xi32, #tpu.memory_space<vmem>>) semaphore(%dma_start3A_207 : memref<!tpu.dma_semaphore, #tpu.memory_space<semaphore_mem>>)
    %dma_start3A_208 = arith.constant 5 : i32
    %dma_start3A_209 = arith.constant 5 : i32
    %dma_start3A_210 = arith.constant 0 : i32
    %dma_start3A_211 = arith.constant 0 : i32
    %dma_start3A_212 = tpu.memref_slice %arg9[%dma_start3A_208, %dma_start3A_210, %dma_start3A_211] : memref<10x128x64xf32, #tpu.memory_space<vmem>> -> memref<1x128x64xf32, #tpu.memory_space<vmem>>
    %dma_start3A_213 = tpu.memref_squeeze %dma_start3A_212 : memref<1x128x64xf32, #tpu.memory_space<vmem>> -> memref<128x64xf32, #tpu.memory_space<vmem>>
    %dma_start3A_214 = arith.constant 640 : i32
    %dma_start3A_215 = tpu.memref_slice %arg8[%dma_start3A_214] : memref<2560xi32, #tpu.memory_space<vmem>> -> memref<128xi32, #tpu.memory_space<vmem>>
    %dma_start3A_216 = arith.constant 0 : i32
    %dma_start3A_217 = arith.constant 0 : i32
    %dma_start3A_218 = tpu.memref_slice %arg4[%dma_start3A_216, %dma_start3A_217] : memref<1000000x64xf32, #tpu.memory_space<hbm>> -> memref<1000000x64xf32, #tpu.memory_space<hbm>>
    %dma_start3A_219 = tpu.memref_slice %arg10[%dma_start3A_209] : memref<10x!tpu.dma_semaphore, #tpu.memory_space<semaphore_mem>> -> memref<1x!tpu.dma_semaphore, #tpu.memory_space<semaphore_mem>>
    %dma_start3A_220 = tpu.memref_squeeze %dma_start3A_219 : memref<1x!tpu.dma_semaphore, #tpu.memory_space<semaphore_mem>> -> memref<!tpu.dma_semaphore, #tpu.memory_space<semaphore_mem>>
    tpu.enqueue_indirect_dma source(%dma_start3A_218 : memref<1000000x64xf32, #tpu.memory_space<hbm>>) target(%dma_start3A_213 : memref<128x64xf32, #tpu.memory_space<vmem>>) offsets(%dma_start3A_215 : memref<128xi32, #tpu.memory_space<vmem>>) semaphore(%dma_start3A_220 : memref<!tpu.dma_semaphore, #tpu.memory_space<semaphore_mem>>)
    %dma_start3A_221 = arith.constant 6 : i32
    %dma_start3A_222 = arith.constant 6 : i32
    %dma_start3A_223 = arith.constant 0 : i32
    %dma_start3A_224 = arith.constant 0 : i32
    %dma_start3A_225 = tpu.memref_slice %arg9[%dma_start3A_221, %dma_start3A_223, %dma_start3A_224] : memref<10x128x64xf32, #tpu.memory_space<vmem>> -> memref<1x128x64xf32, #tpu.memory_space<vmem>>
    %dma_start3A_226 = tpu.memref_squeeze %dma_start3A_225 : memref<1x128x64xf32, #tpu.memory_space<vmem>> -> memref<128x64xf32, #tpu.memory_space<vmem>>
    %dma_start3A_227 = arith.constant 768 : i32
    %dma_start3A_228 = tpu.memref_slice %arg8[%dma_start3A_227] : memref<2560xi32, #tpu.memory_space<vmem>> -> memref<128xi32, #tpu.memory_space<vmem>>
    %dma_start3A_229 = arith.constant 0 : i32
    %dma_start3A_230 = arith.constant 0 : i32
    %dma_start3A_231 = tpu.memref_slice %arg4[%dma_start3A_229, %dma_start3A_230] : memref<1000000x64xf32, #tpu.memory_space<hbm>> -> memref<1000000x64xf32, #tpu.memory_space<hbm>>
    %dma_start3A_232 = tpu.memref_slice %arg10[%dma_start3A_222] : memref<10x!tpu.dma_semaphore, #tpu.memory_space<semaphore_mem>> -> memref<1x!tpu.dma_semaphore, #tpu.memory_space<semaphore_mem>>
    %dma_start3A_233 = tpu.memref_squeeze %dma_start3A_232 : memref<1x!tpu.dma_semaphore, #tpu.memory_space<semaphore_mem>> -> memref<!tpu.dma_semaphore, #tpu.memory_space<semaphore_mem>>
    tpu.enqueue_indirect_dma source(%dma_start3A_231 : memref<1000000x64xf32, #tpu.memory_space<hbm>>) target(%dma_start3A_226 : memref<128x64xf32, #tpu.memory_space<vmem>>) offsets(%dma_start3A_228 : memref<128xi32, #tpu.memory_space<vmem>>) semaphore(%dma_start3A_233 : memref<!tpu.dma_semaphore, #tpu.memory_space<semaphore_mem>>)
    %dma_start3A_234 = arith.constant 7 : i32
    %dma_start3A_235 = arith.constant 7 : i32
    %dma_start3A_236 = arith.constant 0 : i32
    %dma_start3A_237 = arith.constant 0 : i32
    %dma_start3A_238 = tpu.memref_slice %arg9[%dma_start3A_234, %dma_start3A_236, %dma_start3A_237] : memref<10x128x64xf32, #tpu.memory_space<vmem>> -> memref<1x128x64xf32, #tpu.memory_space<vmem>>
    %dma_start3A_239 = tpu.memref_squeeze %dma_start3A_238 : memref<1x128x64xf32, #tpu.memory_space<vmem>> -> memref<128x64xf32, #tpu.memory_space<vmem>>
    %dma_start3A_240 = arith.constant 896 : i32
    %dma_start3A_241 = tpu.memref_slice %arg8[%dma_start3A_240] : memref<2560xi32, #tpu.memory_space<vmem>> -> memref<128xi32, #tpu.memory_space<vmem>>
    %dma_start3A_242 = arith.constant 0 : i32
    %dma_start3A_243 = arith.constant 0 : i32
    %dma_start3A_244 = tpu.memref_slice %arg4[%dma_start3A_242, %dma_start3A_243] : memref<1000000x64xf32, #tpu.memory_space<hbm>> -> memref<1000000x64xf32, #tpu.memory_space<hbm>>
    %dma_start3A_245 = tpu.memref_slice %arg10[%dma_start3A_235] : memref<10x!tpu.dma_semaphore, #tpu.memory_space<semaphore_mem>> -> memref<1x!tpu.dma_semaphore, #tpu.memory_space<semaphore_mem>>
    %dma_start3A_246 = tpu.memref_squeeze %dma_start3A_245 : memref<1x!tpu.dma_semaphore, #tpu.memory_space<semaphore_mem>> -> memref<!tpu.dma_semaphore, #tpu.memory_space<semaphore_mem>>
    tpu.enqueue_indirect_dma source(%dma_start3A_244 : memref<1000000x64xf32, #tpu.memory_space<hbm>>) target(%dma_start3A_239 : memref<128x64xf32, #tpu.memory_space<vmem>>) offsets(%dma_start3A_241 : memref<128xi32, #tpu.memory_space<vmem>>) semaphore(%dma_start3A_246 : memref<!tpu.dma_semaphore, #tpu.memory_space<semaphore_mem>>)
    %dma_start3A_247 = arith.constant 8 : i32
    %dma_start3A_248 = arith.constant 8 : i32
    %dma_start3A_249 = arith.constant 0 : i32
    %dma_start3A_250 = arith.constant 0 : i32
    %dma_start3A_251 = tpu.memref_slice %arg9[%dma_start3A_247, %dma_start3A_249, %dma_start3A_250] : memref<10x128x64xf32, #tpu.memory_space<vmem>> -> memref<1x128x64xf32, #tpu.memory_space<vmem>>
    %dma_start3A_252 = tpu.memref_squeeze %dma_start3A_251 : memref<1x128x64xf32, #tpu.memory_space<vmem>> -> memref<128x64xf32, #tpu.memory_space<vmem>>
    %dma_start3A_253 = arith.constant 1024 : i32
    %dma_start3A_254 = tpu.memref_slice %arg8[%dma_start3A_253] : memref<2560xi32, #tpu.memory_space<vmem>> -> memref<128xi32, #tpu.memory_space<vmem>>
    %dma_start3A_255 = arith.constant 0 : i32
    %dma_start3A_256 = arith.constant 0 : i32
    %dma_start3A_257 = tpu.memref_slice %arg4[%dma_start3A_255, %dma_start3A_256] : memref<1000000x64xf32, #tpu.memory_space<hbm>> -> memref<1000000x64xf32, #tpu.memory_space<hbm>>
    %dma_start3A_258 = tpu.memref_slice %arg10[%dma_start3A_248] : memref<10x!tpu.dma_semaphore, #tpu.memory_space<semaphore_mem>> -> memref<1x!tpu.dma_semaphore, #tpu.memory_space<semaphore_mem>>
    %dma_start3A_259 = tpu.memref_squeeze %dma_start3A_258 : memref<1x!tpu.dma_semaphore, #tpu.memory_space<semaphore_mem>> -> memref<!tpu.dma_semaphore, #tpu.memory_space<semaphore_mem>>
    tpu.enqueue_indirect_dma source(%dma_start3A_257 : memref<1000000x64xf32, #tpu.memory_space<hbm>>) target(%dma_start3A_252 : memref<128x64xf32, #tpu.memory_space<vmem>>) offsets(%dma_start3A_254 : memref<128xi32, #tpu.memory_space<vmem>>) semaphore(%dma_start3A_259 : memref<!tpu.dma_semaphore, #tpu.memory_space<semaphore_mem>>)
    %dma_start3A_260 = arith.constant 9 : i32
    %dma_start3A_261 = arith.constant 9 : i32
    %dma_start3A_262 = arith.constant 0 : i32
    %dma_start3A_263 = arith.constant 0 : i32
    %dma_start3A_264 = tpu.memref_slice %arg9[%dma_start3A_260, %dma_start3A_262, %dma_start3A_263] : memref<10x128x64xf32, #tpu.memory_space<vmem>> -> memref<1x128x64xf32, #tpu.memory_space<vmem>>
    %dma_start3A_265 = tpu.memref_squeeze %dma_start3A_264 : memref<1x128x64xf32, #tpu.memory_space<vmem>> -> memref<128x64xf32, #tpu.memory_space<vmem>>
    %dma_start3A_266 = arith.constant 1152 : i32
    %dma_start3A_267 = tpu.memref_slice %arg8[%dma_start3A_266] : memref<2560xi32, #tpu.memory_space<vmem>> -> memref<128xi32, #tpu.memory_space<vmem>>
    %dma_start3A_268 = arith.constant 0 : i32
    %dma_start3A_269 = arith.constant 0 : i32
    %dma_start3A_270 = tpu.memref_slice %arg4[%dma_start3A_268, %dma_start3A_269] : memref<1000000x64xf32, #tpu.memory_space<hbm>> -> memref<1000000x64xf32, #tpu.memory_space<hbm>>
    %dma_start3A_271 = tpu.memref_slice %arg10[%dma_start3A_261] : memref<10x!tpu.dma_semaphore, #tpu.memory_space<semaphore_mem>> -> memref<1x!tpu.dma_semaphore, #tpu.memory_space<semaphore_mem>>
    %dma_start3A_272 = tpu.memref_squeeze %dma_start3A_271 : memref<1x!tpu.dma_semaphore, #tpu.memory_space<semaphore_mem>> -> memref<!tpu.dma_semaphore, #tpu.memory_space<semaphore_mem>>
    tpu.enqueue_indirect_dma source(%dma_start3A_270 : memref<1000000x64xf32, #tpu.memory_space<hbm>>) target(%dma_start3A_265 : memref<128x64xf32, #tpu.memory_space<vmem>>) offsets(%dma_start3A_267 : memref<128xi32, #tpu.memory_space<vmem>>) semaphore(%dma_start3A_272 : memref<!tpu.dma_semaphore, #tpu.memory_space<semaphore_mem>>)
    %scan3A_273 = arith.constant 0 : i32
    %scan3A_274 = arith.constant 0 : i32
    %scan3A_275 = arith.constant 2 : i32
    %scan3A_276 = arith.addi %scan3A_274, %scan3A_275 : i32
    %scan3A_277 = arith.constant 1 : i32
    scf.for %scan3A_279 = %scan3A_274 to %scan3A_276 step %scan3A_277  : i32 {
      %mul3A_280 = arith.constant 10 : i32
      %mul3A_281 = arith.muli %scan3A_279, %mul3A_280 : i32
      %dma_wait3A = arith.constant 0 : i32
      %dma_wait3A_282 = arith.constant 0 : i32
      %dma_wait3A_283 = arith.constant 0 : i32
      %dma_wait3A_284 = arith.constant 0 : i32
      %dma_wait3A_285 = tpu.memref_slice %arg9[%dma_wait3A, %dma_wait3A_283, %dma_wait3A_284] : memref<10x128x64xf32, #tpu.memory_space<vmem>> -> memref<1x128x64xf32, #tpu.memory_space<vmem>>
      %dma_wait3A_286 = tpu.memref_squeeze %dma_wait3A_285 : memref<1x128x64xf32, #tpu.memory_space<vmem>> -> memref<128x64xf32, #tpu.memory_space<vmem>>
      %dma_wait3A_287 = arith.constant 0 : i32
      %dma_wait3A_288 = arith.constant 0 : i32
      %dma_wait3A_289 = tpu.memref_slice %arg4[%dma_wait3A_287, %dma_wait3A_288] : memref<1000000x64xf32, #tpu.memory_space<hbm>> -> memref<128x64xf32, #tpu.memory_space<hbm>>
      %dma_wait3A_290 = tpu.memref_slice %arg10[%dma_wait3A_282] : memref<10x!tpu.dma_semaphore, #tpu.memory_space<semaphore_mem>> -> memref<1x!tpu.dma_semaphore, #tpu.memory_space<semaphore_mem>>
      %dma_wait3A_291 = tpu.memref_squeeze %dma_wait3A_290 : memref<1x!tpu.dma_semaphore, #tpu.memory_space<semaphore_mem>> -> memref<!tpu.dma_semaphore, #tpu.memory_space<semaphore_mem>>
      %dma_wait3A_292 = arith.constant 0 : i32
      %dma_wait3A_293 = arith.constant 0 : i32
      %dma_wait3A_294 = tpu.memref_slice %arg9[%dma_wait3A, %dma_wait3A_292, %dma_wait3A_293] : memref<10x128x64xf32, #tpu.memory_space<vmem>> -> memref<1x128x64xf32, #tpu.memory_space<vmem>>
      %dma_wait3A_295 = tpu.memref_squeeze %dma_wait3A_294 : memref<1x128x64xf32, #tpu.memory_space<vmem>> -> memref<128x64xf32, #tpu.memory_space<vmem>>
      %dma_wait3A_296 = arith.constant 0 : i32
      %dma_wait3A_297 = arith.constant 0 : i32
      %dma_wait3A_298 = tpu.memref_slice %arg4[%dma_wait3A_296, %dma_wait3A_297] : memref<1000000x64xf32, #tpu.memory_space<hbm>> -> memref<128x64xf32, #tpu.memory_space<hbm>>
      tpu.wait_dma2 semaphore(%dma_wait3A_291 : memref<!tpu.dma_semaphore, #tpu.memory_space<semaphore_mem>>) src(%dma_wait3A_298 : memref<128x64xf32, #tpu.memory_space<hbm>>) dst(%dma_wait3A_295 : memref<128x64xf32, #tpu.memory_space<vmem>>)
      %add3A_299 = arith.constant 0 : i32
      %add3A_300 = arith.addi %mul3A_281, %add3A_299 : i32
      %mul3A_301 = arith.constant 128 : i32
      %mul3A_302 = arith.muli %add3A_300, %mul3A_301 : i32
      %add3A_303 = arith.addi %mul3A_142, %mul3A_302 : i32
      %run_scoped3A = arith.constant 0 : i32
      "tpu.region"() ({
        %run_scoped3A_522 = tpu.sem_alloc : memref<!tpu.dma_semaphore, #tpu.memory_space<semaphore_mem>>
        %dma_start3A_523 = arith.constant 0 : i32
        %dma_start3A_524 = arith.constant 0 : i32
        %dma_start3A_525 = tpu.memref_slice %arg9[%run_scoped3A, %dma_start3A_523, %dma_start3A_524] : memref<10x128x64xf32, #tpu.memory_space<vmem>> -> memref<1x128x64xf32, #tpu.memory_space<vmem>>
        %dma_start3A_526 = tpu.memref_squeeze %dma_start3A_525 : memref<1x128x64xf32, #tpu.memory_space<vmem>> -> memref<128x64xf32, #tpu.memory_space<vmem>>
        %dma_start3A_527 = arith.constant 0 : i32
        %dma_start3A_528 = tpu.memref_slice %arg6[%add3A_303, %dma_start3A_527] : memref<81920x128xf32, #tpu.memory_space<hbm>> -> memref<128x64xf32, #tpu.memory_space<hbm>>
        %dma_start3A_529 = arith.constant 0 : i32
        %dma_start3A_530 = tpu.memref_slice %arg6[%add3A_303, %dma_start3A_529] : memref<81920x128xf32, #tpu.memory_space<hbm>> -> memref<128x64xf32, #tpu.memory_space<hbm>>
        %dma_start3A_531 = arith.constant 0 : i32
        %dma_start3A_532 = arith.constant 0 : i32
        %dma_start3A_533 = tpu.memref_slice %arg9[%run_scoped3A, %dma_start3A_531, %dma_start3A_532] : memref<10x128x64xf32, #tpu.memory_space<vmem>> -> memref<1x128x64xf32, #tpu.memory_space<vmem>>
        %dma_start3A_534 = tpu.memref_squeeze %dma_start3A_533 : memref<1x128x64xf32, #tpu.memory_space<vmem>> -> memref<128x64xf32, #tpu.memory_space<vmem>>
        tpu.enqueue_dma source(%dma_start3A_534 : memref<128x64xf32, #tpu.memory_space<vmem>>) target(%dma_start3A_530 : memref<128x64xf32, #tpu.memory_space<hbm>>) target_semaphore(%run_scoped3A_522 : memref<!tpu.dma_semaphore, #tpu.memory_space<semaphore_mem>>)
        %dma_wait3A_535 = arith.constant 0 : i32
        %dma_wait3A_536 = arith.constant 0 : i32
        %dma_wait3A_537 = tpu.memref_slice %arg9[%run_scoped3A, %dma_wait3A_535, %dma_wait3A_536] : memref<10x128x64xf32, #tpu.memory_space<vmem>> -> memref<1x128x64xf32, #tpu.memory_space<vmem>>
        %dma_wait3A_538 = tpu.memref_squeeze %dma_wait3A_537 : memref<1x128x64xf32, #tpu.memory_space<vmem>> -> memref<128x64xf32, #tpu.memory_space<vmem>>
        %dma_wait3A_539 = arith.constant 0 : i32
        %dma_wait3A_540 = tpu.memref_slice %arg6[%add3A_303, %dma_wait3A_539] : memref<81920x128xf32, #tpu.memory_space<hbm>> -> memref<128x64xf32, #tpu.memory_space<hbm>>
        %dma_wait3A_541 = arith.constant 0 : i32
        %dma_wait3A_542 = tpu.memref_slice %arg6[%add3A_303, %dma_wait3A_541] : memref<81920x128xf32, #tpu.memory_space<hbm>> -> memref<128x64xf32, #tpu.memory_space<hbm>>
        %dma_wait3A_543 = arith.constant 0 : i32
        %dma_wait3A_544 = arith.constant 0 : i32
        %dma_wait3A_545 = tpu.memref_slice %arg9[%run_scoped3A, %dma_wait3A_543, %dma_wait3A_544] : memref<10x128x64xf32, #tpu.memory_space<vmem>> -> memref<1x128x64xf32, #tpu.memory_space<vmem>>
        %dma_wait3A_546 = tpu.memref_squeeze %dma_wait3A_545 : memref<1x128x64xf32, #tpu.memory_space<vmem>> -> memref<128x64xf32, #tpu.memory_space<vmem>>
        tpu.wait_dma2 semaphore(%run_scoped3A_522 : memref<!tpu.dma_semaphore, #tpu.memory_space<semaphore_mem>>) src(%dma_wait3A_546 : memref<128x64xf32, #tpu.memory_space<vmem>>) dst(%dma_wait3A_542 : memref<128x64xf32, #tpu.memory_space<hbm>>)
        tpu.yield
      }) : () -> ()
      %dma_wait3A_304 = arith.constant 1 : i32
      %dma_wait3A_305 = arith.constant 1 : i32
      %dma_wait3A_306 = arith.constant 0 : i32
      %dma_wait3A_307 = arith.constant 0 : i32
      %dma_wait3A_308 = tpu.memref_slice %arg9[%dma_wait3A_304, %dma_wait3A_306, %dma_wait3A_307] : memref<10x128x64xf32, #tpu.memory_space<vmem>> -> memref<1x128x64xf32, #tpu.memory_space<vmem>>
      %dma_wait3A_309 = tpu.memref_squeeze %dma_wait3A_308 : memref<1x128x64xf32, #tpu.memory_space<vmem>> -> memref<128x64xf32, #tpu.memory_space<vmem>>
      %dma_wait3A_310 = arith.constant 0 : i32
      %dma_wait3A_311 = arith.constant 0 : i32
      %dma_wait3A_312 = tpu.memref_slice %arg4[%dma_wait3A_310, %dma_wait3A_311] : memref<1000000x64xf32, #tpu.memory_space<hbm>> -> memref<128x64xf32, #tpu.memory_space<hbm>>
      %dma_wait3A_313 = tpu.memref_slice %arg10[%dma_wait3A_305] : memref<10x!tpu.dma_semaphore, #tpu.memory_space<semaphore_mem>> -> memref<1x!tpu.dma_semaphore, #tpu.memory_space<semaphore_mem>>
      %dma_wait3A_314 = tpu.memref_squeeze %dma_wait3A_313 : memref<1x!tpu.dma_semaphore, #tpu.memory_space<semaphore_mem>> -> memref<!tpu.dma_semaphore, #tpu.memory_space<semaphore_mem>>
      %dma_wait3A_315 = arith.constant 0 : i32
      %dma_wait3A_316 = arith.constant 0 : i32
      %dma_wait3A_317 = tpu.memref_slice %arg9[%dma_wait3A_304, %dma_wait3A_315, %dma_wait3A_316] : memref<10x128x64xf32, #tpu.memory_space<vmem>> -> memref<1x128x64xf32, #tpu.memory_space<vmem>>
      %dma_wait3A_318 = tpu.memref_squeeze %dma_wait3A_317 : memref<1x128x64xf32, #tpu.memory_space<vmem>> -> memref<128x64xf32, #tpu.memory_space<vmem>>
      %dma_wait3A_319 = arith.constant 0 : i32
      %dma_wait3A_320 = arith.constant 0 : i32
      %dma_wait3A_321 = tpu.memref_slice %arg4[%dma_wait3A_319, %dma_wait3A_320] : memref<1000000x64xf32, #tpu.memory_space<hbm>> -> memref<128x64xf32, #tpu.memory_space<hbm>>
      tpu.wait_dma2 semaphore(%dma_wait3A_314 : memref<!tpu.dma_semaphore, #tpu.memory_space<semaphore_mem>>) src(%dma_wait3A_321 : memref<128x64xf32, #tpu.memory_space<hbm>>) dst(%dma_wait3A_318 : memref<128x64xf32, #tpu.memory_space<vmem>>)
      %add3A_322 = arith.constant 1 : i32
      %add3A_323 = arith.addi %mul3A_281, %add3A_322 : i32
      %mul3A_324 = arith.constant 128 : i32
      %mul3A_325 = arith.muli %add3A_323, %mul3A_324 : i32
      %add3A_326 = arith.addi %mul3A_142, %mul3A_325 : i32
      %run_scoped3A_327 = arith.constant 1 : i32
      "tpu.region"() ({
        %run_scoped3A_522 = tpu.sem_alloc : memref<!tpu.dma_semaphore, #tpu.memory_space<semaphore_mem>>
        %dma_start3A_523 = arith.constant 0 : i32
        %dma_start3A_524 = arith.constant 0 : i32
        %dma_start3A_525 = tpu.memref_slice %arg9[%run_scoped3A_327, %dma_start3A_523, %dma_start3A_524] : memref<10x128x64xf32, #tpu.memory_space<vmem>> -> memref<1x128x64xf32, #tpu.memory_space<vmem>>
        %dma_start3A_526 = tpu.memref_squeeze %dma_start3A_525 : memref<1x128x64xf32, #tpu.memory_space<vmem>> -> memref<128x64xf32, #tpu.memory_space<vmem>>
        %dma_start3A_527 = arith.constant 0 : i32
        %dma_start3A_528 = tpu.memref_slice %arg6[%add3A_326, %dma_start3A_527] : memref<81920x128xf32, #tpu.memory_space<hbm>> -> memref<128x64xf32, #tpu.memory_space<hbm>>
        %dma_start3A_529 = arith.constant 0 : i32
        %dma_start3A_530 = tpu.memref_slice %arg6[%add3A_326, %dma_start3A_529] : memref<81920x128xf32, #tpu.memory_space<hbm>> -> memref<128x64xf32, #tpu.memory_space<hbm>>
        %dma_start3A_531 = arith.constant 0 : i32
        %dma_start3A_532 = arith.constant 0 : i32
        %dma_start3A_533 = tpu.memref_slice %arg9[%run_scoped3A_327, %dma_start3A_531, %dma_start3A_532] : memref<10x128x64xf32, #tpu.memory_space<vmem>> -> memref<1x128x64xf32, #tpu.memory_space<vmem>>
        %dma_start3A_534 = tpu.memref_squeeze %dma_start3A_533 : memref<1x128x64xf32, #tpu.memory_space<vmem>> -> memref<128x64xf32, #tpu.memory_space<vmem>>
        tpu.enqueue_dma source(%dma_start3A_534 : memref<128x64xf32, #tpu.memory_space<vmem>>) target(%dma_start3A_530 : memref<128x64xf32, #tpu.memory_space<hbm>>) target_semaphore(%run_scoped3A_522 : memref<!tpu.dma_semaphore, #tpu.memory_space<semaphore_mem>>)
        %dma_wait3A_535 = arith.constant 0 : i32
        %dma_wait3A_536 = arith.constant 0 : i32
        %dma_wait3A_537 = tpu.memref_slice %arg9[%run_scoped3A_327, %dma_wait3A_535, %dma_wait3A_536] : memref<10x128x64xf32, #tpu.memory_space<vmem>> -> memref<1x128x64xf32, #tpu.memory_space<vmem>>
        %dma_wait3A_538 = tpu.memref_squeeze %dma_wait3A_537 : memref<1x128x64xf32, #tpu.memory_space<vmem>> -> memref<128x64xf32, #tpu.memory_space<vmem>>
        %dma_wait3A_539 = arith.constant 0 : i32
        %dma_wait3A_540 = tpu.memref_slice %arg6[%add3A_326, %dma_wait3A_539] : memref<81920x128xf32, #tpu.memory_space<hbm>> -> memref<128x64xf32, #tpu.memory_space<hbm>>
        %dma_wait3A_541 = arith.constant 0 : i32
        %dma_wait3A_542 = tpu.memref_slice %arg6[%add3A_326, %dma_wait3A_541] : memref<81920x128xf32, #tpu.memory_space<hbm>> -> memref<128x64xf32, #tpu.memory_space<hbm>>
        %dma_wait3A_543 = arith.constant 0 : i32
        %dma_wait3A_544 = arith.constant 0 : i32
        %dma_wait3A_545 = tpu.memref_slice %arg9[%run_scoped3A_327, %dma_wait3A_543, %dma_wait3A_544] : memref<10x128x64xf32, #tpu.memory_space<vmem>> -> memref<1x128x64xf32, #tpu.memory_space<vmem>>
        %dma_wait3A_546 = tpu.memref_squeeze %dma_wait3A_545 : memref<1x128x64xf32, #tpu.memory_space<vmem>> -> memref<128x64xf32, #tpu.memory_space<vmem>>
        tpu.wait_dma2 semaphore(%run_scoped3A_522 : memref<!tpu.dma_semaphore, #tpu.memory_space<semaphore_mem>>) src(%dma_wait3A_546 : memref<128x64xf32, #tpu.memory_space<vmem>>) dst(%dma_wait3A_542 : memref<128x64xf32, #tpu.memory_space<hbm>>)
        tpu.yield
      }) : () -> ()
      %dma_wait3A_328 = arith.constant 2 : i32
      %dma_wait3A_329 = arith.constant 2 : i32
      %dma_wait3A_330 = arith.constant 0 : i32
      %dma_wait3A_331 = arith.constant 0 : i32
      %dma_wait3A_332 = tpu.memref_slice %arg9[%dma_wait3A_328, %dma_wait3A_330, %dma_wait3A_331] : memref<10x128x64xf32, #tpu.memory_space<vmem>> -> memref<1x128x64xf32, #tpu.memory_space<vmem>>
      %dma_wait3A_333 = tpu.memref_squeeze %dma_wait3A_332 : memref<1x128x64xf32, #tpu.memory_space<vmem>> -> memref<128x64xf32, #tpu.memory_space<vmem>>
      %dma_wait3A_334 = arith.constant 0 : i32
      %dma_wait3A_335 = arith.constant 0 : i32
      %dma_wait3A_336 = tpu.memref_slice %arg4[%dma_wait3A_334, %dma_wait3A_335] : memref<1000000x64xf32, #tpu.memory_space<hbm>> -> memref<128x64xf32, #tpu.memory_space<hbm>>
      %dma_wait3A_337 = tpu.memref_slice %arg10[%dma_wait3A_329] : memref<10x!tpu.dma_semaphore, #tpu.memory_space<semaphore_mem>> -> memref<1x!tpu.dma_semaphore, #tpu.memory_space<semaphore_mem>>
      %dma_wait3A_338 = tpu.memref_squeeze %dma_wait3A_337 : memref<1x!tpu.dma_semaphore, #tpu.memory_space<semaphore_mem>> -> memref<!tpu.dma_semaphore, #tpu.memory_space<semaphore_mem>>
      %dma_wait3A_339 = arith.constant 0 : i32
      %dma_wait3A_340 = arith.constant 0 : i32
      %dma_wait3A_341 = tpu.memref_slice %arg9[%dma_wait3A_328, %dma_wait3A_339, %dma_wait3A_340] : memref<10x128x64xf32, #tpu.memory_space<vmem>> -> memref<1x128x64xf32, #tpu.memory_space<vmem>>
      %dma_wait3A_342 = tpu.memref_squeeze %dma_wait3A_341 : memref<1x128x64xf32, #tpu.memory_space<vmem>> -> memref<128x64xf32, #tpu.memory_space<vmem>>
      %dma_wait3A_343 = arith.constant 0 : i32
      %dma_wait3A_344 = arith.constant 0 : i32
      %dma_wait3A_345 = tpu.memref_slice %arg4[%dma_wait3A_343, %dma_wait3A_344] : memref<1000000x64xf32, #tpu.memory_space<hbm>> -> memref<128x64xf32, #tpu.memory_space<hbm>>
      tpu.wait_dma2 semaphore(%dma_wait3A_338 : memref<!tpu.dma_semaphore, #tpu.memory_space<semaphore_mem>>) src(%dma_wait3A_345 : memref<128x64xf32, #tpu.memory_space<hbm>>) dst(%dma_wait3A_342 : memref<128x64xf32, #tpu.memory_space<vmem>>)
      %add3A_346 = arith.constant 2 : i32
      %add3A_347 = arith.addi %mul3A_281, %add3A_346 : i32
      %mul3A_348 = arith.constant 128 : i32
      %mul3A_349 = arith.muli %add3A_347, %mul3A_348 : i32
      %add3A_350 = arith.addi %mul3A_142, %mul3A_349 : i32
      %run_scoped3A_351 = arith.constant 2 : i32
      "tpu.region"() ({
        %run_scoped3A_522 = tpu.sem_alloc : memref<!tpu.dma_semaphore, #tpu.memory_space<semaphore_mem>>
        %dma_start3A_523 = arith.constant 0 : i32
        %dma_start3A_524 = arith.constant 0 : i32
        %dma_start3A_525 = tpu.memref_slice %arg9[%run_scoped3A_351, %dma_start3A_523, %dma_start3A_524] : memref<10x128x64xf32, #tpu.memory_space<vmem>> -> memref<1x128x64xf32, #tpu.memory_space<vmem>>
        %dma_start3A_526 = tpu.memref_squeeze %dma_start3A_525 : memref<1x128x64xf32, #tpu.memory_space<vmem>> -> memref<128x64xf32, #tpu.memory_space<vmem>>
        %dma_start3A_527 = arith.constant 0 : i32
        %dma_start3A_528 = tpu.memref_slice %arg6[%add3A_350, %dma_start3A_527] : memref<81920x128xf32, #tpu.memory_space<hbm>> -> memref<128x64xf32, #tpu.memory_space<hbm>>
        %dma_start3A_529 = arith.constant 0 : i32
        %dma_start3A_530 = tpu.memref_slice %arg6[%add3A_350, %dma_start3A_529] : memref<81920x128xf32, #tpu.memory_space<hbm>> -> memref<128x64xf32, #tpu.memory_space<hbm>>
        %dma_start3A_531 = arith.constant 0 : i32
        %dma_start3A_532 = arith.constant 0 : i32
        %dma_start3A_533 = tpu.memref_slice %arg9[%run_scoped3A_351, %dma_start3A_531, %dma_start3A_532] : memref<10x128x64xf32, #tpu.memory_space<vmem>> -> memref<1x128x64xf32, #tpu.memory_space<vmem>>
        %dma_start3A_534 = tpu.memref_squeeze %dma_start3A_533 : memref<1x128x64xf32, #tpu.memory_space<vmem>> -> memref<128x64xf32, #tpu.memory_space<vmem>>
        tpu.enqueue_dma source(%dma_start3A_534 : memref<128x64xf32, #tpu.memory_space<vmem>>) target(%dma_start3A_530 : memref<128x64xf32, #tpu.memory_space<hbm>>) target_semaphore(%run_scoped3A_522 : memref<!tpu.dma_semaphore, #tpu.memory_space<semaphore_mem>>)
        %dma_wait3A_535 = arith.constant 0 : i32
        %dma_wait3A_536 = arith.constant 0 : i32
        %dma_wait3A_537 = tpu.memref_slice %arg9[%run_scoped3A_351, %dma_wait3A_535, %dma_wait3A_536] : memref<10x128x64xf32, #tpu.memory_space<vmem>> -> memref<1x128x64xf32, #tpu.memory_space<vmem>>
        %dma_wait3A_538 = tpu.memref_squeeze %dma_wait3A_537 : memref<1x128x64xf32, #tpu.memory_space<vmem>> -> memref<128x64xf32, #tpu.memory_space<vmem>>
        %dma_wait3A_539 = arith.constant 0 : i32
        %dma_wait3A_540 = tpu.memref_slice %arg6[%add3A_350, %dma_wait3A_539] : memref<81920x128xf32, #tpu.memory_space<hbm>> -> memref<128x64xf32, #tpu.memory_space<hbm>>
        %dma_wait3A_541 = arith.constant 0 : i32
        %dma_wait3A_542 = tpu.memref_slice %arg6[%add3A_350, %dma_wait3A_541] : memref<81920x128xf32, #tpu.memory_space<hbm>> -> memref<128x64xf32, #tpu.memory_space<hbm>>
        %dma_wait3A_543 = arith.constant 0 : i32
        %dma_wait3A_544 = arith.constant 0 : i32
        %dma_wait3A_545 = tpu.memref_slice %arg9[%run_scoped3A_351, %dma_wait3A_543, %dma_wait3A_544] : memref<10x128x64xf32, #tpu.memory_space<vmem>> -> memref<1x128x64xf32, #tpu.memory_space<vmem>>
        %dma_wait3A_546 = tpu.memref_squeeze %dma_wait3A_545 : memref<1x128x64xf32, #tpu.memory_space<vmem>> -> memref<128x64xf32, #tpu.memory_space<vmem>>
        tpu.wait_dma2 semaphore(%run_scoped3A_522 : memref<!tpu.dma_semaphore, #tpu.memory_space<semaphore_mem>>) src(%dma_wait3A_546 : memref<128x64xf32, #tpu.memory_space<vmem>>) dst(%dma_wait3A_542 : memref<128x64xf32, #tpu.memory_space<hbm>>)
        tpu.yield
      }) : () -> ()
      %dma_wait3A_352 = arith.constant 3 : i32
      %dma_wait3A_353 = arith.constant 3 : i32
      %dma_wait3A_354 = arith.constant 0 : i32
      %dma_wait3A_355 = arith.constant 0 : i32
      %dma_wait3A_356 = tpu.memref_slice %arg9[%dma_wait3A_352, %dma_wait3A_354, %dma_wait3A_355] : memref<10x128x64xf32, #tpu.memory_space<vmem>> -> memref<1x128x64xf32, #tpu.memory_space<vmem>>
      %dma_wait3A_357 = tpu.memref_squeeze %dma_wait3A_356 : memref<1x128x64xf32, #tpu.memory_space<vmem>> -> memref<128x64xf32, #tpu.memory_space<vmem>>
      %dma_wait3A_358 = arith.constant 0 : i32
      %dma_wait3A_359 = arith.constant 0 : i32
      %dma_wait3A_360 = tpu.memref_slice %arg4[%dma_wait3A_358, %dma_wait3A_359] : memref<1000000x64xf32, #tpu.memory_space<hbm>> -> memref<128x64xf32, #tpu.memory_space<hbm>>
      %dma_wait3A_361 = tpu.memref_slice %arg10[%dma_wait3A_353] : memref<10x!tpu.dma_semaphore, #tpu.memory_space<semaphore_mem>> -> memref<1x!tpu.dma_semaphore, #tpu.memory_space<semaphore_mem>>
      %dma_wait3A_362 = tpu.memref_squeeze %dma_wait3A_361 : memref<1x!tpu.dma_semaphore, #tpu.memory_space<semaphore_mem>> -> memref<!tpu.dma_semaphore, #tpu.memory_space<semaphore_mem>>
      %dma_wait3A_363 = arith.constant 0 : i32
      %dma_wait3A_364 = arith.constant 0 : i32
      %dma_wait3A_365 = tpu.memref_slice %arg9[%dma_wait3A_352, %dma_wait3A_363, %dma_wait3A_364] : memref<10x128x64xf32, #tpu.memory_space<vmem>> -> memref<1x128x64xf32, #tpu.memory_space<vmem>>
      %dma_wait3A_366 = tpu.memref_squeeze %dma_wait3A_365 : memref<1x128x64xf32, #tpu.memory_space<vmem>> -> memref<128x64xf32, #tpu.memory_space<vmem>>
      %dma_wait3A_367 = arith.constant 0 : i32
      %dma_wait3A_368 = arith.constant 0 : i32
      %dma_wait3A_369 = tpu.memref_slice %arg4[%dma_wait3A_367, %dma_wait3A_368] : memref<1000000x64xf32, #tpu.memory_space<hbm>> -> memref<128x64xf32, #tpu.memory_space<hbm>>
      tpu.wait_dma2 semaphore(%dma_wait3A_362 : memref<!tpu.dma_semaphore, #tpu.memory_space<semaphore_mem>>) src(%dma_wait3A_369 : memref<128x64xf32, #tpu.memory_space<hbm>>) dst(%dma_wait3A_366 : memref<128x64xf32, #tpu.memory_space<vmem>>)
      %add3A_370 = arith.constant 3 : i32
      %add3A_371 = arith.addi %mul3A_281, %add3A_370 : i32
      %mul3A_372 = arith.constant 128 : i32
      %mul3A_373 = arith.muli %add3A_371, %mul3A_372 : i32
      %add3A_374 = arith.addi %mul3A_142, %mul3A_373 : i32
      %run_scoped3A_375 = arith.constant 3 : i32
      "tpu.region"() ({
        %run_scoped3A_522 = tpu.sem_alloc : memref<!tpu.dma_semaphore, #tpu.memory_space<semaphore_mem>>
        %dma_start3A_523 = arith.constant 0 : i32
        %dma_start3A_524 = arith.constant 0 : i32
        %dma_start3A_525 = tpu.memref_slice %arg9[%run_scoped3A_375, %dma_start3A_523, %dma_start3A_524] : memref<10x128x64xf32, #tpu.memory_space<vmem>> -> memref<1x128x64xf32, #tpu.memory_space<vmem>>
        %dma_start3A_526 = tpu.memref_squeeze %dma_start3A_525 : memref<1x128x64xf32, #tpu.memory_space<vmem>> -> memref<128x64xf32, #tpu.memory_space<vmem>>
        %dma_start3A_527 = arith.constant 0 : i32
        %dma_start3A_528 = tpu.memref_slice %arg6[%add3A_374, %dma_start3A_527] : memref<81920x128xf32, #tpu.memory_space<hbm>> -> memref<128x64xf32, #tpu.memory_space<hbm>>
        %dma_start3A_529 = arith.constant 0 : i32
        %dma_start3A_530 = tpu.memref_slice %arg6[%add3A_374, %dma_start3A_529] : memref<81920x128xf32, #tpu.memory_space<hbm>> -> memref<128x64xf32, #tpu.memory_space<hbm>>
        %dma_start3A_531 = arith.constant 0 : i32
        %dma_start3A_532 = arith.constant 0 : i32
        %dma_start3A_533 = tpu.memref_slice %arg9[%run_scoped3A_375, %dma_start3A_531, %dma_start3A_532] : memref<10x128x64xf32, #tpu.memory_space<vmem>> -> memref<1x128x64xf32, #tpu.memory_space<vmem>>
        %dma_start3A_534 = tpu.memref_squeeze %dma_start3A_533 : memref<1x128x64xf32, #tpu.memory_space<vmem>> -> memref<128x64xf32, #tpu.memory_space<vmem>>
        tpu.enqueue_dma source(%dma_start3A_534 : memref<128x64xf32, #tpu.memory_space<vmem>>) target(%dma_start3A_530 : memref<128x64xf32, #tpu.memory_space<hbm>>) target_semaphore(%run_scoped3A_522 : memref<!tpu.dma_semaphore, #tpu.memory_space<semaphore_mem>>)
        %dma_wait3A_535 = arith.constant 0 : i32
        %dma_wait3A_536 = arith.constant 0 : i32
        %dma_wait3A_537 = tpu.memref_slice %arg9[%run_scoped3A_375, %dma_wait3A_535, %dma_wait3A_536] : memref<10x128x64xf32, #tpu.memory_space<vmem>> -> memref<1x128x64xf32, #tpu.memory_space<vmem>>
        %dma_wait3A_538 = tpu.memref_squeeze %dma_wait3A_537 : memref<1x128x64xf32, #tpu.memory_space<vmem>> -> memref<128x64xf32, #tpu.memory_space<vmem>>
        %dma_wait3A_539 = arith.constant 0 : i32
        %dma_wait3A_540 = tpu.memref_slice %arg6[%add3A_374, %dma_wait3A_539] : memref<81920x128xf32, #tpu.memory_space<hbm>> -> memref<128x64xf32, #tpu.memory_space<hbm>>
        %dma_wait3A_541 = arith.constant 0 : i32
        %dma_wait3A_542 = tpu.memref_slice %arg6[%add3A_374, %dma_wait3A_541] : memref<81920x128xf32, #tpu.memory_space<hbm>> -> memref<128x64xf32, #tpu.memory_space<hbm>>
        %dma_wait3A_543 = arith.constant 0 : i32
        %dma_wait3A_544 = arith.constant 0 : i32
        %dma_wait3A_545 = tpu.memref_slice %arg9[%run_scoped3A_375, %dma_wait3A_543, %dma_wait3A_544] : memref<10x128x64xf32, #tpu.memory_space<vmem>> -> memref<1x128x64xf32, #tpu.memory_space<vmem>>
        %dma_wait3A_546 = tpu.memref_squeeze %dma_wait3A_545 : memref<1x128x64xf32, #tpu.memory_space<vmem>> -> memref<128x64xf32, #tpu.memory_space<vmem>>
        tpu.wait_dma2 semaphore(%run_scoped3A_522 : memref<!tpu.dma_semaphore, #tpu.memory_space<semaphore_mem>>) src(%dma_wait3A_546 : memref<128x64xf32, #tpu.memory_space<vmem>>) dst(%dma_wait3A_542 : memref<128x64xf32, #tpu.memory_space<hbm>>)
        tpu.yield
      }) : () -> ()
      %dma_wait3A_376 = arith.constant 4 : i32
      %dma_wait3A_377 = arith.constant 4 : i32
      %dma_wait3A_378 = arith.constant 0 : i32
      %dma_wait3A_379 = arith.constant 0 : i32
      %dma_wait3A_380 = tpu.memref_slice %arg9[%dma_wait3A_376, %dma_wait3A_378, %dma_wait3A_379] : memref<10x128x64xf32, #tpu.memory_space<vmem>> -> memref<1x128x64xf32, #tpu.memory_space<vmem>>
      %dma_wait3A_381 = tpu.memref_squeeze %dma_wait3A_380 : memref<1x128x64xf32, #tpu.memory_space<vmem>> -> memref<128x64xf32, #tpu.memory_space<vmem>>
      %dma_wait3A_382 = arith.constant 0 : i32
      %dma_wait3A_383 = arith.constant 0 : i32
      %dma_wait3A_384 = tpu.memref_slice %arg4[%dma_wait3A_382, %dma_wait3A_383] : memref<1000000x64xf32, #tpu.memory_space<hbm>> -> memref<128x64xf32, #tpu.memory_space<hbm>>
      %dma_wait3A_385 = tpu.memref_slice %arg10[%dma_wait3A_377] : memref<10x!tpu.dma_semaphore, #tpu.memory_space<semaphore_mem>> -> memref<1x!tpu.dma_semaphore, #tpu.memory_space<semaphore_mem>>
      %dma_wait3A_386 = tpu.memref_squeeze %dma_wait3A_385 : memref<1x!tpu.dma_semaphore, #tpu.memory_space<semaphore_mem>> -> memref<!tpu.dma_semaphore, #tpu.memory_space<semaphore_mem>>
      %dma_wait3A_387 = arith.constant 0 : i32
      %dma_wait3A_388 = arith.constant 0 : i32
      %dma_wait3A_389 = tpu.memref_slice %arg9[%dma_wait3A_376, %dma_wait3A_387, %dma_wait3A_388] : memref<10x128x64xf32, #tpu.memory_space<vmem>> -> memref<1x128x64xf32, #tpu.memory_space<vmem>>
      %dma_wait3A_390 = tpu.memref_squeeze %dma_wait3A_389 : memref<1x128x64xf32, #tpu.memory_space<vmem>> -> memref<128x64xf32, #tpu.memory_space<vmem>>
      %dma_wait3A_391 = arith.constant 0 : i32
      %dma_wait3A_392 = arith.constant 0 : i32
      %dma_wait3A_393 = tpu.memref_slice %arg4[%dma_wait3A_391, %dma_wait3A_392] : memref<1000000x64xf32, #tpu.memory_space<hbm>> -> memref<128x64xf32, #tpu.memory_space<hbm>>
      tpu.wait_dma2 semaphore(%dma_wait3A_386 : memref<!tpu.dma_semaphore, #tpu.memory_space<semaphore_mem>>) src(%dma_wait3A_393 : memref<128x64xf32, #tpu.memory_space<hbm>>) dst(%dma_wait3A_390 : memref<128x64xf32, #tpu.memory_space<vmem>>)
      %add3A_394 = arith.constant 4 : i32
      %add3A_395 = arith.addi %mul3A_281, %add3A_394 : i32
      %mul3A_396 = arith.constant 128 : i32
      %mul3A_397 = arith.muli %add3A_395, %mul3A_396 : i32
      %add3A_398 = arith.addi %mul3A_142, %mul3A_397 : i32
      %run_scoped3A_399 = arith.constant 4 : i32
      "tpu.region"() ({
        %run_scoped3A_522 = tpu.sem_alloc : memref<!tpu.dma_semaphore, #tpu.memory_space<semaphore_mem>>
        %dma_start3A_523 = arith.constant 0 : i32
        %dma_start3A_524 = arith.constant 0 : i32
        %dma_start3A_525 = tpu.memref_slice %arg9[%run_scoped3A_399, %dma_start3A_523, %dma_start3A_524] : memref<10x128x64xf32, #tpu.memory_space<vmem>> -> memref<1x128x64xf32, #tpu.memory_space<vmem>>
        %dma_start3A_526 = tpu.memref_squeeze %dma_start3A_525 : memref<1x128x64xf32, #tpu.memory_space<vmem>> -> memref<128x64xf32, #tpu.memory_space<vmem>>
        %dma_start3A_527 = arith.constant 0 : i32
        %dma_start3A_528 = tpu.memref_slice %arg6[%add3A_398, %dma_start3A_527] : memref<81920x128xf32, #tpu.memory_space<hbm>> -> memref<128x64xf32, #tpu.memory_space<hbm>>
        %dma_start3A_529 = arith.constant 0 : i32
        %dma_start3A_530 = tpu.memref_slice %arg6[%add3A_398, %dma_start3A_529] : memref<81920x128xf32, #tpu.memory_space<hbm>> -> memref<128x64xf32, #tpu.memory_space<hbm>>
        %dma_start3A_531 = arith.constant 0 : i32
        %dma_start3A_532 = arith.constant 0 : i32
        %dma_start3A_533 = tpu.memref_slice %arg9[%run_scoped3A_399, %dma_start3A_531, %dma_start3A_532] : memref<10x128x64xf32, #tpu.memory_space<vmem>> -> memref<1x128x64xf32, #tpu.memory_space<vmem>>
        %dma_start3A_534 = tpu.memref_squeeze %dma_start3A_533 : memref<1x128x64xf32, #tpu.memory_space<vmem>> -> memref<128x64xf32, #tpu.memory_space<vmem>>
        tpu.enqueue_dma source(%dma_start3A_534 : memref<128x64xf32, #tpu.memory_space<vmem>>) target(%dma_start3A_530 : memref<128x64xf32, #tpu.memory_space<hbm>>) target_semaphore(%run_scoped3A_522 : memref<!tpu.dma_semaphore, #tpu.memory_space<semaphore_mem>>)
        %dma_wait3A_535 = arith.constant 0 : i32
        %dma_wait3A_536 = arith.constant 0 : i32
        %dma_wait3A_537 = tpu.memref_slice %arg9[%run_scoped3A_399, %dma_wait3A_535, %dma_wait3A_536] : memref<10x128x64xf32, #tpu.memory_space<vmem>> -> memref<1x128x64xf32, #tpu.memory_space<vmem>>
        %dma_wait3A_538 = tpu.memref_squeeze %dma_wait3A_537 : memref<1x128x64xf32, #tpu.memory_space<vmem>> -> memref<128x64xf32, #tpu.memory_space<vmem>>
        %dma_wait3A_539 = arith.constant 0 : i32
        %dma_wait3A_540 = tpu.memref_slice %arg6[%add3A_398, %dma_wait3A_539] : memref<81920x128xf32, #tpu.memory_space<hbm>> -> memref<128x64xf32, #tpu.memory_space<hbm>>
        %dma_wait3A_541 = arith.constant 0 : i32
        %dma_wait3A_542 = tpu.memref_slice %arg6[%add3A_398, %dma_wait3A_541] : memref<81920x128xf32, #tpu.memory_space<hbm>> -> memref<128x64xf32, #tpu.memory_space<hbm>>
        %dma_wait3A_543 = arith.constant 0 : i32
        %dma_wait3A_544 = arith.constant 0 : i32
        %dma_wait3A_545 = tpu.memref_slice %arg9[%run_scoped3A_399, %dma_wait3A_543, %dma_wait3A_544] : memref<10x128x64xf32, #tpu.memory_space<vmem>> -> memref<1x128x64xf32, #tpu.memory_space<vmem>>
        %dma_wait3A_546 = tpu.memref_squeeze %dma_wait3A_545 : memref<1x128x64xf32, #tpu.memory_space<vmem>> -> memref<128x64xf32, #tpu.memory_space<vmem>>
        tpu.wait_dma2 semaphore(%run_scoped3A_522 : memref<!tpu.dma_semaphore, #tpu.memory_space<semaphore_mem>>) src(%dma_wait3A_546 : memref<128x64xf32, #tpu.memory_space<vmem>>) dst(%dma_wait3A_542 : memref<128x64xf32, #tpu.memory_space<hbm>>)
        tpu.yield
      }) : () -> ()
      %dma_wait3A_400 = arith.constant 5 : i32
      %dma_wait3A_401 = arith.constant 5 : i32
      %dma_wait3A_402 = arith.constant 0 : i32
      %dma_wait3A_403 = arith.constant 0 : i32
      %dma_wait3A_404 = tpu.memref_slice %arg9[%dma_wait3A_400, %dma_wait3A_402, %dma_wait3A_403] : memref<10x128x64xf32, #tpu.memory_space<vmem>> -> memref<1x128x64xf32, #tpu.memory_space<vmem>>
      %dma_wait3A_405 = tpu.memref_squeeze %dma_wait3A_404 : memref<1x128x64xf32, #tpu.memory_space<vmem>> -> memref<128x64xf32, #tpu.memory_space<vmem>>
      %dma_wait3A_406 = arith.constant 0 : i32
      %dma_wait3A_407 = arith.constant 0 : i32
      %dma_wait3A_408 = tpu.memref_slice %arg4[%dma_wait3A_406, %dma_wait3A_407] : memref<1000000x64xf32, #tpu.memory_space<hbm>> -> memref<128x64xf32, #tpu.memory_space<hbm>>
      %dma_wait3A_409 = tpu.memref_slice %arg10[%dma_wait3A_401] : memref<10x!tpu.dma_semaphore, #tpu.memory_space<semaphore_mem>> -> memref<1x!tpu.dma_semaphore, #tpu.memory_space<semaphore_mem>>
      %dma_wait3A_410 = tpu.memref_squeeze %dma_wait3A_409 : memref<1x!tpu.dma_semaphore, #tpu.memory_space<semaphore_mem>> -> memref<!tpu.dma_semaphore, #tpu.memory_space<semaphore_mem>>
      %dma_wait3A_411 = arith.constant 0 : i32
      %dma_wait3A_412 = arith.constant 0 : i32
      %dma_wait3A_413 = tpu.memref_slice %arg9[%dma_wait3A_400, %dma_wait3A_411, %dma_wait3A_412] : memref<10x128x64xf32, #tpu.memory_space<vmem>> -> memref<1x128x64xf32, #tpu.memory_space<vmem>>
      %dma_wait3A_414 = tpu.memref_squeeze %dma_wait3A_413 : memref<1x128x64xf32, #tpu.memory_space<vmem>> -> memref<128x64xf32, #tpu.memory_space<vmem>>
      %dma_wait3A_415 = arith.constant 0 : i32
      %dma_wait3A_416 = arith.constant 0 : i32
      %dma_wait3A_417 = tpu.memref_slice %arg4[%dma_wait3A_415, %dma_wait3A_416] : memref<1000000x64xf32, #tpu.memory_space<hbm>> -> memref<128x64xf32, #tpu.memory_space<hbm>>
      tpu.wait_dma2 semaphore(%dma_wait3A_410 : memref<!tpu.dma_semaphore, #tpu.memory_space<semaphore_mem>>) src(%dma_wait3A_417 : memref<128x64xf32, #tpu.memory_space<hbm>>) dst(%dma_wait3A_414 : memref<128x64xf32, #tpu.memory_space<vmem>>)
      %add3A_418 = arith.constant 5 : i32
      %add3A_419 = arith.addi %mul3A_281, %add3A_418 : i32
      %mul3A_420 = arith.constant 128 : i32
      %mul3A_421 = arith.muli %add3A_419, %mul3A_420 : i32
      %add3A_422 = arith.addi %mul3A_142, %mul3A_421 : i32
      %run_scoped3A_423 = arith.constant 5 : i32
      "tpu.region"() ({
        %run_scoped3A_522 = tpu.sem_alloc : memref<!tpu.dma_semaphore, #tpu.memory_space<semaphore_mem>>
        %dma_start3A_523 = arith.constant 0 : i32
        %dma_start3A_524 = arith.constant 0 : i32
        %dma_start3A_525 = tpu.memref_slice %arg9[%run_scoped3A_423, %dma_start3A_523, %dma_start3A_524] : memref<10x128x64xf32, #tpu.memory_space<vmem>> -> memref<1x128x64xf32, #tpu.memory_space<vmem>>
        %dma_start3A_526 = tpu.memref_squeeze %dma_start3A_525 : memref<1x128x64xf32, #tpu.memory_space<vmem>> -> memref<128x64xf32, #tpu.memory_space<vmem>>
        %dma_start3A_527 = arith.constant 0 : i32
        %dma_start3A_528 = tpu.memref_slice %arg6[%add3A_422, %dma_start3A_527] : memref<81920x128xf32, #tpu.memory_space<hbm>> -> memref<128x64xf32, #tpu.memory_space<hbm>>
        %dma_start3A_529 = arith.constant 0 : i32
        %dma_start3A_530 = tpu.memref_slice %arg6[%add3A_422, %dma_start3A_529] : memref<81920x128xf32, #tpu.memory_space<hbm>> -> memref<128x64xf32, #tpu.memory_space<hbm>>
        %dma_start3A_531 = arith.constant 0 : i32
        %dma_start3A_532 = arith.constant 0 : i32
        %dma_start3A_533 = tpu.memref_slice %arg9[%run_scoped3A_423, %dma_start3A_531, %dma_start3A_532] : memref<10x128x64xf32, #tpu.memory_space<vmem>> -> memref<1x128x64xf32, #tpu.memory_space<vmem>>
        %dma_start3A_534 = tpu.memref_squeeze %dma_start3A_533 : memref<1x128x64xf32, #tpu.memory_space<vmem>> -> memref<128x64xf32, #tpu.memory_space<vmem>>
        tpu.enqueue_dma source(%dma_start3A_534 : memref<128x64xf32, #tpu.memory_space<vmem>>) target(%dma_start3A_530 : memref<128x64xf32, #tpu.memory_space<hbm>>) target_semaphore(%run_scoped3A_522 : memref<!tpu.dma_semaphore, #tpu.memory_space<semaphore_mem>>)
        %dma_wait3A_535 = arith.constant 0 : i32
        %dma_wait3A_536 = arith.constant 0 : i32
        %dma_wait3A_537 = tpu.memref_slice %arg9[%run_scoped3A_423, %dma_wait3A_535, %dma_wait3A_536] : memref<10x128x64xf32, #tpu.memory_space<vmem>> -> memref<1x128x64xf32, #tpu.memory_space<vmem>>
        %dma_wait3A_538 = tpu.memref_squeeze %dma_wait3A_537 : memref<1x128x64xf32, #tpu.memory_space<vmem>> -> memref<128x64xf32, #tpu.memory_space<vmem>>
        %dma_wait3A_539 = arith.constant 0 : i32
        %dma_wait3A_540 = tpu.memref_slice %arg6[%add3A_422, %dma_wait3A_539] : memref<81920x128xf32, #tpu.memory_space<hbm>> -> memref<128x64xf32, #tpu.memory_space<hbm>>
        %dma_wait3A_541 = arith.constant 0 : i32
        %dma_wait3A_542 = tpu.memref_slice %arg6[%add3A_422, %dma_wait3A_541] : memref<81920x128xf32, #tpu.memory_space<hbm>> -> memref<128x64xf32, #tpu.memory_space<hbm>>
        %dma_wait3A_543 = arith.constant 0 : i32
        %dma_wait3A_544 = arith.constant 0 : i32
        %dma_wait3A_545 = tpu.memref_slice %arg9[%run_scoped3A_423, %dma_wait3A_543, %dma_wait3A_544] : memref<10x128x64xf32, #tpu.memory_space<vmem>> -> memref<1x128x64xf32, #tpu.memory_space<vmem>>
        %dma_wait3A_546 = tpu.memref_squeeze %dma_wait3A_545 : memref<1x128x64xf32, #tpu.memory_space<vmem>> -> memref<128x64xf32, #tpu.memory_space<vmem>>
        tpu.wait_dma2 semaphore(%run_scoped3A_522 : memref<!tpu.dma_semaphore, #tpu.memory_space<semaphore_mem>>) src(%dma_wait3A_546 : memref<128x64xf32, #tpu.memory_space<vmem>>) dst(%dma_wait3A_542 : memref<128x64xf32, #tpu.memory_space<hbm>>)
        tpu.yield
      }) : () -> ()
      %dma_wait3A_424 = arith.constant 6 : i32
      %dma_wait3A_425 = arith.constant 6 : i32
      %dma_wait3A_426 = arith.constant 0 : i32
      %dma_wait3A_427 = arith.constant 0 : i32
      %dma_wait3A_428 = tpu.memref_slice %arg9[%dma_wait3A_424, %dma_wait3A_426, %dma_wait3A_427] : memref<10x128x64xf32, #tpu.memory_space<vmem>> -> memref<1x128x64xf32, #tpu.memory_space<vmem>>
      %dma_wait3A_429 = tpu.memref_squeeze %dma_wait3A_428 : memref<1x128x64xf32, #tpu.memory_space<vmem>> -> memref<128x64xf32, #tpu.memory_space<vmem>>
      %dma_wait3A_430 = arith.constant 0 : i32
      %dma_wait3A_431 = arith.constant 0 : i32
      %dma_wait3A_432 = tpu.memref_slice %arg4[%dma_wait3A_430, %dma_wait3A_431] : memref<1000000x64xf32, #tpu.memory_space<hbm>> -> memref<128x64xf32, #tpu.memory_space<hbm>>
      %dma_wait3A_433 = tpu.memref_slice %arg10[%dma_wait3A_425] : memref<10x!tpu.dma_semaphore, #tpu.memory_space<semaphore_mem>> -> memref<1x!tpu.dma_semaphore, #tpu.memory_space<semaphore_mem>>
      %dma_wait3A_434 = tpu.memref_squeeze %dma_wait3A_433 : memref<1x!tpu.dma_semaphore, #tpu.memory_space<semaphore_mem>> -> memref<!tpu.dma_semaphore, #tpu.memory_space<semaphore_mem>>
      %dma_wait3A_435 = arith.constant 0 : i32
      %dma_wait3A_436 = arith.constant 0 : i32
      %dma_wait3A_437 = tpu.memref_slice %arg9[%dma_wait3A_424, %dma_wait3A_435, %dma_wait3A_436] : memref<10x128x64xf32, #tpu.memory_space<vmem>> -> memref<1x128x64xf32, #tpu.memory_space<vmem>>
      %dma_wait3A_438 = tpu.memref_squeeze %dma_wait3A_437 : memref<1x128x64xf32, #tpu.memory_space<vmem>> -> memref<128x64xf32, #tpu.memory_space<vmem>>
      %dma_wait3A_439 = arith.constant 0 : i32
      %dma_wait3A_440 = arith.constant 0 : i32
      %dma_wait3A_441 = tpu.memref_slice %arg4[%dma_wait3A_439, %dma_wait3A_440] : memref<1000000x64xf32, #tpu.memory_space<hbm>> -> memref<128x64xf32, #tpu.memory_space<hbm>>
      tpu.wait_dma2 semaphore(%dma_wait3A_434 : memref<!tpu.dma_semaphore, #tpu.memory_space<semaphore_mem>>) src(%dma_wait3A_441 : memref<128x64xf32, #tpu.memory_space<hbm>>) dst(%dma_wait3A_438 : memref<128x64xf32, #tpu.memory_space<vmem>>)
      %add3A_442 = arith.constant 6 : i32
      %add3A_443 = arith.addi %mul3A_281, %add3A_442 : i32
      %mul3A_444 = arith.constant 128 : i32
      %mul3A_445 = arith.muli %add3A_443, %mul3A_444 : i32
      %add3A_446 = arith.addi %mul3A_142, %mul3A_445 : i32
      %run_scoped3A_447 = arith.constant 6 : i32
      "tpu.region"() ({
        %run_scoped3A_522 = tpu.sem_alloc : memref<!tpu.dma_semaphore, #tpu.memory_space<semaphore_mem>>
        %dma_start3A_523 = arith.constant 0 : i32
        %dma_start3A_524 = arith.constant 0 : i32
        %dma_start3A_525 = tpu.memref_slice %arg9[%run_scoped3A_447, %dma_start3A_523, %dma_start3A_524] : memref<10x128x64xf32, #tpu.memory_space<vmem>> -> memref<1x128x64xf32, #tpu.memory_space<vmem>>
        %dma_start3A_526 = tpu.memref_squeeze %dma_start3A_525 : memref<1x128x64xf32, #tpu.memory_space<vmem>> -> memref<128x64xf32, #tpu.memory_space<vmem>>
        %dma_start3A_527 = arith.constant 0 : i32
        %dma_start3A_528 = tpu.memref_slice %arg6[%add3A_446, %dma_start3A_527] : memref<81920x128xf32, #tpu.memory_space<hbm>> -> memref<128x64xf32, #tpu.memory_space<hbm>>
        %dma_start3A_529 = arith.constant 0 : i32
        %dma_start3A_530 = tpu.memref_slice %arg6[%add3A_446, %dma_start3A_529] : memref<81920x128xf32, #tpu.memory_space<hbm>> -> memref<128x64xf32, #tpu.memory_space<hbm>>
        %dma_start3A_531 = arith.constant 0 : i32
        %dma_start3A_532 = arith.constant 0 : i32
        %dma_start3A_533 = tpu.memref_slice %arg9[%run_scoped3A_447, %dma_start3A_531, %dma_start3A_532] : memref<10x128x64xf32, #tpu.memory_space<vmem>> -> memref<1x128x64xf32, #tpu.memory_space<vmem>>
        %dma_start3A_534 = tpu.memref_squeeze %dma_start3A_533 : memref<1x128x64xf32, #tpu.memory_space<vmem>> -> memref<128x64xf32, #tpu.memory_space<vmem>>
        tpu.enqueue_dma source(%dma_start3A_534 : memref<128x64xf32, #tpu.memory_space<vmem>>) target(%dma_start3A_530 : memref<128x64xf32, #tpu.memory_space<hbm>>) target_semaphore(%run_scoped3A_522 : memref<!tpu.dma_semaphore, #tpu.memory_space<semaphore_mem>>)
        %dma_wait3A_535 = arith.constant 0 : i32
        %dma_wait3A_536 = arith.constant 0 : i32
        %dma_wait3A_537 = tpu.memref_slice %arg9[%run_scoped3A_447, %dma_wait3A_535, %dma_wait3A_536] : memref<10x128x64xf32, #tpu.memory_space<vmem>> -> memref<1x128x64xf32, #tpu.memory_space<vmem>>
        %dma_wait3A_538 = tpu.memref_squeeze %dma_wait3A_537 : memref<1x128x64xf32, #tpu.memory_space<vmem>> -> memref<128x64xf32, #tpu.memory_space<vmem>>
        %dma_wait3A_539 = arith.constant 0 : i32
        %dma_wait3A_540 = tpu.memref_slice %arg6[%add3A_446, %dma_wait3A_539] : memref<81920x128xf32, #tpu.memory_space<hbm>> -> memref<128x64xf32, #tpu.memory_space<hbm>>
        %dma_wait3A_541 = arith.constant 0 : i32
        %dma_wait3A_542 = tpu.memref_slice %arg6[%add3A_446, %dma_wait3A_541] : memref<81920x128xf32, #tpu.memory_space<hbm>> -> memref<128x64xf32, #tpu.memory_space<hbm>>
        %dma_wait3A_543 = arith.constant 0 : i32
        %dma_wait3A_544 = arith.constant 0 : i32
        %dma_wait3A_545 = tpu.memref_slice %arg9[%run_scoped3A_447, %dma_wait3A_543, %dma_wait3A_544] : memref<10x128x64xf32, #tpu.memory_space<vmem>> -> memref<1x128x64xf32, #tpu.memory_space<vmem>>
        %dma_wait3A_546 = tpu.memref_squeeze %dma_wait3A_545 : memref<1x128x64xf32, #tpu.memory_space<vmem>> -> memref<128x64xf32, #tpu.memory_space<vmem>>
        tpu.wait_dma2 semaphore(%run_scoped3A_522 : memref<!tpu.dma_semaphore, #tpu.memory_space<semaphore_mem>>) src(%dma_wait3A_546 : memref<128x64xf32, #tpu.memory_space<vmem>>) dst(%dma_wait3A_542 : memref<128x64xf32, #tpu.memory_space<hbm>>)
        tpu.yield
      }) : () -> ()
      %dma_wait3A_448 = arith.constant 7 : i32
      %dma_wait3A_449 = arith.constant 7 : i32
      %dma_wait3A_450 = arith.constant 0 : i32
      %dma_wait3A_451 = arith.constant 0 : i32
      %dma_wait3A_452 = tpu.memref_slice %arg9[%dma_wait3A_448, %dma_wait3A_450, %dma_wait3A_451] : memref<10x128x64xf32, #tpu.memory_space<vmem>> -> memref<1x128x64xf32, #tpu.memory_space<vmem>>
      %dma_wait3A_453 = tpu.memref_squeeze %dma_wait3A_452 : memref<1x128x64xf32, #tpu.memory_space<vmem>> -> memref<128x64xf32, #tpu.memory_space<vmem>>
      %dma_wait3A_454 = arith.constant 0 : i32
      %dma_wait3A_455 = arith.constant 0 : i32
      %dma_wait3A_456 = tpu.memref_slice %arg4[%dma_wait3A_454, %dma_wait3A_455] : memref<1000000x64xf32, #tpu.memory_space<hbm>> -> memref<128x64xf32, #tpu.memory_space<hbm>>
      %dma_wait3A_457 = tpu.memref_slice %arg10[%dma_wait3A_449] : memref<10x!tpu.dma_semaphore, #tpu.memory_space<semaphore_mem>> -> memref<1x!tpu.dma_semaphore, #tpu.memory_space<semaphore_mem>>
      %dma_wait3A_458 = tpu.memref_squeeze %dma_wait3A_457 : memref<1x!tpu.dma_semaphore, #tpu.memory_space<semaphore_mem>> -> memref<!tpu.dma_semaphore, #tpu.memory_space<semaphore_mem>>
      %dma_wait3A_459 = arith.constant 0 : i32
      %dma_wait3A_460 = arith.constant 0 : i32
      %dma_wait3A_461 = tpu.memref_slice %arg9[%dma_wait3A_448, %dma_wait3A_459, %dma_wait3A_460] : memref<10x128x64xf32, #tpu.memory_space<vmem>> -> memref<1x128x64xf32, #tpu.memory_space<vmem>>
      %dma_wait3A_462 = tpu.memref_squeeze %dma_wait3A_461 : memref<1x128x64xf32, #tpu.memory_space<vmem>> -> memref<128x64xf32, #tpu.memory_space<vmem>>
      %dma_wait3A_463 = arith.constant 0 : i32
      %dma_wait3A_464 = arith.constant 0 : i32
      %dma_wait3A_465 = tpu.memref_slice %arg4[%dma_wait3A_463, %dma_wait3A_464] : memref<1000000x64xf32, #tpu.memory_space<hbm>> -> memref<128x64xf32, #tpu.memory_space<hbm>>
      tpu.wait_dma2 semaphore(%dma_wait3A_458 : memref<!tpu.dma_semaphore, #tpu.memory_space<semaphore_mem>>) src(%dma_wait3A_465 : memref<128x64xf32, #tpu.memory_space<hbm>>) dst(%dma_wait3A_462 : memref<128x64xf32, #tpu.memory_space<vmem>>)
      %add3A_466 = arith.constant 7 : i32
      %add3A_467 = arith.addi %mul3A_281, %add3A_466 : i32
      %mul3A_468 = arith.constant 128 : i32
      %mul3A_469 = arith.muli %add3A_467, %mul3A_468 : i32
      %add3A_470 = arith.addi %mul3A_142, %mul3A_469 : i32
      %run_scoped3A_471 = arith.constant 7 : i32
      "tpu.region"() ({
        %run_scoped3A_522 = tpu.sem_alloc : memref<!tpu.dma_semaphore, #tpu.memory_space<semaphore_mem>>
        %dma_start3A_523 = arith.constant 0 : i32
        %dma_start3A_524 = arith.constant 0 : i32
        %dma_start3A_525 = tpu.memref_slice %arg9[%run_scoped3A_471, %dma_start3A_523, %dma_start3A_524] : memref<10x128x64xf32, #tpu.memory_space<vmem>> -> memref<1x128x64xf32, #tpu.memory_space<vmem>>
        %dma_start3A_526 = tpu.memref_squeeze %dma_start3A_525 : memref<1x128x64xf32, #tpu.memory_space<vmem>> -> memref<128x64xf32, #tpu.memory_space<vmem>>
        %dma_start3A_527 = arith.constant 0 : i32
        %dma_start3A_528 = tpu.memref_slice %arg6[%add3A_470, %dma_start3A_527] : memref<81920x128xf32, #tpu.memory_space<hbm>> -> memref<128x64xf32, #tpu.memory_space<hbm>>
        %dma_start3A_529 = arith.constant 0 : i32
        %dma_start3A_530 = tpu.memref_slice %arg6[%add3A_470, %dma_start3A_529] : memref<81920x128xf32, #tpu.memory_space<hbm>> -> memref<128x64xf32, #tpu.memory_space<hbm>>
        %dma_start3A_531 = arith.constant 0 : i32
        %dma_start3A_532 = arith.constant 0 : i32
        %dma_start3A_533 = tpu.memref_slice %arg9[%run_scoped3A_471, %dma_start3A_531, %dma_start3A_532] : memref<10x128x64xf32, #tpu.memory_space<vmem>> -> memref<1x128x64xf32, #tpu.memory_space<vmem>>
        %dma_start3A_534 = tpu.memref_squeeze %dma_start3A_533 : memref<1x128x64xf32, #tpu.memory_space<vmem>> -> memref<128x64xf32, #tpu.memory_space<vmem>>
        tpu.enqueue_dma source(%dma_start3A_534 : memref<128x64xf32, #tpu.memory_space<vmem>>) target(%dma_start3A_530 : memref<128x64xf32, #tpu.memory_space<hbm>>) target_semaphore(%run_scoped3A_522 : memref<!tpu.dma_semaphore, #tpu.memory_space<semaphore_mem>>)
        %dma_wait3A_535 = arith.constant 0 : i32
        %dma_wait3A_536 = arith.constant 0 : i32
        %dma_wait3A_537 = tpu.memref_slice %arg9[%run_scoped3A_471, %dma_wait3A_535, %dma_wait3A_536] : memref<10x128x64xf32, #tpu.memory_space<vmem>> -> memref<1x128x64xf32, #tpu.memory_space<vmem>>
        %dma_wait3A_538 = tpu.memref_squeeze %dma_wait3A_537 : memref<1x128x64xf32, #tpu.memory_space<vmem>> -> memref<128x64xf32, #tpu.memory_space<vmem>>
        %dma_wait3A_539 = arith.constant 0 : i32
        %dma_wait3A_540 = tpu.memref_slice %arg6[%add3A_470, %dma_wait3A_539] : memref<81920x128xf32, #tpu.memory_space<hbm>> -> memref<128x64xf32, #tpu.memory_space<hbm>>
        %dma_wait3A_541 = arith.constant 0 : i32
        %dma_wait3A_542 = tpu.memref_slice %arg6[%add3A_470, %dma_wait3A_541] : memref<81920x128xf32, #tpu.memory_space<hbm>> -> memref<128x64xf32, #tpu.memory_space<hbm>>
        %dma_wait3A_543 = arith.constant 0 : i32
        %dma_wait3A_544 = arith.constant 0 : i32
        %dma_wait3A_545 = tpu.memref_slice %arg9[%run_scoped3A_471, %dma_wait3A_543, %dma_wait3A_544] : memref<10x128x64xf32, #tpu.memory_space<vmem>> -> memref<1x128x64xf32, #tpu.memory_space<vmem>>
        %dma_wait3A_546 = tpu.memref_squeeze %dma_wait3A_545 : memref<1x128x64xf32, #tpu.memory_space<vmem>> -> memref<128x64xf32, #tpu.memory_space<vmem>>
        tpu.wait_dma2 semaphore(%run_scoped3A_522 : memref<!tpu.dma_semaphore, #tpu.memory_space<semaphore_mem>>) src(%dma_wait3A_546 : memref<128x64xf32, #tpu.memory_space<vmem>>) dst(%dma_wait3A_542 : memref<128x64xf32, #tpu.memory_space<hbm>>)
        tpu.yield
      }) : () -> ()
      %dma_wait3A_472 = arith.constant 8 : i32
      %dma_wait3A_473 = arith.constant 8 : i32
      %dma_wait3A_474 = arith.constant 0 : i32
      %dma_wait3A_475 = arith.constant 0 : i32
      %dma_wait3A_476 = tpu.memref_slice %arg9[%dma_wait3A_472, %dma_wait3A_474, %dma_wait3A_475] : memref<10x128x64xf32, #tpu.memory_space<vmem>> -> memref<1x128x64xf32, #tpu.memory_space<vmem>>
      %dma_wait3A_477 = tpu.memref_squeeze %dma_wait3A_476 : memref<1x128x64xf32, #tpu.memory_space<vmem>> -> memref<128x64xf32, #tpu.memory_space<vmem>>
      %dma_wait3A_478 = arith.constant 0 : i32
      %dma_wait3A_479 = arith.constant 0 : i32
      %dma_wait3A_480 = tpu.memref_slice %arg4[%dma_wait3A_478, %dma_wait3A_479] : memref<1000000x64xf32, #tpu.memory_space<hbm>> -> memref<128x64xf32, #tpu.memory_space<hbm>>
      %dma_wait3A_481 = tpu.memref_slice %arg10[%dma_wait3A_473] : memref<10x!tpu.dma_semaphore, #tpu.memory_space<semaphore_mem>> -> memref<1x!tpu.dma_semaphore, #tpu.memory_space<semaphore_mem>>
      %dma_wait3A_482 = tpu.memref_squeeze %dma_wait3A_481 : memref<1x!tpu.dma_semaphore, #tpu.memory_space<semaphore_mem>> -> memref<!tpu.dma_semaphore, #tpu.memory_space<semaphore_mem>>
      %dma_wait3A_483 = arith.constant 0 : i32
      %dma_wait3A_484 = arith.constant 0 : i32
      %dma_wait3A_485 = tpu.memref_slice %arg9[%dma_wait3A_472, %dma_wait3A_483, %dma_wait3A_484] : memref<10x128x64xf32, #tpu.memory_space<vmem>> -> memref<1x128x64xf32, #tpu.memory_space<vmem>>
      %dma_wait3A_486 = tpu.memref_squeeze %dma_wait3A_485 : memref<1x128x64xf32, #tpu.memory_space<vmem>> -> memref<128x64xf32, #tpu.memory_space<vmem>>
      %dma_wait3A_487 = arith.constant 0 : i32
      %dma_wait3A_488 = arith.constant 0 : i32
      %dma_wait3A_489 = tpu.memref_slice %arg4[%dma_wait3A_487, %dma_wait3A_488] : memref<1000000x64xf32, #tpu.memory_space<hbm>> -> memref<128x64xf32, #tpu.memory_space<hbm>>
      tpu.wait_dma2 semaphore(%dma_wait3A_482 : memref<!tpu.dma_semaphore, #tpu.memory_space<semaphore_mem>>) src(%dma_wait3A_489 : memref<128x64xf32, #tpu.memory_space<hbm>>) dst(%dma_wait3A_486 : memref<128x64xf32, #tpu.memory_space<vmem>>)
      %add3A_490 = arith.constant 8 : i32
      %add3A_491 = arith.addi %mul3A_281, %add3A_490 : i32
      %mul3A_492 = arith.constant 128 : i32
      %mul3A_493 = arith.muli %add3A_491, %mul3A_492 : i32
      %add3A_494 = arith.addi %mul3A_142, %mul3A_493 : i32
      %run_scoped3A_495 = arith.constant 8 : i32
      "tpu.region"() ({
        %run_scoped3A_522 = tpu.sem_alloc : memref<!tpu.dma_semaphore, #tpu.memory_space<semaphore_mem>>
        %dma_start3A_523 = arith.constant 0 : i32
        %dma_start3A_524 = arith.constant 0 : i32
        %dma_start3A_525 = tpu.memref_slice %arg9[%run_scoped3A_495, %dma_start3A_523, %dma_start3A_524] : memref<10x128x64xf32, #tpu.memory_space<vmem>> -> memref<1x128x64xf32, #tpu.memory_space<vmem>>
        %dma_start3A_526 = tpu.memref_squeeze %dma_start3A_525 : memref<1x128x64xf32, #tpu.memory_space<vmem>> -> memref<128x64xf32, #tpu.memory_space<vmem>>
        %dma_start3A_527 = arith.constant 0 : i32
        %dma_start3A_528 = tpu.memref_slice %arg6[%add3A_494, %dma_start3A_527] : memref<81920x128xf32, #tpu.memory_space<hbm>> -> memref<128x64xf32, #tpu.memory_space<hbm>>
        %dma_start3A_529 = arith.constant 0 : i32
        %dma_start3A_530 = tpu.memref_slice %arg6[%add3A_494, %dma_start3A_529] : memref<81920x128xf32, #tpu.memory_space<hbm>> -> memref<128x64xf32, #tpu.memory_space<hbm>>
        %dma_start3A_531 = arith.constant 0 : i32
        %dma_start3A_532 = arith.constant 0 : i32
        %dma_start3A_533 = tpu.memref_slice %arg9[%run_scoped3A_495, %dma_start3A_531, %dma_start3A_532] : memref<10x128x64xf32, #tpu.memory_space<vmem>> -> memref<1x128x64xf32, #tpu.memory_space<vmem>>
        %dma_start3A_534 = tpu.memref_squeeze %dma_start3A_533 : memref<1x128x64xf32, #tpu.memory_space<vmem>> -> memref<128x64xf32, #tpu.memory_space<vmem>>
        tpu.enqueue_dma source(%dma_start3A_534 : memref<128x64xf32, #tpu.memory_space<vmem>>) target(%dma_start3A_530 : memref<128x64xf32, #tpu.memory_space<hbm>>) target_semaphore(%run_scoped3A_522 : memref<!tpu.dma_semaphore, #tpu.memory_space<semaphore_mem>>)
        %dma_wait3A_535 = arith.constant 0 : i32
        %dma_wait3A_536 = arith.constant 0 : i32
        %dma_wait3A_537 = tpu.memref_slice %arg9[%run_scoped3A_495, %dma_wait3A_535, %dma_wait3A_536] : memref<10x128x64xf32, #tpu.memory_space<vmem>> -> memref<1x128x64xf32, #tpu.memory_space<vmem>>
        %dma_wait3A_538 = tpu.memref_squeeze %dma_wait3A_537 : memref<1x128x64xf32, #tpu.memory_space<vmem>> -> memref<128x64xf32, #tpu.memory_space<vmem>>
        %dma_wait3A_539 = arith.constant 0 : i32
        %dma_wait3A_540 = tpu.memref_slice %arg6[%add3A_494, %dma_wait3A_539] : memref<81920x128xf32, #tpu.memory_space<hbm>> -> memref<128x64xf32, #tpu.memory_space<hbm>>
        %dma_wait3A_541 = arith.constant 0 : i32
        %dma_wait3A_542 = tpu.memref_slice %arg6[%add3A_494, %dma_wait3A_541] : memref<81920x128xf32, #tpu.memory_space<hbm>> -> memref<128x64xf32, #tpu.memory_space<hbm>>
        %dma_wait3A_543 = arith.constant 0 : i32
        %dma_wait3A_544 = arith.constant 0 : i32
        %dma_wait3A_545 = tpu.memref_slice %arg9[%run_scoped3A_495, %dma_wait3A_543, %dma_wait3A_544] : memref<10x128x64xf32, #tpu.memory_space<vmem>> -> memref<1x128x64xf32, #tpu.memory_space<vmem>>
        %dma_wait3A_546 = tpu.memref_squeeze %dma_wait3A_545 : memref<1x128x64xf32, #tpu.memory_space<vmem>> -> memref<128x64xf32, #tpu.memory_space<vmem>>
        tpu.wait_dma2 semaphore(%run_scoped3A_522 : memref<!tpu.dma_semaphore, #tpu.memory_space<semaphore_mem>>) src(%dma_wait3A_546 : memref<128x64xf32, #tpu.memory_space<vmem>>) dst(%dma_wait3A_542 : memref<128x64xf32, #tpu.memory_space<hbm>>)
        tpu.yield
      }) : () -> ()
      %dma_wait3A_496 = arith.constant 9 : i32
      %dma_wait3A_497 = arith.constant 9 : i32
      %dma_wait3A_498 = arith.constant 0 : i32
      %dma_wait3A_499 = arith.constant 0 : i32
      %dma_wait3A_500 = tpu.memref_slice %arg9[%dma_wait3A_496, %dma_wait3A_498, %dma_wait3A_499] : memref<10x128x64xf32, #tpu.memory_space<vmem>> -> memref<1x128x64xf32, #tpu.memory_space<vmem>>
      %dma_wait3A_501 = tpu.memref_squeeze %dma_wait3A_500 : memref<1x128x64xf32, #tpu.memory_space<vmem>> -> memref<128x64xf32, #tpu.memory_space<vmem>>
      %dma_wait3A_502 = arith.constant 0 : i32
      %dma_wait3A_503 = arith.constant 0 : i32
      %dma_wait3A_504 = tpu.memref_slice %arg4[%dma_wait3A_502, %dma_wait3A_503] : memref<1000000x64xf32, #tpu.memory_space<hbm>> -> memref<128x64xf32, #tpu.memory_space<hbm>>
      %dma_wait3A_505 = tpu.memref_slice %arg10[%dma_wait3A_497] : memref<10x!tpu.dma_semaphore, #tpu.memory_space<semaphore_mem>> -> memref<1x!tpu.dma_semaphore, #tpu.memory_space<semaphore_mem>>
      %dma_wait3A_506 = tpu.memref_squeeze %dma_wait3A_505 : memref<1x!tpu.dma_semaphore, #tpu.memory_space<semaphore_mem>> -> memref<!tpu.dma_semaphore, #tpu.memory_space<semaphore_mem>>
      %dma_wait3A_507 = arith.constant 0 : i32
      %dma_wait3A_508 = arith.constant 0 : i32
      %dma_wait3A_509 = tpu.memref_slice %arg9[%dma_wait3A_496, %dma_wait3A_507, %dma_wait3A_508] : memref<10x128x64xf32, #tpu.memory_space<vmem>> -> memref<1x128x64xf32, #tpu.memory_space<vmem>>
      %dma_wait3A_510 = tpu.memref_squeeze %dma_wait3A_509 : memref<1x128x64xf32, #tpu.memory_space<vmem>> -> memref<128x64xf32, #tpu.memory_space<vmem>>
      %dma_wait3A_511 = arith.constant 0 : i32
      %dma_wait3A_512 = arith.constant 0 : i32
      %dma_wait3A_513 = tpu.memref_slice %arg4[%dma_wait3A_511, %dma_wait3A_512] : memref<1000000x64xf32, #tpu.memory_space<hbm>> -> memref<128x64xf32, #tpu.memory_space<hbm>>
      tpu.wait_dma2 semaphore(%dma_wait3A_506 : memref<!tpu.dma_semaphore, #tpu.memory_space<semaphore_mem>>) src(%dma_wait3A_513 : memref<128x64xf32, #tpu.memory_space<hbm>>) dst(%dma_wait3A_510 : memref<128x64xf32, #tpu.memory_space<vmem>>)
      %add3A_514 = arith.constant 9 : i32
      %add3A_515 = arith.addi %mul3A_281, %add3A_514 : i32
      %mul3A_516 = arith.constant 128 : i32
      %mul3A_517 = arith.muli %add3A_515, %mul3A_516 : i32
      %add3A_518 = arith.addi %mul3A_142, %mul3A_517 : i32
      %run_scoped3A_519 = arith.constant 9 : i32
      "tpu.region"() ({
        %run_scoped3A_522 = tpu.sem_alloc : memref<!tpu.dma_semaphore, #tpu.memory_space<semaphore_mem>>
        %dma_start3A_523 = arith.constant 0 : i32
        %dma_start3A_524 = arith.constant 0 : i32
        %dma_start3A_525 = tpu.memref_slice %arg9[%run_scoped3A_519, %dma_start3A_523, %dma_start3A_524] : memref<10x128x64xf32, #tpu.memory_space<vmem>> -> memref<1x128x64xf32, #tpu.memory_space<vmem>>
        %dma_start3A_526 = tpu.memref_squeeze %dma_start3A_525 : memref<1x128x64xf32, #tpu.memory_space<vmem>> -> memref<128x64xf32, #tpu.memory_space<vmem>>
        %dma_start3A_527 = arith.constant 0 : i32
        %dma_start3A_528 = tpu.memref_slice %arg6[%add3A_518, %dma_start3A_527] : memref<81920x128xf32, #tpu.memory_space<hbm>> -> memref<128x64xf32, #tpu.memory_space<hbm>>
        %dma_start3A_529 = arith.constant 0 : i32
        %dma_start3A_530 = tpu.memref_slice %arg6[%add3A_518, %dma_start3A_529] : memref<81920x128xf32, #tpu.memory_space<hbm>> -> memref<128x64xf32, #tpu.memory_space<hbm>>
        %dma_start3A_531 = arith.constant 0 : i32
        %dma_start3A_532 = arith.constant 0 : i32
        %dma_start3A_533 = tpu.memref_slice %arg9[%run_scoped3A_519, %dma_start3A_531, %dma_start3A_532] : memref<10x128x64xf32, #tpu.memory_space<vmem>> -> memref<1x128x64xf32, #tpu.memory_space<vmem>>
        %dma_start3A_534 = tpu.memref_squeeze %dma_start3A_533 : memref<1x128x64xf32, #tpu.memory_space<vmem>> -> memref<128x64xf32, #tpu.memory_space<vmem>>
        tpu.enqueue_dma source(%dma_start3A_534 : memref<128x64xf32, #tpu.memory_space<vmem>>) target(%dma_start3A_530 : memref<128x64xf32, #tpu.memory_space<hbm>>) target_semaphore(%run_scoped3A_522 : memref<!tpu.dma_semaphore, #tpu.memory_space<semaphore_mem>>)
        %dma_wait3A_535 = arith.constant 0 : i32
        %dma_wait3A_536 = arith.constant 0 : i32
        %dma_wait3A_537 = tpu.memref_slice %arg9[%run_scoped3A_519, %dma_wait3A_535, %dma_wait3A_536] : memref<10x128x64xf32, #tpu.memory_space<vmem>> -> memref<1x128x64xf32, #tpu.memory_space<vmem>>
        %dma_wait3A_538 = tpu.memref_squeeze %dma_wait3A_537 : memref<1x128x64xf32, #tpu.memory_space<vmem>> -> memref<128x64xf32, #tpu.memory_space<vmem>>
        %dma_wait3A_539 = arith.constant 0 : i32
        %dma_wait3A_540 = tpu.memref_slice %arg6[%add3A_518, %dma_wait3A_539] : memref<81920x128xf32, #tpu.memory_space<hbm>> -> memref<128x64xf32, #tpu.memory_space<hbm>>
        %dma_wait3A_541 = arith.constant 0 : i32
        %dma_wait3A_542 = tpu.memref_slice %arg6[%add3A_518, %dma_wait3A_541] : memref<81920x128xf32, #tpu.memory_space<hbm>> -> memref<128x64xf32, #tpu.memory_space<hbm>>
        %dma_wait3A_543 = arith.constant 0 : i32
        %dma_wait3A_544 = arith.constant 0 : i32
        %dma_wait3A_545 = tpu.memref_slice %arg9[%run_scoped3A_519, %dma_wait3A_543, %dma_wait3A_544] : memref<10x128x64xf32, #tpu.memory_space<vmem>> -> memref<1x128x64xf32, #tpu.memory_space<vmem>>
        %dma_wait3A_546 = tpu.memref_squeeze %dma_wait3A_545 : memref<1x128x64xf32, #tpu.memory_space<vmem>> -> memref<128x64xf32, #tpu.memory_space<vmem>>
        tpu.wait_dma2 semaphore(%run_scoped3A_522 : memref<!tpu.dma_semaphore, #tpu.memory_space<semaphore_mem>>) src(%dma_wait3A_546 : memref<128x64xf32, #tpu.memory_space<vmem>>) dst(%dma_wait3A_542 : memref<128x64xf32, #tpu.memory_space<hbm>>)
        tpu.yield
      }) : () -> ()
      %lt3A = arith.constant 1 : i32
      %lt3A_520 = arith.cmpi slt, %scan3A_279, %lt3A : i32
      %convert_element_type3A = arith.extui %lt3A_520 : i1 to i32
      %cond3A = arith.constant 0 : i32
      %cond3A_521 = arith.cmpi ne, %convert_element_type3A, %cond3A : i32
      scf.if %cond3A_521 {
        %add3A_522 = arith.constant 10 : i32
        %add3A_523 = arith.addi %mul3A_281, %add3A_522 : i32
        %add3A_524 = arith.constant 0 : i32
        %add3A_525 = arith.addi %add3A_523, %add3A_524 : i32
        %mul3A_526 = arith.constant 128 : i32
        %mul3A_527 = arith.muli %add3A_525, %mul3A_526 : i32
        %dma_start3A_528 = arith.constant 0 : i32
        %dma_start3A_529 = arith.constant 0 : i32
        %dma_start3A_530 = arith.constant 0 : i32
        %dma_start3A_531 = arith.constant 0 : i32
        %dma_start3A_532 = tpu.memref_slice %arg9[%dma_start3A_528, %dma_start3A_530, %dma_start3A_531] : memref<10x128x64xf32, #tpu.memory_space<vmem>> -> memref<1x128x64xf32, #tpu.memory_space<vmem>>
        %dma_start3A_533 = tpu.memref_squeeze %dma_start3A_532 : memref<1x128x64xf32, #tpu.memory_space<vmem>> -> memref<128x64xf32, #tpu.memory_space<vmem>>
        %dma_start3A_534 = tpu.memref_slice %arg8[%mul3A_527] : memref<2560xi32, #tpu.memory_space<vmem>> -> memref<128xi32, #tpu.memory_space<vmem>>
        %dma_start3A_535 = arith.constant 0 : i32
        %dma_start3A_536 = arith.constant 0 : i32
        %dma_start3A_537 = tpu.memref_slice %arg4[%dma_start3A_535, %dma_start3A_536] : memref<1000000x64xf32, #tpu.memory_space<hbm>> -> memref<1000000x64xf32, #tpu.memory_space<hbm>>
        %dma_start3A_538 = tpu.memref_slice %arg10[%dma_start3A_529] : memref<10x!tpu.dma_semaphore, #tpu.memory_space<semaphore_mem>> -> memref<1x!tpu.dma_semaphore, #tpu.memory_space<semaphore_mem>>
        %dma_start3A_539 = tpu.memref_squeeze %dma_start3A_538 : memref<1x!tpu.dma_semaphore, #tpu.memory_space<semaphore_mem>> -> memref<!tpu.dma_semaphore, #tpu.memory_space<semaphore_mem>>
        tpu.enqueue_indirect_dma source(%dma_start3A_537 : memref<1000000x64xf32, #tpu.memory_space<hbm>>) target(%dma_start3A_533 : memref<128x64xf32, #tpu.memory_space<vmem>>) offsets(%dma_start3A_534 : memref<128xi32, #tpu.memory_space<vmem>>) semaphore(%dma_start3A_539 : memref<!tpu.dma_semaphore, #tpu.memory_space<semaphore_mem>>)
        %add3A_540 = arith.constant 10 : i32
        %add3A_541 = arith.addi %mul3A_281, %add3A_540 : i32
        %add3A_542 = arith.constant 1 : i32
        %add3A_543 = arith.addi %add3A_541, %add3A_542 : i32
        %mul3A_544 = arith.constant 128 : i32
        %mul3A_545 = arith.muli %add3A_543, %mul3A_544 : i32
        %dma_start3A_546 = arith.constant 1 : i32
        %dma_start3A_547 = arith.constant 1 : i32
        %dma_start3A_548 = arith.constant 0 : i32
        %dma_start3A_549 = arith.constant 0 : i32
        %dma_start3A_550 = tpu.memref_slice %arg9[%dma_start3A_546, %dma_start3A_548, %dma_start3A_549] : memref<10x128x64xf32, #tpu.memory_space<vmem>> -> memref<1x128x64xf32, #tpu.memory_space<vmem>>
        %dma_start3A_551 = tpu.memref_squeeze %dma_start3A_550 : memref<1x128x64xf32, #tpu.memory_space<vmem>> -> memref<128x64xf32, #tpu.memory_space<vmem>>
        %dma_start3A_552 = tpu.memref_slice %arg8[%mul3A_545] : memref<2560xi32, #tpu.memory_space<vmem>> -> memref<128xi32, #tpu.memory_space<vmem>>
        %dma_start3A_553 = arith.constant 0 : i32
        %dma_start3A_554 = arith.constant 0 : i32
        %dma_start3A_555 = tpu.memref_slice %arg4[%dma_start3A_553, %dma_start3A_554] : memref<1000000x64xf32, #tpu.memory_space<hbm>> -> memref<1000000x64xf32, #tpu.memory_space<hbm>>
        %dma_start3A_556 = tpu.memref_slice %arg10[%dma_start3A_547] : memref<10x!tpu.dma_semaphore, #tpu.memory_space<semaphore_mem>> -> memref<1x!tpu.dma_semaphore, #tpu.memory_space<semaphore_mem>>
        %dma_start3A_557 = tpu.memref_squeeze %dma_start3A_556 : memref<1x!tpu.dma_semaphore, #tpu.memory_space<semaphore_mem>> -> memref<!tpu.dma_semaphore, #tpu.memory_space<semaphore_mem>>
        tpu.enqueue_indirect_dma source(%dma_start3A_555 : memref<1000000x64xf32, #tpu.memory_space<hbm>>) target(%dma_start3A_551 : memref<128x64xf32, #tpu.memory_space<vmem>>) offsets(%dma_start3A_552 : memref<128xi32, #tpu.memory_space<vmem>>) semaphore(%dma_start3A_557 : memref<!tpu.dma_semaphore, #tpu.memory_space<semaphore_mem>>)
        %add3A_558 = arith.constant 10 : i32
        %add3A_559 = arith.addi %mul3A_281, %add3A_558 : i32
        %add3A_560 = arith.constant 2 : i32
        %add3A_561 = arith.addi %add3A_559, %add3A_560 : i32
        %mul3A_562 = arith.constant 128 : i32
        %mul3A_563 = arith.muli %add3A_561, %mul3A_562 : i32
        %dma_start3A_564 = arith.constant 2 : i32
        %dma_start3A_565 = arith.constant 2 : i32
        %dma_start3A_566 = arith.constant 0 : i32
        %dma_start3A_567 = arith.constant 0 : i32
        %dma_start3A_568 = tpu.memref_slice %arg9[%dma_start3A_564, %dma_start3A_566, %dma_start3A_567] : memref<10x128x64xf32, #tpu.memory_space<vmem>> -> memref<1x128x64xf32, #tpu.memory_space<vmem>>
        %dma_start3A_569 = tpu.memref_squeeze %dma_start3A_568 : memref<1x128x64xf32, #tpu.memory_space<vmem>> -> memref<128x64xf32, #tpu.memory_space<vmem>>
        %dma_start3A_570 = tpu.memref_slice %arg8[%mul3A_563] : memref<2560xi32, #tpu.memory_space<vmem>> -> memref<128xi32, #tpu.memory_space<vmem>>
        %dma_start3A_571 = arith.constant 0 : i32
        %dma_start3A_572 = arith.constant 0 : i32
        %dma_start3A_573 = tpu.memref_slice %arg4[%dma_start3A_571, %dma_start3A_572] : memref<1000000x64xf32, #tpu.memory_space<hbm>> -> memref<1000000x64xf32, #tpu.memory_space<hbm>>
        %dma_start3A_574 = tpu.memref_slice %arg10[%dma_start3A_565] : memref<10x!tpu.dma_semaphore, #tpu.memory_space<semaphore_mem>> -> memref<1x!tpu.dma_semaphore, #tpu.memory_space<semaphore_mem>>
        %dma_start3A_575 = tpu.memref_squeeze %dma_start3A_574 : memref<1x!tpu.dma_semaphore, #tpu.memory_space<semaphore_mem>> -> memref<!tpu.dma_semaphore, #tpu.memory_space<semaphore_mem>>
        tpu.enqueue_indirect_dma source(%dma_start3A_573 : memref<1000000x64xf32, #tpu.memory_space<hbm>>) target(%dma_start3A_569 : memref<128x64xf32, #tpu.memory_space<vmem>>) offsets(%dma_start3A_570 : memref<128xi32, #tpu.memory_space<vmem>>) semaphore(%dma_start3A_575 : memref<!tpu.dma_semaphore, #tpu.memory_space<semaphore_mem>>)
        %add3A_576 = arith.constant 10 : i32
        %add3A_577 = arith.addi %mul3A_281, %add3A_576 : i32
        %add3A_578 = arith.constant 3 : i32
        %add3A_579 = arith.addi %add3A_577, %add3A_578 : i32
        %mul3A_580 = arith.constant 128 : i32
        %mul3A_581 = arith.muli %add3A_579, %mul3A_580 : i32
        %dma_start3A_582 = arith.constant 3 : i32
        %dma_start3A_583 = arith.constant 3 : i32
        %dma_start3A_584 = arith.constant 0 : i32
        %dma_start3A_585 = arith.constant 0 : i32
        %dma_start3A_586 = tpu.memref_slice %arg9[%dma_start3A_582, %dma_start3A_584, %dma_start3A_585] : memref<10x128x64xf32, #tpu.memory_space<vmem>> -> memref<1x128x64xf32, #tpu.memory_space<vmem>>
        %dma_start3A_587 = tpu.memref_squeeze %dma_start3A_586 : memref<1x128x64xf32, #tpu.memory_space<vmem>> -> memref<128x64xf32, #tpu.memory_space<vmem>>
        %dma_start3A_588 = tpu.memref_slice %arg8[%mul3A_581] : memref<2560xi32, #tpu.memory_space<vmem>> -> memref<128xi32, #tpu.memory_space<vmem>>
        %dma_start3A_589 = arith.constant 0 : i32
        %dma_start3A_590 = arith.constant 0 : i32
        %dma_start3A_591 = tpu.memref_slice %arg4[%dma_start3A_589, %dma_start3A_590] : memref<1000000x64xf32, #tpu.memory_space<hbm>> -> memref<1000000x64xf32, #tpu.memory_space<hbm>>
        %dma_start3A_592 = tpu.memref_slice %arg10[%dma_start3A_583] : memref<10x!tpu.dma_semaphore, #tpu.memory_space<semaphore_mem>> -> memref<1x!tpu.dma_semaphore, #tpu.memory_space<semaphore_mem>>
        %dma_start3A_593 = tpu.memref_squeeze %dma_start3A_592 : memref<1x!tpu.dma_semaphore, #tpu.memory_space<semaphore_mem>> -> memref<!tpu.dma_semaphore, #tpu.memory_space<semaphore_mem>>
        tpu.enqueue_indirect_dma source(%dma_start3A_591 : memref<1000000x64xf32, #tpu.memory_space<hbm>>) target(%dma_start3A_587 : memref<128x64xf32, #tpu.memory_space<vmem>>) offsets(%dma_start3A_588 : memref<128xi32, #tpu.memory_space<vmem>>) semaphore(%dma_start3A_593 : memref<!tpu.dma_semaphore, #tpu.memory_space<semaphore_mem>>)
        %add3A_594 = arith.constant 10 : i32
        %add3A_595 = arith.addi %mul3A_281, %add3A_594 : i32
        %add3A_596 = arith.constant 4 : i32
        %add3A_597 = arith.addi %add3A_595, %add3A_596 : i32
        %mul3A_598 = arith.constant 128 : i32
        %mul3A_599 = arith.muli %add3A_597, %mul3A_598 : i32
        %dma_start3A_600 = arith.constant 4 : i32
        %dma_start3A_601 = arith.constant 4 : i32
        %dma_start3A_602 = arith.constant 0 : i32
        %dma_start3A_603 = arith.constant 0 : i32
        %dma_start3A_604 = tpu.memref_slice %arg9[%dma_start3A_600, %dma_start3A_602, %dma_start3A_603] : memref<10x128x64xf32, #tpu.memory_space<vmem>> -> memref<1x128x64xf32, #tpu.memory_space<vmem>>
        %dma_start3A_605 = tpu.memref_squeeze %dma_start3A_604 : memref<1x128x64xf32, #tpu.memory_space<vmem>> -> memref<128x64xf32, #tpu.memory_space<vmem>>
        %dma_start3A_606 = tpu.memref_slice %arg8[%mul3A_599] : memref<2560xi32, #tpu.memory_space<vmem>> -> memref<128xi32, #tpu.memory_space<vmem>>
        %dma_start3A_607 = arith.constant 0 : i32
        %dma_start3A_608 = arith.constant 0 : i32
        %dma_start3A_609 = tpu.memref_slice %arg4[%dma_start3A_607, %dma_start3A_608] : memref<1000000x64xf32, #tpu.memory_space<hbm>> -> memref<1000000x64xf32, #tpu.memory_space<hbm>>
        %dma_start3A_610 = tpu.memref_slice %arg10[%dma_start3A_601] : memref<10x!tpu.dma_semaphore, #tpu.memory_space<semaphore_mem>> -> memref<1x!tpu.dma_semaphore, #tpu.memory_space<semaphore_mem>>
        %dma_start3A_611 = tpu.memref_squeeze %dma_start3A_610 : memref<1x!tpu.dma_semaphore, #tpu.memory_space<semaphore_mem>> -> memref<!tpu.dma_semaphore, #tpu.memory_space<semaphore_mem>>
        tpu.enqueue_indirect_dma source(%dma_start3A_609 : memref<1000000x64xf32, #tpu.memory_space<hbm>>) target(%dma_start3A_605 : memref<128x64xf32, #tpu.memory_space<vmem>>) offsets(%dma_start3A_606 : memref<128xi32, #tpu.memory_space<vmem>>) semaphore(%dma_start3A_611 : memref<!tpu.dma_semaphore, #tpu.memory_space<semaphore_mem>>)
        %add3A_612 = arith.constant 10 : i32
        %add3A_613 = arith.addi %mul3A_281, %add3A_612 : i32
        %add3A_614 = arith.constant 5 : i32
        %add3A_615 = arith.addi %add3A_613, %add3A_614 : i32
        %mul3A_616 = arith.constant 128 : i32
        %mul3A_617 = arith.muli %add3A_615, %mul3A_616 : i32
        %dma_start3A_618 = arith.constant 5 : i32
        %dma_start3A_619 = arith.constant 5 : i32
        %dma_start3A_620 = arith.constant 0 : i32
        %dma_start3A_621 = arith.constant 0 : i32
        %dma_start3A_622 = tpu.memref_slice %arg9[%dma_start3A_618, %dma_start3A_620, %dma_start3A_621] : memref<10x128x64xf32, #tpu.memory_space<vmem>> -> memref<1x128x64xf32, #tpu.memory_space<vmem>>
        %dma_start3A_623 = tpu.memref_squeeze %dma_start3A_622 : memref<1x128x64xf32, #tpu.memory_space<vmem>> -> memref<128x64xf32, #tpu.memory_space<vmem>>
        %dma_start3A_624 = tpu.memref_slice %arg8[%mul3A_617] : memref<2560xi32, #tpu.memory_space<vmem>> -> memref<128xi32, #tpu.memory_space<vmem>>
        %dma_start3A_625 = arith.constant 0 : i32
        %dma_start3A_626 = arith.constant 0 : i32
        %dma_start3A_627 = tpu.memref_slice %arg4[%dma_start3A_625, %dma_start3A_626] : memref<1000000x64xf32, #tpu.memory_space<hbm>> -> memref<1000000x64xf32, #tpu.memory_space<hbm>>
        %dma_start3A_628 = tpu.memref_slice %arg10[%dma_start3A_619] : memref<10x!tpu.dma_semaphore, #tpu.memory_space<semaphore_mem>> -> memref<1x!tpu.dma_semaphore, #tpu.memory_space<semaphore_mem>>
        %dma_start3A_629 = tpu.memref_squeeze %dma_start3A_628 : memref<1x!tpu.dma_semaphore, #tpu.memory_space<semaphore_mem>> -> memref<!tpu.dma_semaphore, #tpu.memory_space<semaphore_mem>>
        tpu.enqueue_indirect_dma source(%dma_start3A_627 : memref<1000000x64xf32, #tpu.memory_space<hbm>>) target(%dma_start3A_623 : memref<128x64xf32, #tpu.memory_space<vmem>>) offsets(%dma_start3A_624 : memref<128xi32, #tpu.memory_space<vmem>>) semaphore(%dma_start3A_629 : memref<!tpu.dma_semaphore, #tpu.memory_space<semaphore_mem>>)
        %add3A_630 = arith.constant 10 : i32
        %add3A_631 = arith.addi %mul3A_281, %add3A_630 : i32
        %add3A_632 = arith.constant 6 : i32
        %add3A_633 = arith.addi %add3A_631, %add3A_632 : i32
        %mul3A_634 = arith.constant 128 : i32
        %mul3A_635 = arith.muli %add3A_633, %mul3A_634 : i32
        %dma_start3A_636 = arith.constant 6 : i32
        %dma_start3A_637 = arith.constant 6 : i32
        %dma_start3A_638 = arith.constant 0 : i32
        %dma_start3A_639 = arith.constant 0 : i32
        %dma_start3A_640 = tpu.memref_slice %arg9[%dma_start3A_636, %dma_start3A_638, %dma_start3A_639] : memref<10x128x64xf32, #tpu.memory_space<vmem>> -> memref<1x128x64xf32, #tpu.memory_space<vmem>>
        %dma_start3A_641 = tpu.memref_squeeze %dma_start3A_640 : memref<1x128x64xf32, #tpu.memory_space<vmem>> -> memref<128x64xf32, #tpu.memory_space<vmem>>
        %dma_start3A_642 = tpu.memref_slice %arg8[%mul3A_635] : memref<2560xi32, #tpu.memory_space<vmem>> -> memref<128xi32, #tpu.memory_space<vmem>>
        %dma_start3A_643 = arith.constant 0 : i32
        %dma_start3A_644 = arith.constant 0 : i32
        %dma_start3A_645 = tpu.memref_slice %arg4[%dma_start3A_643, %dma_start3A_644] : memref<1000000x64xf32, #tpu.memory_space<hbm>> -> memref<1000000x64xf32, #tpu.memory_space<hbm>>
        %dma_start3A_646 = tpu.memref_slice %arg10[%dma_start3A_637] : memref<10x!tpu.dma_semaphore, #tpu.memory_space<semaphore_mem>> -> memref<1x!tpu.dma_semaphore, #tpu.memory_space<semaphore_mem>>
        %dma_start3A_647 = tpu.memref_squeeze %dma_start3A_646 : memref<1x!tpu.dma_semaphore, #tpu.memory_space<semaphore_mem>> -> memref<!tpu.dma_semaphore, #tpu.memory_space<semaphore_mem>>
        tpu.enqueue_indirect_dma source(%dma_start3A_645 : memref<1000000x64xf32, #tpu.memory_space<hbm>>) target(%dma_start3A_641 : memref<128x64xf32, #tpu.memory_space<vmem>>) offsets(%dma_start3A_642 : memref<128xi32, #tpu.memory_space<vmem>>) semaphore(%dma_start3A_647 : memref<!tpu.dma_semaphore, #tpu.memory_space<semaphore_mem>>)
        %add3A_648 = arith.constant 10 : i32
        %add3A_649 = arith.addi %mul3A_281, %add3A_648 : i32
        %add3A_650 = arith.constant 7 : i32
        %add3A_651 = arith.addi %add3A_649, %add3A_650 : i32
        %mul3A_652 = arith.constant 128 : i32
        %mul3A_653 = arith.muli %add3A_651, %mul3A_652 : i32
        %dma_start3A_654 = arith.constant 7 : i32
        %dma_start3A_655 = arith.constant 7 : i32
        %dma_start3A_656 = arith.constant 0 : i32
        %dma_start3A_657 = arith.constant 0 : i32
        %dma_start3A_658 = tpu.memref_slice %arg9[%dma_start3A_654, %dma_start3A_656, %dma_start3A_657] : memref<10x128x64xf32, #tpu.memory_space<vmem>> -> memref<1x128x64xf32, #tpu.memory_space<vmem>>
        %dma_start3A_659 = tpu.memref_squeeze %dma_start3A_658 : memref<1x128x64xf32, #tpu.memory_space<vmem>> -> memref<128x64xf32, #tpu.memory_space<vmem>>
        %dma_start3A_660 = tpu.memref_slice %arg8[%mul3A_653] : memref<2560xi32, #tpu.memory_space<vmem>> -> memref<128xi32, #tpu.memory_space<vmem>>
        %dma_start3A_661 = arith.constant 0 : i32
        %dma_start3A_662 = arith.constant 0 : i32
        %dma_start3A_663 = tpu.memref_slice %arg4[%dma_start3A_661, %dma_start3A_662] : memref<1000000x64xf32, #tpu.memory_space<hbm>> -> memref<1000000x64xf32, #tpu.memory_space<hbm>>
        %dma_start3A_664 = tpu.memref_slice %arg10[%dma_start3A_655] : memref<10x!tpu.dma_semaphore, #tpu.memory_space<semaphore_mem>> -> memref<1x!tpu.dma_semaphore, #tpu.memory_space<semaphore_mem>>
        %dma_start3A_665 = tpu.memref_squeeze %dma_start3A_664 : memref<1x!tpu.dma_semaphore, #tpu.memory_space<semaphore_mem>> -> memref<!tpu.dma_semaphore, #tpu.memory_space<semaphore_mem>>
        tpu.enqueue_indirect_dma source(%dma_start3A_663 : memref<1000000x64xf32, #tpu.memory_space<hbm>>) target(%dma_start3A_659 : memref<128x64xf32, #tpu.memory_space<vmem>>) offsets(%dma_start3A_660 : memref<128xi32, #tpu.memory_space<vmem>>) semaphore(%dma_start3A_665 : memref<!tpu.dma_semaphore, #tpu.memory_space<semaphore_mem>>)
        %add3A_666 = arith.constant 10 : i32
        %add3A_667 = arith.addi %mul3A_281, %add3A_666 : i32
        %add3A_668 = arith.constant 8 : i32
        %add3A_669 = arith.addi %add3A_667, %add3A_668 : i32
        %mul3A_670 = arith.constant 128 : i32
        %mul3A_671 = arith.muli %add3A_669, %mul3A_670 : i32
        %dma_start3A_672 = arith.constant 8 : i32
        %dma_start3A_673 = arith.constant 8 : i32
        %dma_start3A_674 = arith.constant 0 : i32
        %dma_start3A_675 = arith.constant 0 : i32
        %dma_start3A_676 = tpu.memref_slice %arg9[%dma_start3A_672, %dma_start3A_674, %dma_start3A_675] : memref<10x128x64xf32, #tpu.memory_space<vmem>> -> memref<1x128x64xf32, #tpu.memory_space<vmem>>
        %dma_start3A_677 = tpu.memref_squeeze %dma_start3A_676 : memref<1x128x64xf32, #tpu.memory_space<vmem>> -> memref<128x64xf32, #tpu.memory_space<vmem>>
        %dma_start3A_678 = tpu.memref_slice %arg8[%mul3A_671] : memref<2560xi32, #tpu.memory_space<vmem>> -> memref<128xi32, #tpu.memory_space<vmem>>
        %dma_start3A_679 = arith.constant 0 : i32
        %dma_start3A_680 = arith.constant 0 : i32
        %dma_start3A_681 = tpu.memref_slice %arg4[%dma_start3A_679, %dma_start3A_680] : memref<1000000x64xf32, #tpu.memory_space<hbm>> -> memref<1000000x64xf32, #tpu.memory_space<hbm>>
        %dma_start3A_682 = tpu.memref_slice %arg10[%dma_start3A_673] : memref<10x!tpu.dma_semaphore, #tpu.memory_space<semaphore_mem>> -> memref<1x!tpu.dma_semaphore, #tpu.memory_space<semaphore_mem>>
        %dma_start3A_683 = tpu.memref_squeeze %dma_start3A_682 : memref<1x!tpu.dma_semaphore, #tpu.memory_space<semaphore_mem>> -> memref<!tpu.dma_semaphore, #tpu.memory_space<semaphore_mem>>
        tpu.enqueue_indirect_dma source(%dma_start3A_681 : memref<1000000x64xf32, #tpu.memory_space<hbm>>) target(%dma_start3A_677 : memref<128x64xf32, #tpu.memory_space<vmem>>) offsets(%dma_start3A_678 : memref<128xi32, #tpu.memory_space<vmem>>) semaphore(%dma_start3A_683 : memref<!tpu.dma_semaphore, #tpu.memory_space<semaphore_mem>>)
        %add3A_684 = arith.constant 10 : i32
        %add3A_685 = arith.addi %mul3A_281, %add3A_684 : i32
        %add3A_686 = arith.constant 9 : i32
        %add3A_687 = arith.addi %add3A_685, %add3A_686 : i32
        %mul3A_688 = arith.constant 128 : i32
        %mul3A_689 = arith.muli %add3A_687, %mul3A_688 : i32
        %dma_start3A_690 = arith.constant 9 : i32
        %dma_start3A_691 = arith.constant 9 : i32
        %dma_start3A_692 = arith.constant 0 : i32
        %dma_start3A_693 = arith.constant 0 : i32
        %dma_start3A_694 = tpu.memref_slice %arg9[%dma_start3A_690, %dma_start3A_692, %dma_start3A_693] : memref<10x128x64xf32, #tpu.memory_space<vmem>> -> memref<1x128x64xf32, #tpu.memory_space<vmem>>
        %dma_start3A_695 = tpu.memref_squeeze %dma_start3A_694 : memref<1x128x64xf32, #tpu.memory_space<vmem>> -> memref<128x64xf32, #tpu.memory_space<vmem>>
        %dma_start3A_696 = tpu.memref_slice %arg8[%mul3A_689] : memref<2560xi32, #tpu.memory_space<vmem>> -> memref<128xi32, #tpu.memory_space<vmem>>
        %dma_start3A_697 = arith.constant 0 : i32
        %dma_start3A_698 = arith.constant 0 : i32
        %dma_start3A_699 = tpu.memref_slice %arg4[%dma_start3A_697, %dma_start3A_698] : memref<1000000x64xf32, #tpu.memory_space<hbm>> -> memref<1000000x64xf32, #tpu.memory_space<hbm>>
        %dma_start3A_700 = tpu.memref_slice %arg10[%dma_start3A_691] : memref<10x!tpu.dma_semaphore, #tpu.memory_space<semaphore_mem>> -> memref<1x!tpu.dma_semaphore, #tpu.memory_space<semaphore_mem>>
        %dma_start3A_701 = tpu.memref_squeeze %dma_start3A_700 : memref<1x!tpu.dma_semaphore, #tpu.memory_space<semaphore_mem>> -> memref<!tpu.dma_semaphore, #tpu.memory_space<semaphore_mem>>
        tpu.enqueue_indirect_dma source(%dma_start3A_699 : memref<1000000x64xf32, #tpu.memory_space<hbm>>) target(%dma_start3A_695 : memref<128x64xf32, #tpu.memory_space<vmem>>) offsets(%dma_start3A_696 : memref<128xi32, #tpu.memory_space<vmem>>) semaphore(%dma_start3A_701 : memref<!tpu.dma_semaphore, #tpu.memory_space<semaphore_mem>>)
      } else {
      }
    }
    %scan3A_278 = arith.constant 2 : i32
    return
  }
}

</mosaic_0001>

<sc_bundles>
// kernel: _embed.3.cloned.1.call-start
scs
__scs_entry_jumppad:
0x0: {  	(pc) =	sbr.rel $0x88, $3  }
0x1: {  	(tag) =	ssettag $0x0;
	lr =	simm.s32 $0x1  }
0x2: {  	[smem:$0x3F9E] =	sst lr;
	_ =	strace $0xD0000000  }
0x3: {  	_ = 	snop  }
0x4: {  	_ = 	snop  }
0x5: {  	_ = 	snop  }
0x6: {  	_ = 	snop  }
0x7: {  	_ = 	snop  }
__scs_overlays_trampoline_lowered:
0x8: {  	[smem:$0x3FAD] =	sst s0  }
0x9: {  	[smem:$0x3FAE] =	sst s1  }
0xa: {  	[smem:$0x3FAF] =	sst s2  }
0xb: {  	[smem:$0x3FB0] =	sst s3  }
0xc: {  	[smem:$0x3FB1] =	sst s4  }
0xd: {  	[smem:$0x3FB2] =	sst s5  }
0xe: {  	[smem:$0x3FB3] =	sst s6  }
0xf: {  	[smem:$0x3FB4] =	sst s7  }
0x10: {  	[smem:$0x3FB5] =	sst s8  }
0x11: {  	[smem:$0x3FB6] =	sst s9;
	s0 =	simm.s32 @!p0 $0x0  }
0x12: {  	s1 =	sld [smem:$0x3F9C];
	s0 =	simm.s32 @p0 $0x1  }
0x13: {  	[smem:$0x3FB7] =	sst s0;
	s0 =	simm.s32 @!p1 $0x0  }
0x14: {  	s2 =	sld [smem:$0x3F9B];
	s0 =	simm.s32 @p1 $0x1  }
0x15: {  	[smem:$0x3FB8] =	sst s0;
	s0 =	simm.s32 @!p2 $0x0  }
0x16: {  	s3 =	sld [smem:$0x3FDB];
	s0 =	simm.s32 @p2 $0x1  }
0x17: {  	s4 =	simm.s32 $0x1BF5;
	[smem:$0x3FBA] =	sst s0  }
0x18: {  	s0 =	sld [smem:$0x3F9D];
	_ =	swait.ge [sflag:s4], $0x0  }
0x19: {  	s7 =	sld [smem:$0x3F9E]  }
0x1a: {  	s8 =	sadd.s32 $0xFFFFE003, lr  }
0x1b: {  	s9 =	sadd.s32 $0xFFFFFEF7, lr;
	s5 =	simm.s32 $0xFFFFFFFF;
	p2 =	slt.u32 s8, $0xFFFFF086  }
0x1c: {  	p1 =	slt.u32 s9, $0xF7A;
	s5 =	simm.s32 @!p2 $0x0  }
0x1d: {  	s5 =	simm.s32 @p1 $0x1;
	p0 =	seq.s32 s7, s2  }
0x1e: {  	s7 =	smul.u32 @!p0 $0xF7A, s2;
	p2 =	seq.s32 @!p0 s5, $0x0  }
0x1f: {  	s9 =	smul.u32 $0xF7A, s1;
	s8 =	simm.s32 @!p0 $0x1BF5;
	p2 =	por !p2, p0  }
0x20: {  	[sflag:s8] =	ssyncset.s32 @!p0 $0xFFFFF086;
	s6 =	sadd.s32 @!p0 s3, s7;
	s7 =	simm.s32 @!p0 $0x108  }
0x21: {  	s3 =	sadd.s32 s3, s9;
	s6 =	sadd.s32 @!p0 $0x88, s6;
	s7 =	simm.s32 @p2 $0x1082  }
0x22: {  	[simem:s7], [sflag:s8] =	dma.local @!p0 [hbm:s6], $0xF7A  }
0x23: {  	s9 =	sor.u32 $0xD0000000, s2;
	s6 =	simm.s32 $0x108;
	_ =	swait.ge @!p0 [sflag:s8], $0x0  }
0x24: {  	s3 =	sadd.s32 $0x88, s3;
	s6 =	simm.s32 @!p1 $0x1082;
	[sflag:s4] =	ssyncset.s32 $0xFFFFF086  }
0x25: {  	[simem:s6], [sflag:s4] =	dma.local [hbm:s3], $0xF7A  }
0x26: {  	[smem:$0x3F9E] =	sst s1;
	(tag) =	ssettag s2;
	_ =	strace s9  }
0x27: {  	s1 =	sld [smem:$0x3FAE]  }
0x28: {  	s2 =	sld [smem:$0x3FAF]  }
0x29: {  	s4 =	sld [smem:$0x3FB1]  }
0x2a: {  	p0 =	seq.s32 s5, $0x0;
	s5 =	sld [smem:$0x3FB2]  }
0x2b: {  	s6 =	sld [smem:$0x3FB3]  }
0x2c: {  	s7 =	sld [smem:$0x3FB4]  }
0x2d: {  	s3 =	simm.s32 $0x108;
	s8 =	sld [smem:$0x3FB5]  }
0x2e: {  	s3 =	simm.s32 @!p0 $0x1082;
	s9 =	sld [smem:$0x3FB6]  }
0x2f: {  	lr =	sadd.s32 s0, s3;
	s0 =	sld [smem:$0x3FAD]  }
0x30: {  	s3 =	sld [smem:$0x3FB0]  }
0x31: {  	[smem:$0x3FB9] =	sst s10  }
0x32: {  	s10 =	sld [smem:$0x3FB7];
	_ =	sdelay $0x3  }
0x33: {  	p0 =	seq.s32 s10, $0x1;
	s10 =	sld [smem:$0x3FB9];
	_ =	sdelay $0x3  }
0x34: {  	[smem:$0x3FB9] =	sst s10  }
0x35: {  	s10 =	sld [smem:$0x3FB8];
	_ =	sdelay $0x3  }
0x36: {  	p1 =	seq.s32 s10, $0x1;
	s10 =	sld [smem:$0x3FB9];
	_ =	sdelay $0x3  }
0x37: {  	[smem:$0x3FB9] =	sst s10  }
0x38: {  	s10 =	sld [smem:$0x3FBA]  }
0x39: {  	_ = 	snop;
	(pc) =	sbr.ind lr, $3  }
0x3a: {  	_ = 	snop  }
0x3b: {  	_ = 	snop  }
0x3c: {  	p2 =	seq.s32 s10, $0x1;
	s10 =	sld [smem:$0x3FB9]  }
0x3d: {  	_ =	shalt  }
0x3e: {  	_ =	shalt  }
0x3f: {  	_ =	shalt  }
0x40: {  	_ =	shalt  }
0x41: {  	_ =	shalt  }
0x42: {  	_ =	shalt  }
0x43: {  	_ =	shalt  }
0x44: {  	_ =	shalt  }
0x45: {  	_ =	shalt  }
0x46: {  	_ =	shalt  }
0x47: {  	_ =	shalt  }
0x48: {  	_ =	shalt  }
0x49: {  	_ =	shalt  }
0x4a: {  	_ =	shalt  }
0x4b: {  	_ =	shalt  }
0x4c: {  	_ =	shalt  }
0x4d: {  	_ =	shalt  }
0x4e: {  	_ =	shalt  }
0x4f: {  	_ =	shalt  }
0x50: {  	_ =	shalt  }
0x51: {  	_ =	shalt  }
0x52: {  	_ =	shalt  }
0x53: {  	_ =	shalt  }
0x54: {  	_ =	shalt  }
0x55: {  	_ =	shalt  }
0x56: {  	_ =	shalt  }
0x57: {  	_ =	shalt  }
0x58: {  	_ =	shalt  }
0x59: {  	_ =	shalt  }
0x5a: {  	_ =	shalt  }
0x5b: {  	_ =	shalt  }
0x5c: {  	_ =	shalt  }
0x5d: {  	_ =	shalt  }
0x5e: {  	_ =	shalt  }
0x5f: {  	_ =	shalt  }
0x60: {  	_ =	shalt  }
0x61: {  	_ =	shalt  }
0x62: {  	_ =	shalt  }
0x63: {  	_ =	shalt  }
0x64: {  	_ =	shalt  }
0x65: {  	_ =	shalt  }
0x66: {  	_ =	shalt  }
0x67: {  	_ =	shalt  }
0x68: {  	_ =	shalt  }
0x69: {  	_ =	shalt  }
0x6a: {  	_ =	shalt  }
0x6b: {  	_ =	shalt  }
0x6c: {  	_ =	shalt  }
0x6d: {  	_ =	shalt  }
0x6e: {  	_ =	shalt  }
0x6f: {  	_ =	shalt  }
0x70: {  	_ =	shalt  }
0x71: {  	_ =	shalt  }
0x72: {  	_ =	shalt  }
0x73: {  	_ =	shalt  }
0x74: {  	_ =	shalt  }
0x75: {  	_ =	shalt  }
0x76: {  	_ =	shalt  }
0x77: {  	_ =	shalt  }
0x78: {  	_ =	shalt  }
0x79: {  	_ =	shalt  }
0x7a: {  	_ =	shalt  }
0x7b: {  	_ =	shalt  }
0x7c: {  	_ =	shalt  }
0x7d: {  	_ =	shalt  }
0x7e: {  	_ =	shalt  }
0x7f: {  	_ =	shalt  }
0x80: {  	_ =	shalt  }
0x81: {  	_ =	shalt  }
0x82: {  	_ =	shalt  }
0x83: {  	_ =	shalt  }
0x84: {  	_ =	shalt  }
0x85: {  	_ =	shalt  }
0x86: {  	_ =	shalt  }
0x87: {  	_ =	shalt  }
.Lfunc_end0:
.L_simem_size_0:
called_computation_lowered:
.L_overlay_start_0:
0x88: {  	s2 =	sld [smem:$0x3FD9]  }
0x89: {  	s3 =	sld [smem:$0x3FFE];
	_ =	sdelay $0x1  }
0x8a: {  	s1 =	srdreg.scid  }
0x8b: {  	s0 =	sand.u32 $0x1, s1  }
0x8c: {  	s14 =	sshll.u32 s0, $0xA;
	s2 =	sadd.s32 s3, s2  }
0x8d: {  	s2 =	sadd.s32 s2, s14  }
0x8e: {  	[smem:$0x3FC5] =	sst s2  }
0x8f: {  	_ = 	snop  }
0x90: {  	s2 =	sld [smem:$0x3FD0];
	_ =	sdelay $0x1  }
0x91: {  	s15 =	sld [smem:$0x3FC9]  }
0x92: {  	s5 =	simm.s32 $0xA;
	s6 =	simm.s32 $0x10;
	s4 =	sld [smem:$0x3FC8]  }
0x93: {  	[smem:s6], [sflag:s5] =	dma.local [hbm:s2], $0x1  }
0x94: {  	_ =	swait.eq [sflag:s5], $0x1  }
0x95: {  	[sflag:s5] =	ssyncset.done $0x0  }
0x96: {  	s16 =	sld [smem:$0x10];
	[sflag:s5] =	ssyncadd.s32 $0xFFFFFFFF  }
0x97: {  	s17 =	sld [smem:$0x11];
	(tm) =	ssettm $0x1  }
0x98: {  	s18 =	sld [smem:$0x3FFB];
	_ =	sdelay $0x3  }
0x99: {  	_ =	strace s18  }
0x9a: {  	s6 =	sld [smem:$0x3FFC];
	_ =	sdelay $0x3  }
0x9b: {  	_ =	strace s6  }
0x9c: {  	s6 =	sld [smem:$0x3FFD];
	_ =	sdelay $0x3  }
0x9d: {  	_ =	strace s6  }
0x9e: {  	_ =	strace $0x8FFFFFFF  }
0x9f: {  	s19 =	sld [smem:$0x3FDB];
	_ =	sdelay $0x1  }
0xa0: {  	s7 =	simm.s32 $_scs_section_size  }
0xa1: {  	s8 =	simm.s32 $_size__tile_overlayer_lowered;
	s9 =	simm.s32 $_tile_overlayer_lowered  }
0xa2: {  	s22 =	simm.s32 $0x1BFF;
	s21 =	sshll.u32 s9, $0x1;
	s6 =	sadd.s32 s7, s19  }
0xa3: {  	s10 =	simm.s32 $0x0;
	s20 =	sshll.u32 s8, $0x1;
	s8 =	sadd.s32 s21, s6  }
0xa4: {  	[timem:s10], [sflag:s22] =	dma.local [hbm:s8], s20  }
0xa5: {  	_ =	swait.ge [sflag:s22], s20  }
0xa6: {  	s7 =	ssub.s32 $0x0, s20;
	[sflag:s22] =	ssyncset.done $0x0  }
0xa7: {  	[sflag:s22] =	ssyncadd.s32 s7;
	_ =	sdelay $0x1  }
0xa8: {  	s23 =	simm.s32 $0x1B8B  }
0xa9: {  	_ =	swait.ge [sflag:s23], $0x1  }
0xaa: {  	[sflag:s23] =	ssyncset.done $0x0  }
0xab: {  	s25 =	simm.s32 $0x1B8E;
	s24 =	sld [smem:$0x3FFE];
	[sflag:s23] =	ssyncadd.s32 $0xFFFFFFFF  }
0xac: {  	s26 =	simm.s32 $execute0_lowered;
	[smem:$0x3FD2] =	sst s25  }
0xad: {  	s8 =	sshll.u32 s26, $0x1;
	_ =	strace $0x80000046;
	[dreg:$0x1] =	wrdreg $0xFFFFFFFF  }
0xae: {  	s28 =	simm.s32 $_size_execute0_lowered;
	s6 =	sadd.s32 s6, s8;
	[dreg:$0x0] =	wrdreg $0x0  }
0xaf: {  	s8 =	sshll.u32 s28, $0x1;
	[dreg:$0x2] =	wrdreg s6  }
0xb0: {  	[dreg:$0x3] =	wrdreg s8  }
0xb1: {  	[dreg:$0x4] =	wrdreg $0xC0  }
0xb2: {  	_ =	task [dreg:s10], $0x5FFFF  }
0xb3: {  	[dreg:$0x1] =	wrdreg $0xFFFFFFFF  }
0xb4: {  	[dreg:$0x0] =	wrdreg $0x60  }
0xb5: {  	[dreg:$0x2] =	wrdreg s15  }
0xb6: {  	[dreg:$0x3] =	wrdreg s4  }
0xb7: {  	[dreg:$0x4] =	wrdreg s24  }
0xb8: {  	[dreg:$0x5] =	wrdreg s16  }
0xb9: {  	[dreg:$0x6] =	wrdreg s17  }
0xba: {  	[dreg:$0x7] =	wrdreg $0x9  }
0xbb: {  	_ =	task.clear_ibuf [dreg:s10], $0x8FFFF;
	_ =	strace $0x90000046  }
0xbc: {  	s29 =	simm.s32 $0x9;
	_ =	strace $0x80000048  }
0xbd: {  	_ =	swait.ge [sflag:s29], $0x1  }
0xbe: {  	[sflag:s29] =	ssyncadd.s32 $0xFFFFFFFF  }
0xbf: {  	_ =	strace $0x90000048  }
0xc0: {  	_ =	sfence  }
0xc1: {  	s30 =	sld [smem:$0x0];
	_ =	sdelay $0x2  }
0xc2: {  	s31 =	sshll.u32 s1, $0xD;
	s1 =	sshrl.u32 s1, $0x2  }
0xc3: {  	s3 =	sand.u32 $0x4000, s31;
	s1 =	sadd.s32 s1, s30  }
0xc4: {  	s0 =	sor.u32 s3, s0;
	s1 =	sshll.u32 s1, $0x11  }
0xc5: {  	s0 =	sor.u32 s1, s0  }
0xc6: {  	s0 =	sadd.s32 $0x8F2B, s0  }
0xc7: {  	[sflag:s0] =	ssyncadd.remote.s32 $0x1  }
0xc8: {  	_ =	sfence.sel $0xFFFF  }
0xc9: {  	[dreg:$0x0] =	wrdreg $0xFFFFFFFF;
	(pc) =	sbr.abs _section_cstart, $3  }
0xca: {  	[dreg:$0x1] =	wrdreg $0xFFFFFFFF  }
0xcb: {  	_ =	task.clear_ibuf [dreg:s10], $0x2FFFF;
	_ =	strace $0x9FFFFFFF  }
0xcc: {  	(tm) =	ssettm $0x7FFFFFFF  }
0xcd: {  	_ =	shalt  }
tec
execute0_lowered:
.L_overlay_start_1:
0x0: {  	(tag) =	ssettag $0x1  }
0x1: {  	s0 =	rddreg [dreg:$0x0]  }
0x2: {  	s1 =	rddreg [dreg:$0x1]  }
0x3: {  	s2 =	rddreg [dreg:$0x2]  }
0x4: {  	s4 =	srdreg.scid;
	s10 =	stileid.u32  }
0x5: {  	s3 =	rddreg [dreg:$0x4];
	s6 =	simm.s32 $0x0;
	s30 =	simm.s32 $0xB  }
0x6: {  	s4 =	sand.u32 $0x1, s4;
	s5 =	sshll.u32 s10, $0x1;
	s26 =	smul.u32 $0xC800, s10  }
0x7: {  	[smem:$0x7FF] =	sst s6;
	s6 =	sadd.s32 $0xF42C00, s2;
	s16 =	smul.u32 $0xC8000, s10  }
0x8: {  	s10 =	simm.s32 $0x6E00;
	s5 =	sor.u32 s4, s5;
	s18 =	smul.u32 $0x64000, s4  }
0x9: {  	s2 =	simm.s32 $0x0;
	s7 =	ssub.s32 $0x2, s4;
	s25 =	smul.u32 $0xA00, s5  }
0xa: {  	_ =	strace $0x80000047;
	s8 =	smul.u32 $0x6400, s5;
	s9 =	sshrl.u32 s7, $0x1  }
0xb: {  	s22 =	ssub.s32 s7, s9;
	s11 =	sor.u32 $0x100, s25;
	[dreg:$0x17] =	wrdreg s25  }
0xc: {  	s7 =	smul.u32 $0x6400, s4;
	s12 =	sadd.s32 $0x200, s25;
	[dreg:$0x1c] =	wrdreg s11  }
0xd: {  	s9 =	simm.s32 $0xCE00;
	s13 =	sadd.s32 $0x300, s25;
	[dreg:$0x1d] =	wrdreg s12  }
0xe: {  	s23 =	sshrl.u32 s8, $0x3;
	s14 =	smax.u32 s22, $0x1;
	[dreg:$0x1b] =	wrdreg s13  }
0xf: {  	s24 =	sshrl.u32 s25, $0x3;
	s8 =	sor.u32 $0x80, s25;
	[dreg:$0x8] =	wrdreg s14  }
0x10: {  	s28 =	sor.u32 $0x180, s25;
	s29 =	sadd.s32 $0x280, s25;
	[dreg:$0x18] =	wrdreg s8  }
0x11: {  	s0 =	sadd.s32 s0, s23;
	s5 =	sadd.s32 s1, s24;
	[dreg:$0x19] =	wrdreg s28  }
0x12: {  	s1 =	sadd.s32 s18, s16;
	s23 =	sadd.s32 $0x380, s25;
	[dreg:$0x1a] =	wrdreg s29  }
0x13: {  	s24 =	sadd.s32 $0x400, s25;
	s11 =	simm.s32 $0x1;
	[dreg:$0x6] =	wrdreg s0  }
0x14: {  	s12 =	simm.s32 $0x40;
	s13 =	simm.s32 $0x2;
	[dreg:$0x7] =	wrdreg s5  }
0x15: {  	s14 =	simm.s32 $0x3;
	s16 =	simm.s32 $0x4;
	[dreg:$0x10] =	wrdreg s1  }
0x16: {  	s18 =	simm.s32 $0x6;
	s0 =	sadd.s32 s7, s26;
	[dreg:$0x13] =	wrdreg s23  }
0x17: {  	[dreg:$0x14] =	wrdreg s24;
	s26 =	sadd.s32 $0x480, s25;
	s0 =	sshll.u32 s0, $0x4  }
0x18: {  	s1 =	simm.s32 $0x80;
	[dreg:$0x15] =	wrdreg s26;
	s15 =	sadd.s32 $0x4800, s0  }
0x19: {  	s5 =	simm.s32 $0xAE00;
	s17 =	sor.u32 $0x3000, s0;
	[dreg:$0x9] =	wrdreg s15  }
0x1a: {  	s23 =	simm.s32 $0x12E00;
	s19 =	sor.u32 $0x2800, s0;
	[dreg:$0xc] =	wrdreg s17  }
0x1b: {  	s24 =	simm.s32 $0x18E00;
	s20 =	sor.u32 $0x2000, s0;
	[dreg:$0xd] =	wrdreg s19  }
0x1c: {  	s26 =	simm.s32 $0x14E00;
	s21 =	sor.u32 $0x1800, s0;
	[dreg:$0xe] =	wrdreg s20  }
0x1d: {  	s7 =	sadd.s32 $0x4000, s0;
	s22 =	sor.u32 $0x1000, s0;
	[dreg:$0xf] =	wrdreg s21  }
0x1e: {  	s31 =	sor.u32 $0x3800, s0;
	s0 =	sor.u32 $0x800, s0;
	[dreg:$0x11] =	wrdreg s22  }
0x1f: {  	[dreg:$0x12] =	wrdreg s0;
	s15 =	simm.s32 $0xEE00;
	s17 =	simm.s32 $0x5  }
0x20: {  	s19 =	simm.s32 $0x7;
	s20 =	simm.s32 $0x8;
	[dreg:$0xa] =	wrdreg s7  }
0x21: {  	s21 =	simm.s32 $0x9;
	s22 =	simm.s32 $0xA;
	[dreg:$0xb] =	wrdreg s31  }
.LBB2_1:
0x22: {  	[dreg:$0x16] =	wrdreg s2  }
0x23: {  	s0 =	simm.s32 $0x0;
	s8 =	rddreg [dreg:$0x6]  }
0x24: {  	[tilespmem:s0], [sflag:$0xB] =	stream.linear.gather [hbm4b:s8+s0], $0x6400, $0x38;
	[tilespmem:$0x1AE00] =	vst v63  }
0x25: {  	_ =	swait.ge [sflag:s30], $0x6400  }
0x26: {  	[sflag:s30] =	ssyncset.done $0x0  }
0x27: {  	s4 =	simm.s32 $0x6400;
	s25 =	rddreg [dreg:$0x7];
	[sflag:s30] =	ssyncadd.s32 $0xFFFF9C00  }
0x28: {  	[tilespmem:s4], [sflag:$0xB] =	stream.linear.gather [hbm4b:s25+s0], $0xA00, $0x38;
	[tilespmem:$0x1AE00] =	vst v63  }
0x29: {  	_ =	swait.ge [sflag:s30], $0xA00  }
0x2a: {  	[sflag:s30] =	ssyncset.done $0x0  }
0x2b: {  	[sflag:s30] =	ssyncadd.s32 $0xFFFFF600  }
0x2c: {  	[tilespmem:s10], [sflag:$0x1] =	stream.indirect.gather [hbm4b:s6+s1], $0x40, s0, s1, $0xb8;
	[tilespmem:$0x1AE00] =	vst v63  }
0x2d: {  	s2 =	simm.s32 $0x8E00  }
0x2e: {  	[tilespmem:s2], [sflag:$0x2] =	stream.indirect.gather [hbm4b:s6+s1], $0x40, s1, s1, $0xb8;
	[tilespmem:$0x1AE00] =	vst v63  }
0x2f: {  	s8 =	simm.s32 $0x100  }
0x30: {  	[tilespmem:s5], [sflag:$0x3] =	stream.indirect.gather [hbm4b:s6+s1], $0x40, s8, s1, $0xb8;
	[tilespmem:$0x1AE00] =	vst v63  }
0x31: {  	s25 =	simm.s32 $0x180  }
0x32: {  	[tilespmem:s9], [sflag:$0x4] =	stream.indirect.gather [hbm4b:s6+s1], $0x40, s25, s1, $0xb8;
	[tilespmem:$0x1AE00] =	vst v63  }
0x33: {  	s4 =	simm.s32 $0x200  }
0x34: {  	[tilespmem:s15], [sflag:$0x5] =	stream.indirect.gather [hbm4b:s6+s1], $0x40, s4, s1, $0xb8;
	[tilespmem:$0x1AE00] =	vst v63  }
0x35: {  	s8 =	simm.s32 $0x280;
	s4 =	simm.s32 $0x10E00  }
0x36: {  	[tilespmem:s4], [sflag:$0x6] =	stream.indirect.gather [hbm4b:s6+s1], $0x40, s8, s1, $0xb8;
	[tilespmem:$0x1AE00] =	vst v63  }
0x37: {  	s25 =	simm.s32 $0x300  }
0x38: {  	[tilespmem:s23], [sflag:$0x7] =	stream.indirect.gather [hbm4b:s6+s1], $0x40, s25, s1, $0xb8;
	[tilespmem:$0x1AE00] =	vst v63  }
0x39: {  	s28 =	simm.s32 $0x16E00;
	s8 =	simm.s32 $0x380  }
0x3a: {  	[tilespmem:s26], [sflag:$0x8] =	stream.indirect.gather [hbm4b:s6+s1], $0x40, s8, s1, $0xb8;
	[tilespmem:$0x1AE00] =	vst v63  }
0x3b: {  	s29 =	simm.s32 $0x14E00;
	s23 =	simm.s32 $0x400;
	s25 =	simm.s32 $0x16E00  }
0x3c: {  	[tilespmem:s25], [sflag:$0x9] =	stream.indirect.gather [hbm4b:s6+s1], $0x40, s23, s1, $0xb8;
	[tilespmem:$0x1AE00] =	vst v63  }
0x3d: {  	s26 =	simm.s32 $0x480;
	s8 =	simm.s32 $0x12E00;
	s23 =	rddreg [dreg:$0x3]  }
0x3e: {  	[tilespmem:s24], [sflag:$0xA] =	stream.indirect.gather [hbm4b:s6+s1], $0x40, s26, s1, $0xb8;
	[tilespmem:$0x1AE00] =	vst v63  }
0x3f: {  	s25 =	simm.s32 $0x18E00;
	s24 =	simm.s32 $0x0;
	s26 =	rddreg [dreg:$0xc]  }
.LBB2_2:
0x40: {  	_ =	swait.ge [sflag:s11], $0x2000  }
0x41: {  	[sflag:s11] =	ssyncset.done $0x0;
	s0 =	rddreg [dreg:$0x10]  }
0x42: {  	[sflag:s11] =	ssyncadd.s32 $0xFFFFE000;
	s0 =	sadd.s32 s23, s0  }
0x43: {  	[hbm4b:s0+s12] =	stream.strided.scatter [tilespmem:s10], [sflag:$0xB], $0x2000, s1, s12, $0x38;
	[tilespmem:$0x1AE00] =	vst v63  }
0x44: {  	_ =	swait.ge [sflag:s30], $0x2000  }
0x45: {  	[sflag:s30] =	ssyncset.done $0x0  }
0x46: {  	[sflag:s30] =	ssyncadd.s32 $0xFFFFE000  }
0x47: {  	_ =	swait.ge [sflag:s13], $0x2000  }
0x48: {  	[sflag:s13] =	ssyncset.done $0x0;
	s11 =	rddreg [dreg:$0x12]  }
0x49: {  	[sflag:s13] =	ssyncadd.s32 $0xFFFFE000;
	s0 =	sadd.s32 s23, s11  }
0x4a: {  	[hbm4b:s0+s12] =	stream.strided.scatter [tilespmem:s2], [sflag:$0xB], $0x2000, s1, s12, $0x38;
	[tilespmem:$0x1AE00] =	vst v63  }
0x4b: {  	_ =	swait.ge [sflag:s30], $0x2000  }
0x4c: {  	[sflag:s30] =	ssyncset.done $0x0  }
0x4d: {  	[sflag:s30] =	ssyncadd.s32 $0xFFFFE000  }
0x4e: {  	_ =	swait.ge [sflag:s14], $0x2000  }
0x4f: {  	[sflag:s14] =	ssyncset.done $0x0;
	s2 =	rddreg [dreg:$0x11]  }
0x50: {  	[sflag:s14] =	ssyncadd.s32 $0xFFFFE000;
	s0 =	sadd.s32 s23, s2  }
0x51: {  	[hbm4b:s0+s12] =	stream.strided.scatter [tilespmem:s5], [sflag:$0xB], $0x2000, s1, s12, $0x38;
	[tilespmem:$0x1AE00] =	vst v63  }
0x52: {  	_ =	swait.ge [sflag:s30], $0x2000  }
0x53: {  	[sflag:s30] =	ssyncset.done $0x0  }
0x54: {  	[sflag:s30] =	ssyncadd.s32 $0xFFFFE000  }
0x55: {  	_ =	swait.ge [sflag:s16], $0x2000  }
0x56: {  	[sflag:s16] =	ssyncset.done $0x0;
	s5 =	rddreg [dreg:$0xf]  }
0x57: {  	[sflag:s16] =	ssyncadd.s32 $0xFFFFE000;
	s0 =	sadd.s32 s23, s5  }
0x58: {  	[hbm4b:s0+s12] =	stream.strided.scatter [tilespmem:s9], [sflag:$0xB], $0x2000, s1, s12, $0x38;
	[tilespmem:$0x1AE00] =	vst v63  }
0x59: {  	_ =	swait.ge [sflag:s30], $0x2000  }
0x5a: {  	[sflag:s30] =	ssyncset.done $0x0  }
0x5b: {  	[sflag:s30] =	ssyncadd.s32 $0xFFFFE000  }
0x5c: {  	_ =	swait.ge [sflag:s17], $0x2000  }
0x5d: {  	[sflag:s17] =	ssyncset.done $0x0;
	s11 =	rddreg [dreg:$0xe]  }
0x5e: {  	[sflag:s17] =	ssyncadd.s32 $0xFFFFE000;
	s0 =	sadd.s32 s23, s11  }
0x5f: {  	[hbm4b:s0+s12] =	stream.strided.scatter [tilespmem:s15], [sflag:$0xB], $0x2000, s1, s12, $0x38;
	[tilespmem:$0x1AE00] =	vst v63  }
0x60: {  	_ =	swait.ge [sflag:s30], $0x2000  }
0x61: {  	[sflag:s30] =	ssyncset.done $0x0  }
0x62: {  	[sflag:s30] =	ssyncadd.s32 $0xFFFFE000  }
0x63: {  	_ =	swait.ge [sflag:s18], $0x2000  }
0x64: {  	[sflag:s18] =	ssyncset.done $0x0;
	s2 =	rddreg [dreg:$0xd]  }
0x65: {  	[sflag:s18] =	ssyncadd.s32 $0xFFFFE000;
	s0 =	sadd.s32 s23, s2  }
0x66: {  	[hbm4b:s0+s12] =	stream.strided.scatter [tilespmem:s4], [sflag:$0xB], $0x2000, s1, s12, $0x38;
	[tilespmem:$0x1AE00] =	vst v63  }
0x67: {  	_ =	swait.ge [sflag:s30], $0x2000  }
0x68: {  	[sflag:s30] =	ssyncset.done $0x0  }
0x69: {  	[sflag:s30] =	ssyncadd.s32 $0xFFFFE000  }
0x6a: {  	_ =	swait.ge [sflag:s19], $0x2000  }
0x6b: {  	[sflag:s19] =	ssyncset.done $0x0  }
0x6c: {  	s5 =	sadd.s32 s23, s26;
	[sflag:s19] =	ssyncadd.s32 $0xFFFFE000  }
0x6d: {  	[hbm4b:s5+s12] =	stream.strided.scatter [tilespmem:s8], [sflag:$0xB], $0x2000, s1, s12, $0x38;
	[tilespmem:$0x1AE00] =	vst v63  }
0x6e: {  	_ =	swait.ge [sflag:s30], $0x2000  }
0x6f: {  	[sflag:s30] =	ssyncset.done $0x0  }
0x70: {  	[sflag:s30] =	ssyncadd.s32 $0xFFFFE000  }
0x71: {  	_ =	swait.ge [sflag:s20], $0x2000  }
0x72: {  	[sflag:s20] =	ssyncset.done $0x0  }
0x73: {  	s9 =	sadd.s32 s23, s31;
	[sflag:s20] =	ssyncadd.s32 $0xFFFFE000  }
0x74: {  	[hbm4b:s9+s12] =	stream.strided.scatter [tilespmem:s29], [sflag:$0xB], $0x2000, s1, s12, $0x38;
	[tilespmem:$0x1AE00] =	vst v63  }
0x75: {  	_ =	swait.ge [sflag:s30], $0x2000  }
0x76: {  	[sflag:s30] =	ssyncset.done $0x0  }
0x77: {  	[sflag:s30] =	ssyncadd.s32 $0xFFFFE000  }
0x78: {  	_ =	swait.ge [sflag:s21], $0x2000  }
0x79: {  	[sflag:s21] =	ssyncset.done $0x0  }
0x7a: {  	s11 =	sadd.s32 s23, s7;
	[sflag:s21] =	ssyncadd.s32 $0xFFFFE000  }
0x7b: {  	[hbm4b:s11+s12] =	stream.strided.scatter [tilespmem:s28], [sflag:$0xB], $0x2000, s1, s12, $0x38;
	[tilespmem:$0x1AE00] =	vst v63  }
0x7c: {  	_ =	swait.ge [sflag:s30], $0x2000  }
0x7d: {  	[sflag:s30] =	ssyncset.done $0x0  }
0x7e: {  	[sflag:s30] =	ssyncadd.s32 $0xFFFFE000  }
0x7f: {  	_ =	swait.ge [sflag:s22], $0x2000  }
0x80: {  	p0 =	seq.s32 s24, $0x17C00;
	[sflag:s22] =	ssyncset.done $0x0;
	s15 =	rddreg [dreg:$0x9]  }
.Ltmp0:
0x81: {  	[sflag:s22] =	ssyncadd.s32 $0xFFFFE000;
	s0 =	sadd.s32 s23, s15;
	(pc) =	sbr.rel @p0 .LBB2_3-.Ltmp0, $4  }
0x82: {  	[hbm4b:s0+s12] =	stream.strided.scatter [tilespmem:s25], [sflag:$0xB], $0x2000, s1, s12, $0x38;
	[tilespmem:$0x1AE00] =	vst v63  }
0x83: {  	s4 =	simm.s32 $0xEE00;
	_ =	swait.ge [sflag:s30], $0x2000  }
0x84: {  	s5 =	simm.s32 $0xAE00;
	s9 =	simm.s32 $0xCE00;
	[sflag:s30] =	ssyncset.done $0x0  }
0x85: {  	s11 =	simm.s32 $0x10E00;
	s15 =	simm.s32 $0x8E00;
	[sflag:s30] =	ssyncadd.s32 $0xFFFFE000  }
0x86: {  	s0 =	sshra.s32 s24, $0x2  }
0x87: {  	s2 =	sadd.s32 $0x500, s0  }
0x88: {  	[tilespmem:s10], [sflag:$0x1] =	stream.indirect.gather [hbm4b:s6+s1], $0x40, s2, s1, $0xb8;
	[tilespmem:$0x1AE00] =	vst v63  }
0x89: {  	s2 =	sadd.s32 $0x580, s0  }
0x8a: {  	[tilespmem:s15], [sflag:$0x2] =	stream.indirect.gather [hbm4b:s6+s1], $0x40, s2, s1, $0xb8;
	[tilespmem:$0x1AE00] =	vst v63  }
0x8b: {  	s15 =	sadd.s32 $0x600, s0  }
0x8c: {  	[tilespmem:s5], [sflag:$0x3] =	stream.indirect.gather [hbm4b:s6+s1], $0x40, s15, s1, $0xb8;
	[tilespmem:$0x1AE00] =	vst v63  }
0x8d: {  	s5 =	sadd.s32 $0x680, s0  }
0x8e: {  	[tilespmem:s9], [sflag:$0x4] =	stream.indirect.gather [hbm4b:s6+s1], $0x40, s5, s1, $0xb8;
	[tilespmem:$0x1AE00] =	vst v63  }
0x8f: {  	s15 =	sadd.s32 $0x700, s0  }
0x90: {  	[tilespmem:s4], [sflag:$0x5] =	stream.indirect.gather [hbm4b:s6+s1], $0x40, s15, s1, $0xb8;
	[tilespmem:$0x1AE00] =	vst v63  }
0x91: {  	s5 =	sadd.s32 $0x780, s0  }
0x92: {  	[tilespmem:s11], [sflag:$0x6] =	stream.indirect.gather [hbm4b:s6+s1], $0x40, s5, s1, $0xb8;
	[tilespmem:$0x1AE00] =	vst v63  }
0x93: {  	s9 =	sadd.s32 $0x800, s0  }
0x94: {  	[tilespmem:s8], [sflag:$0x7] =	stream.indirect.gather [hbm4b:s6+s1], $0x40, s9, s1, $0xb8;
	[tilespmem:$0x1AE00] =	vst v63  }
0x95: {  	s24 =	sadd.s32 $0x1400, s24;
	s23 =	sadd.s32 $0x5000, s23;
	s11 =	sadd.s32 $0x880, s0  }
0x96: {  	[tilespmem:s29], [sflag:$0x8] =	stream.indirect.gather [hbm4b:s6+s1], $0x40, s11, s1, $0xb8;
	[tilespmem:$0x1AE00] =	vst v63  }
.Ltmp1:
0x97: {  	s2 =	simm.s32 $0x8E00;
	s15 =	sadd.s32 $0x900, s0;
	(pc) =	sbr.rel .LBB2_2-.Ltmp1, $4  }
0x98: {  	s4 =	simm.s32 $0x10E00;
	s0 =	sadd.s32 $0x980, s0;
	s5 =	simm.s32 $0xAE00  }
0x99: {  	[tilespmem:s28], [sflag:$0x9] =	stream.indirect.gather [hbm4b:s6+s1], $0x40, s15, s1, $0xb8;
	[tilespmem:$0x1AE00] =	vst v63  }
0x9a: {  	s9 =	simm.s32 $0xCE00;
	s11 =	simm.s32 $0x1;
	s15 =	simm.s32 $0xEE00  }
0x9b: {  	[tilespmem:s25], [sflag:$0xA] =	stream.indirect.gather [hbm4b:s6+s1], $0x40, s0, s1, $0xb8;
	[tilespmem:$0x1AE00] =	vst v63  }
.LBB2_3:
0x9c: {  	s23 =	simm.s32 $0x0  }
0x9d: {  	p0 =	por $0x0, $0x0;
	s24 =	simm.s32 $0x6880;
	s25 =	simm.s32 $0x6800  }
0x9e: {  	s26 =	simm.s32 $0x6780;
	s28 =	simm.s32 $0x6700;
	s29 =	simm.s32 $0x6680  }
0x9f: {  	s0 =	simm.s32 $0x6600;
	s2 =	simm.s32 $0x6580;
	s31 =	simm.s32 $0x6500  }
0xa0: {  	s7 =	simm.s32 $0x6480;
	s8 =	simm.s32 $0x6400;
	s10 =	simm.s32 $0x1  }
.LBB2_4:
0xa1: {  	s13 =	simm.s32 $0x6E00  }
0xa2: {  	[tilespmem:s13], [sflag:$0x1] =	stream.indirect.gather [hbm4b:s6+s1], $0x40, s8, s1, $0xb8;
	[tilespmem:$0x1AE00] =	vst v63  }
0xa3: {  	_ = 	snop  }
0xa4: {  	[tilespmem:s15], [sflag:$0x2] =	stream.indirect.gather [hbm4b:s6+s1], $0x40, s7, s1, $0xb8;
	[tilespmem:$0x1AE00] =	vst v63  }
0xa5: {  	_ = 	snop  }
0xa6: {  	[tilespmem:s5], [sflag:$0x3] =	stream.indirect.gather [hbm4b:s6+s1], $0x40, s31, s1, $0xb8;
	[tilespmem:$0x1AE00] =	vst v63  }
0xa7: {  	_ = 	snop  }
0xa8: {  	[tilespmem:s9], [sflag:$0x4] =	stream.indirect.gather [hbm4b:s6+s1], $0x40, s2, s1, $0xb8;
	[tilespmem:$0x1AE00] =	vst v63  }
0xa9: {  	_ = 	snop  }
0xaa: {  	[tilespmem:s4], [sflag:$0x5] =	stream.indirect.gather [hbm4b:s6+s1], $0x40, s0, s1, $0xb8;
	[tilespmem:$0x1AE00] =	vst v63  }
0xab: {  	_ = 	snop  }
0xac: {  	[tilespmem:s11], [sflag:$0x6] =	stream.indirect.gather [hbm4b:s6+s1], $0x40, s29, s1, $0xb8;
	[tilespmem:$0x1AE00] =	vst v63  }
0xad: {  	s7 =	simm.s32 $0x12E00  }
0xae: {  	[tilespmem:s7], [sflag:$0x7] =	stream.indirect.gather [hbm4b:s6+s1], $0x40, s28, s1, $0xb8;
	[tilespmem:$0x1AE00] =	vst v63  }
0xaf: {  	s28 =	simm.s32 $0x14E00  }
0xb0: {  	[tilespmem:s28], [sflag:$0x8] =	stream.indirect.gather [hbm4b:s6+s1], $0x40, s26, s1, $0xb8;
	[tilespmem:$0x1AE00] =	vst v63  }
0xb1: {  	s2 =	simm.s32 $0x16E00  }
0xb2: {  	[tilespmem:s2], [sflag:$0x9] =	stream.indirect.gather [hbm4b:s6+s1], $0x40, s25, s1, $0xb8;
	[tilespmem:$0x1AE00] =	vst v63  }
0xb3: {  	s8 =	simm.s32 $0x18E00  }
0xb4: {  	[tilespmem:s8], [sflag:$0xA] =	stream.indirect.gather [hbm4b:s6+s1], $0x40, s24, s1, $0xb8;
	[tilespmem:$0x1AE00] =	vst v63  }
0xb5: {  	_ =	swait.ge [sflag:s10], $0x2000  }
0xb6: {  	s26 =	rddreg [dreg:$0x17]  }
0xb7: {  	s0 =	sadd.s32 s26, s23  }
0xb8: {  	[sflag:s10] =	ssyncset.done $0x0;
	s0 =	sshll.u32 s0, $0x4  }
0xb9: {  	[sflag:s10] =	ssyncadd.s32 $0xFFFFE000;
	s0 =	sadd.s32 s3, s0  }
0xba: {  	[hbm4b:s0+s12] =	stream.strided.scatter [tilespmem:s13], [sflag:$0xB], $0x2000, s1, s12, $0x38;
	[tilespmem:$0x1AE00] =	vst v63  }
0xbb: {  	_ =	swait.ge [sflag:s30], $0x2000  }
0xbc: {  	[sflag:s30] =	ssyncset.done $0x0;
	s24 =	rddreg [dreg:$0x18]  }
0xbd: {  	s13 =	simm.s32 $0x2;
	[sflag:s30] =	ssyncadd.s32 $0xFFFFE000;
	s0 =	sadd.s32 s23, s24  }
0xbe: {  	_ =	swait.ge [sflag:s13], $0x2000;
	s0 =	sshll.u32 s0, $0x4  }
0xbf: {  	[sflag:s13] =	ssyncset.done $0x0;
	s0 =	sand.u32 $0x1FFFF800, s0  }
0xc0: {  	[sflag:s13] =	ssyncadd.s32 $0xFFFFE000;
	s0 =	sadd.s32 s3, s0  }
0xc1: {  	[hbm4b:s0+s12] =	stream.strided.scatter [tilespmem:s15], [sflag:$0xB], $0x2000, s1, s12, $0x38;
	[tilespmem:$0x1AE00] =	vst v63  }
0xc2: {  	_ =	swait.ge [sflag:s30], $0x2000  }
0xc3: {  	[sflag:s30] =	ssyncset.done $0x0;
	s25 =	rddreg [dreg:$0x1c]  }
0xc4: {  	[sflag:s30] =	ssyncadd.s32 $0xFFFFE000;
	s0 =	sadd.s32 s23, s25  }
0xc5: {  	_ =	swait.ge [sflag:s14], $0x2000;
	s0 =	sshll.u32 s0, $0x4  }
0xc6: {  	[sflag:s14] =	ssyncset.done $0x0;
	s0 =	sand.u32 $0x1FFFF000, s0  }
0xc7: {  	[sflag:s14] =	ssyncadd.s32 $0xFFFFE000;
	s0 =	sadd.s32 s3, s0  }
0xc8: {  	[hbm4b:s0+s12] =	stream.strided.scatter [tilespmem:s5], [sflag:$0xB], $0x2000, s1, s12, $0x38;
	[tilespmem:$0x1AE00] =	vst v63  }
0xc9: {  	_ =	swait.ge [sflag:s30], $0x2000  }
0xca: {  	[sflag:s30] =	ssyncset.done $0x0;
	s26 =	rddreg [dreg:$0x19]  }
0xcb: {  	[sflag:s30] =	ssyncadd.s32 $0xFFFFE000;
	s0 =	sadd.s32 s23, s26  }
0xcc: {  	_ =	swait.ge [sflag:s16], $0x2000;
	s0 =	sshll.u32 s0, $0x4  }
0xcd: {  	[sflag:s16] =	ssyncset.done $0x0;
	s0 =	sand.u32 $0x1FFFF800, s0  }
0xce: {  	[sflag:s16] =	ssyncadd.s32 $0xFFFFE000;
	s0 =	sadd.s32 s3, s0  }
0xcf: {  	[hbm4b:s0+s12] =	stream.strided.scatter [tilespmem:s9], [sflag:$0xB], $0x2000, s1, s12, $0x38;
	[tilespmem:$0x1AE00] =	vst v63  }
0xd0: {  	_ =	swait.ge [sflag:s30], $0x2000  }
0xd1: {  	[sflag:s30] =	ssyncset.done $0x0;
	s24 =	rddreg [dreg:$0x1d]  }
0xd2: {  	[sflag:s30] =	ssyncadd.s32 $0xFFFFE000;
	s0 =	sadd.s32 s23, s24  }
0xd3: {  	_ =	swait.ge [sflag:s17], $0x2000;
	s0 =	sshll.u32 s0, $0x4  }
0xd4: {  	[sflag:s17] =	ssyncset.done $0x0;
	s0 =	sand.u32 $0x1FFFF000, s0  }
0xd5: {  	[sflag:s17] =	ssyncadd.s32 $0xFFFFE000;
	s0 =	sadd.s32 s3, s0  }
0xd6: {  	[hbm4b:s0+s12] =	stream.strided.scatter [tilespmem:s4], [sflag:$0xB], $0x2000, s1, s12, $0x38;
	[tilespmem:$0x1AE00] =	vst v63  }
0xd7: {  	_ =	swait.ge [sflag:s30], $0x2000  }
0xd8: {  	[sflag:s30] =	ssyncset.done $0x0;
	s25 =	rddreg [dreg:$0x1a]  }
0xd9: {  	[sflag:s30] =	ssyncadd.s32 $0xFFFFE000;
	s0 =	sadd.s32 s23, s25  }
0xda: {  	_ =	swait.ge [sflag:s18], $0x2000;
	s0 =	sshll.u32 s0, $0x4  }
0xdb: {  	[sflag:s18] =	ssyncset.done $0x0;
	s0 =	sand.u32 $0x1FFFF800, s0  }
0xdc: {  	[sflag:s18] =	ssyncadd.s32 $0xFFFFE000;
	s0 =	sadd.s32 s3, s0  }
0xdd: {  	[hbm4b:s0+s12] =	stream.strided.scatter [tilespmem:s11], [sflag:$0xB], $0x2000, s1, s12, $0x38;
	[tilespmem:$0x1AE00] =	vst v63  }
0xde: {  	_ =	swait.ge [sflag:s30], $0x2000  }
0xdf: {  	[sflag:s30] =	ssyncset.done $0x0;
	s26 =	rddreg [dreg:$0x1b]  }
0xe0: {  	[sflag:s30] =	ssyncadd.s32 $0xFFFFE000;
	s0 =	sadd.s32 s23, s26  }
0xe1: {  	_ =	swait.ge [sflag:s19], $0x2000;
	s0 =	sshll.u32 s0, $0x4  }
0xe2: {  	[sflag:s19] =	ssyncset.done $0x0;
	s0 =	sand.u32 $0x1FFFF000, s0  }
0xe3: {  	[sflag:s19] =	ssyncadd.s32 $0xFFFFE000;
	s0 =	sadd.s32 s3, s0  }
0xe4: {  	[hbm4b:s0+s12] =	stream.strided.scatter [tilespmem:s7], [sflag:$0xB], $0x2000, s1, s12, $0x38;
	[tilespmem:$0x1AE00] =	vst v63  }
0xe5: {  	_ =	swait.ge [sflag:s30], $0x2000  }
0xe6: {  	[sflag:s30] =	ssyncset.done $0x0;
	s24 =	rddreg [dreg:$0x13]  }
0xe7: {  	[sflag:s30] =	ssyncadd.s32 $0xFFFFE000;
	s0 =	sadd.s32 s23, s24  }
0xe8: {  	_ =	swait.ge [sflag:s20], $0x2000;
	s0 =	sshll.u32 s0, $0x4  }
0xe9: {  	[sflag:s20] =	ssyncset.done $0x0;
	s0 =	sand.u32 $0x1FFFF800, s0  }
0xea: {  	[sflag:s20] =	ssyncadd.s32 $0xFFFFE000;
	s0 =	sadd.s32 s3, s0  }
0xeb: {  	[hbm4b:s0+s12] =	stream.strided.scatter [tilespmem:s28], [sflag:$0xB], $0x2000, s1, s12, $0x38;
	[tilespmem:$0x1AE00] =	vst v63  }
0xec: {  	_ =	swait.ge [sflag:s30], $0x2000  }
0xed: {  	[sflag:s30] =	ssyncset.done $0x0;
	s25 =	rddreg [dreg:$0x14]  }
0xee: {  	[sflag:s30] =	ssyncadd.s32 $0xFFFFE000;
	s0 =	sadd.s32 s23, s25  }
0xef: {  	_ =	swait.ge [sflag:s21], $0x2000;
	s0 =	sshll.u32 s0, $0x4  }
0xf0: {  	[sflag:s21] =	ssyncset.done $0x0;
	s0 =	sand.u32 $0x1FFFF000, s0  }
0xf1: {  	p1 =	por p0, p0;
	[sflag:s21] =	ssyncadd.s32 $0xFFFFE000;
	s0 =	sadd.s32 s3, s0  }
0xf2: {  	[hbm4b:s0+s12] =	stream.strided.scatter [tilespmem:s2], [sflag:$0xB], $0x2000, s1, s12, $0x38;
	[tilespmem:$0x1AE00] =	vst v63  }
0xf3: {  	p0 =	por $0x1, $0x1;
	s31 =	simm.s32 $0x6A00;
	_ =	swait.ge [sflag:s30], $0x2000  }
0xf4: {  	s29 =	simm.s32 $0x6B80;
	[sflag:s30] =	ssyncset.done $0x0;
	s26 =	rddreg [dreg:$0x15]  }
0xf5: {  	s7 =	simm.s32 $0x6980;
	[sflag:s30] =	ssyncadd.s32 $0xFFFFE000;
	s0 =	sadd.s32 s23, s26  }
0xf6: {  	s24 =	simm.s32 $0x6D80;
	_ =	swait.ge [sflag:s22], $0x2000;
	s0 =	sshll.u32 s0, $0x4  }
0xf7: {  	s28 =	simm.s32 $0x6C00;
	[sflag:s22] =	ssyncset.done $0x0;
	s0 =	sand.u32 $0x1FFFF800, s0  }
.Ltmp2:
0xf8: {  	[sflag:s22] =	ssyncadd.s32 $0xFFFFE000;
	s0 =	sadd.s32 s3, s0;
	(pc) =	sbr.rel @!p1 .LBB2_4-.Ltmp2, $4  }
0xf9: {  	[hbm4b:s0+s12] =	stream.strided.scatter [tilespmem:s8], [sflag:$0xB], $0x2000, s1, s12, $0x38;
	[tilespmem:$0x1AE00] =	vst v63  }
0xfa: {  	s25 =	simm.s32 $0x6D00;
	s2 =	simm.s32 $0x6A80;
	_ =	swait.ge [sflag:s30], $0x2000  }
0xfb: {  	s23 =	simm.s32 $0x500;
	s26 =	simm.s32 $0x6C80;
	[sflag:s30] =	ssyncset.done $0x0  }
0xfc: {  	s0 =	simm.s32 $0x6B00;
	s8 =	simm.s32 $0x6900;
	[sflag:s30] =	ssyncadd.s32 $0xFFFFE000  }
0xfd: {  	s2 =	rddreg [dreg:$0x16]  }
0xfe: {  	s0 =	rddreg [dreg:$0x8];
	s2 =	sadd.s32 $0x1, s2  }
0xff: {  	p0 =	sne.s32 s2, s0  }
.Ltmp3:
0x100: {  	_ = 	snop;
	(pc) =	sbr.rel @p0 .LBB2_1-.Ltmp3, $4  }
0x101: {  	s7 =	rddreg [dreg:$0xa]  }
0x102: {  	s31 =	rddreg [dreg:$0xb];
	s10 =	simm.s32 $0x6E00;
	s5 =	simm.s32 $0xAE00  }
0x103: {  	s9 =	simm.s32 $0xCE00;
	s15 =	simm.s32 $0xEE00;
	s11 =	simm.s32 $0x1  }
0x104: {  	s23 =	simm.s32 $0x12E00;
	s24 =	simm.s32 $0x18E00;
	s26 =	simm.s32 $0x14E00  }
0x105: {  	_ =	sfence.sel $0x180000  }
0x106: {  	[bflag:$0x0] =	sbarrier.arrive $0xFFFF  }
0x107: {  	_ =	strace $0x90000047  }
0x108: {  	s0 =	stileid.u32;
	[bflag:$0x2] =	sbarrier.arrive $0xFFFF  }
0x109: {  	p0 =	sne.s32 s0, $0x0;
	s0 =	rddreg [dreg:$0x5]  }
0x10a: {  	s0 =	sadd.s32 @!p0 $0x100000, s0  }
0x10b: {  	[sflag:s0] =	ssyncadd.tile.s32 @!p0 $0x1;
	_ =	shalt  }
.Lfunc_end2:
_tile_overlayer_lowered:
.L_overlay_start_2:
0x10c: {  	(tag) =	ssettag $0x2  }
0x10d: {  	s0 =	rddreg [dreg:$0x0];
	s2 =	stileid.u32  }
0x10e: {  	s1 =	rddreg [dreg:$0x1];
	p0 =	sne.s32 s2, $0x0  }
0x10f: {  	s3 =	rddreg [dreg:$0x2];
	[bflag:$0x3] =	sbarrier.arrive $0xFFFF;
	s2 =	simm.s32 @!p0 $0x1C0B  }
0x110: {  	[timem:s3], [sflag:s2] =	dma.local @!p0 [hbm:s0], s1  }
0x111: {  	s0 =	simm.s32 @!p0 $0xB  }
0x112: {  	_ =	swait.ge @!p0 [sflag:s0], s1  }
0x113: {  	s1 =	ssub.s32 @!p0 $0x0, s1;
	[sflag:s0] =	ssyncset.done @!p0 $0x0  }
0x114: {  	[sflag:s0] =	ssyncadd.s32 @!p0 s1  }
0x115: {  	[bflag:$0x3] =	sbarrier.arrive $0xFFFF  }
0x116: {  	_ =	shalt  }

</sc_bundles>
